<compile_context>
chip_gen: v7x
topology: tpu7x:2x2x1
jax: 0.10.2.dev20260603
libtpu: 0.0.44.dev20260713+nightly
codegen_flags: <defaults>
</compile_context>

<pallas_src>
import functools

import jax
import jax.numpy as jnp
from jax import lax
from jax.experimental import pallas as pl
from jax.experimental.pallas import tpu as pltpu
from jax.experimental.pallas import tpu_sc as plsc

NUM_EMBEDDINGS = 100000
D = 64
SEQ = 200
B = 4096
NC = 2
NS = 16
NW = NC * NS
BBLK = B // NW
LANES = 16
NB = 5
LOOK = 4
LGRP = 8
NGRP = SEQ // LGRP
TILES = D // 8
PADW = 137


def _emb_body(x_hbm, table_hbm, pos_hbm, out_hbm, pos_v, cidx_v, idx_v,
              r0, r1, r2, r3, r4, o0, o1, o2, o3, o4,
              isem, gs0, gs1, gs2, gs3, gs4, ss0, ss1, ss2, ss3, ss4):
    rows = (r0, r1, r2, r3, r4)
    outs = (o0, o1, o2, o3, o4)
    gsem = (gs0, gs1, gs2, gs3, gs4)
    ssem = (ss0, ss1, ss2, ss3, ss4)

    wid = lax.axis_index("s") * NC + lax.axis_index("c")
    pltpu.sync_copy(pos_hbm, pos_v)

    for c in range(D // LANES):
        d = lax.iota(jnp.int32, LANES) + (LANES * c)
        cidx_v[0, c, :] = d >> 3
        cidx_v[1, c, :] = d & 7

    def issue_idx(g, s):
        pltpu.async_copy(x_hbm.at[g, wid], idx_v.at[s], isem)

    def wait_idx(g, s):
        pltpu.make_async_copy(x_hbm.at[g, wid], idx_v.at[s], isem).wait()

    def issue_gather(l, b):
        pltpu.async_copy(table_hbm.at[idx_v.at[(l // LGRP) % 2, l % LGRP]],
                         rows[b], gsem[b])

    def wait_gather(l, b):
        pltpu.make_async_copy(
            table_hbm.at[idx_v.at[(l // LGRP) % 2, l % LGRP]],
            rows[b], gsem[b]).wait()

    def issue_store(l, b):
        pltpu.async_copy(outs[b].at[:, :, pl.ds(0, BBLK)],
                         out_hbm.at[l, :, wid], ssem[b])

    def wait_store(l, b):
        pltpu.make_async_copy(outs[b].at[:, :, pl.ds(0, BBLK)],
                              out_hbm.at[l, :, wid], ssem[b]).wait()

    def compute(l, b):
        pvecs = [pos_v[l, pl.ds(c * LANES, LANES)] for c in range(D // LANES)]
        tds = [cidx_v[0, c, :] for c in range(D // LANES)]
        dds = [cidx_v[1, c, :] for c in range(D // LANES)]

        @plsc.parallel_loop(0, BBLK, 1, unroll=4)
        def bb_body(bb):
            sb = jnp.broadcast_to(bb, (LANES,))
            for c in range(D // LANES):
                val = rows[b][bb, pl.ds(c * LANES, LANES)] + pvecs[c]
                plsc.store_scatter(outs[b], [tds[c], dds[c], sb], val)

    def stage(l, b):
        wait_gather(l, b)

        @pl.when(jnp.logical_and((l & (LGRP - 1)) == 0,
                                 jnp.logical_and(l > 0, l + LGRP < SEQ)))
        def _():
            g1 = (l >> 3) + 1
            issue_idx(g1, g1 & 1)

        @pl.when(l >= NB)
        def _():
            wait_store(l - NB, b)

        compute(l, b)
        issue_store(l, b)

        @pl.when(jnp.logical_and(l + LOOK < SEQ,
                                 ((l + LOOK) & (LGRP - 1)) == 0))
        def _():
            wait_idx((l + LOOK) >> 3, ((l + LOOK) >> 3) & 1)

        @pl.when(l + LOOK < SEQ)
        def _():
            issue_gather(l + LOOK, (b + LOOK) % NB)

    issue_idx(0, 0)
    wait_idx(0, 0)
    issue_idx(1, 1)
    for j in range(LOOK):
        issue_gather(j, j)

    def quad_body(t, carry):
        for j in range(NB):
            stage(t * NB + j, j)
        return carry
    lax.fori_loop(0, SEQ // NB, quad_body, 0)

    for j in range(NB):
        l = SEQ - NB + j
        wait_store(l, l % NB)


@jax.jit
def _emb(x_r, table, pos_enc):
    mesh = plsc.VectorSubcoreMesh(core_axis_name="c", subcore_axis_name="s")
    f = functools.partial(
        pl.kernel,
        mesh=mesh,
        out_type=jax.ShapeDtypeStruct((SEQ, TILES, NW, 8, BBLK), jnp.float32),
        scratch_types=(
            [pltpu.VMEM((SEQ, D), jnp.float32),
             pltpu.VMEM((2, D // LANES, LANES), jnp.int32),
             pltpu.VMEM((2, LGRP, BBLK), jnp.int32)]
            + [pltpu.VMEM((BBLK, D), jnp.float32) for _ in range(NB)]
            + [pltpu.VMEM((TILES, 8, PADW), jnp.float32) for _ in range(NB)]
            + [pltpu.SemaphoreType.DMA] * (1 + 2 * NB)
        ),
        compiler_params=pltpu.CompilerParams(use_tc_tiling_on_sc=False,
                                             needs_layout_passes=False),
    )(_emb_body)
    return f(x_r, table, pos_enc)


def kernel(x, table, pos_enc):
    x_r = jnp.transpose(x.astype(jnp.int32).reshape(NW, BBLK, SEQ // 8, 8),
                        (2, 0, 3, 1))
    out5 = _emb(x_r, table, pos_enc)
    return out5.transpose(2, 4, 0, 1, 3).reshape(B, SEQ, D)

# --- scband reference (transcript-rebuilt; emitter-appended) ---
"""Pipeline reference for scband-positional-embedding-20770461843466 (READ-ONLY COPY).

The authoritative reference and input builder live on the scoring server;
editing this copy changes nothing except your own understanding.
"""

import jax, jax.numpy as jnp
import numpy as np

NUM_EMBEDDINGS = 100000
EMBEDDING_DIM = 64
SEQ_LENGTH = 200
BATCH = 4096


def _make_positional_encoding(seq_length, embedding_dim):
    position = jnp.arange(seq_length, dtype=jnp.float32)[:, None]
    div = 10000.0 ** (jnp.arange(0, embedding_dim, 2, dtype=jnp.float32) / embedding_dim)
    pe = jnp.zeros((seq_length, embedding_dim), dtype=jnp.float32)
    pe = pe.at[:, 0::2].set(jnp.sin(position / div))
    pe = pe.at[:, 1::2].set(jnp.cos(position / div))
    return pe


def setup_inputs(seed: int = 0) -> dict:
    key = jax.random.key(seed)
    k1, k2 = jax.random.split(key)
    x = jax.random.randint(k1, (BATCH, SEQ_LENGTH), 0, NUM_EMBEDDINGS)
    table = jax.random.normal(k2, (NUM_EMBEDDINGS, EMBEDDING_DIM), dtype=jnp.float32)
    pos_enc = _make_positional_encoding(SEQ_LENGTH, EMBEDDING_DIM)
    return {"x": x, "table": table, "pos_enc": pos_enc}


def reference(x, table, pos_enc):
    # nn.Embedding lookup: gather rows of the table by index
    emb = jnp.take(table, x, axis=0)  # [B, L, D]
    # broadcast-add positional encoding [L, D]
    return emb + pos_enc

if __name__ == "__main__":
    import jax
    _d = setup_inputs()
    print(jax.jit(kernel)(*tuple(_d.values())))

</pallas_src>

<mosaic_0001>
#map = affine_map<(d0, d1) -> (0, 0, 0, 0)>
#map1 = affine_map<(d0, d1) -> (0, 0)>
#map2 = affine_map<(d0, d1) -> (0, 0, 0, 0, 0)>
module attributes {stable_mosaic.version = 14 : i64} {
  func.func @_emb_body(%arg0: i32, %arg1: i32, %arg2: memref<25x32x8x128xi32, #tpu.memory_space<hbm>>, %arg3: memref<100000x64xf32, #tpu.memory_space<hbm>>, %arg4: memref<200x64xf32, #tpu.memory_space<hbm>>, %arg5: memref<200x8x32x8x128xf32, #tpu.memory_space<hbm>>, %arg6: memref<200x64xf32, #tpu.memory_space<vmem>>, %arg7: memref<2x4x16xi32, #tpu.memory_space<vmem>>, %arg8: memref<2x8x128xi32, #tpu.memory_space<vmem>>, %arg9: memref<128x64xf32, #tpu.memory_space<vmem>>, %arg10: memref<128x64xf32, #tpu.memory_space<vmem>>, %arg11: memref<128x64xf32, #tpu.memory_space<vmem>>, %arg12: memref<128x64xf32, #tpu.memory_space<vmem>>, %arg13: memref<128x64xf32, #tpu.memory_space<vmem>>, %arg14: memref<8x8x137xf32, #tpu.memory_space<vmem>>, %arg15: memref<8x8x137xf32, #tpu.memory_space<vmem>>, %arg16: memref<8x8x137xf32, #tpu.memory_space<vmem>>, %arg17: memref<8x8x137xf32, #tpu.memory_space<vmem>>, %arg18: memref<8x8x137xf32, #tpu.memory_space<vmem>>, %arg19: memref<!tpu.dma_semaphore, #tpu.memory_space<semaphore_mem>>, %arg20: memref<!tpu.dma_semaphore, #tpu.memory_space<semaphore_mem>>, %arg21: memref<!tpu.dma_semaphore, #tpu.memory_space<semaphore_mem>>, %arg22: memref<!tpu.dma_semaphore, #tpu.memory_space<semaphore_mem>>, %arg23: memref<!tpu.dma_semaphore, #tpu.memory_space<semaphore_mem>>, %arg24: memref<!tpu.dma_semaphore, #tpu.memory_space<semaphore_mem>>, %arg25: memref<!tpu.dma_semaphore, #tpu.memory_space<semaphore_mem>>, %arg26: memref<!tpu.dma_semaphore, #tpu.memory_space<semaphore_mem>>, %arg27: memref<!tpu.dma_semaphore, #tpu.memory_space<semaphore_mem>>, %arg28: memref<!tpu.dma_semaphore, #tpu.memory_space<semaphore_mem>>, %arg29: memref<!tpu.dma_semaphore, #tpu.memory_space<semaphore_mem>>) attributes {dimension_semantics = [#tpu.dimension_semantics<core_parallel>, #tpu.dimension_semantics<subcore_parallel>], iteration_bounds = array<i64: 2, 16>, scalar_prefetch = 0 : i64, scratch_operands = 24 : i64, tpu.core_type = #tpu.core_type<sc_vector_subcore>, window_params = [{transform_indices = #map}, {transform_indices = #map1}, {transform_indices = #map1}, {transform_indices = #map2}]} {
    %mul3A = arith.constant 2 : i32
    %mul3A_0 = arith.muli %arg1, %mul3A : i32
    %add3A = arith.addi %mul3A_0, %arg0 : i32
    "tpu.region"() ({
      %run_scoped3A = tpu.sem_alloc : memref<!tpu.dma_semaphore, #tpu.memory_space<semaphore_mem>>
      tpu.enqueue_dma source(%arg4 : memref<200x64xf32, #tpu.memory_space<hbm>>) target(%arg6 : memref<200x64xf32, #tpu.memory_space<vmem>>) target_semaphore(%run_scoped3A : memref<!tpu.dma_semaphore, #tpu.memory_space<semaphore_mem>>)
      tpu.wait_dma2 semaphore(%run_scoped3A : memref<!tpu.dma_semaphore, #tpu.memory_space<semaphore_mem>>) src(%arg4 : memref<200x64xf32, #tpu.memory_space<hbm>>) dst(%arg6 : memref<200x64xf32, #tpu.memory_space<vmem>>)
      tpu.yield
    }) : () -> ()
    %iota3A = tpu.iota {dimensions = array<i32: 0>} : vector<16xi32>
    %add3A_1 = arith.constant 0 : i32
    %add3A_2 = vector.broadcast %add3A_1 : i32 to vector<16xi32>
    %add3A_3 = arith.addi %iota3A, %add3A_2 : vector<16xi32>
    %shift_right_arithmetic3A = arith.constant 3 : i32
    %shift_right_arithmetic3A_4 = vector.broadcast %shift_right_arithmetic3A : i32 to vector<16xi32>
    %shift_right_arithmetic3A_5 = arith.shrsi %add3A_3, %shift_right_arithmetic3A_4 : vector<16xi32>
    %swap3A = arith.constant 0 : i32
    %swap3A_6 = arith.constant 0 : i32
    %swap3A_7 = arith.index_cast %swap3A : i32 to index
    %swap3A_8 = arith.index_cast %swap3A_6 : i32 to index
    %swap3A_9 = arith.constant 0 : index
    %swap3A_10 = tpu.vector_load %arg7[%swap3A_7, %swap3A_8, %swap3A_9] {strides = array<i32>} : memref<2x4x16xi32, #tpu.memory_space<vmem>>, vector<16xi32>,
    tpu.vector_store %arg7[%swap3A_7, %swap3A_8, %swap3A_9], %shift_right_arithmetic3A_5 {strides = array<i32>} : memref<2x4x16xi32, #tpu.memory_space<vmem>>, vector<16xi32>,
    %and3A = arith.constant 7 : i32
    %and3A_11 = vector.broadcast %and3A : i32 to vector<16xi32>
    %and3A_12 = arith.andi %add3A_3, %and3A_11 : vector<16xi32>
    %swap3A_13 = arith.constant 1 : i32
    %swap3A_14 = arith.constant 0 : i32
    %swap3A_15 = arith.index_cast %swap3A_13 : i32 to index
    %swap3A_16 = arith.index_cast %swap3A_14 : i32 to index
    %swap3A_17 = arith.constant 0 : index
    %swap3A_18 = tpu.vector_load %arg7[%swap3A_15, %swap3A_16, %swap3A_17] {strides = array<i32>} : memref<2x4x16xi32, #tpu.memory_space<vmem>>, vector<16xi32>,
    tpu.vector_store %arg7[%swap3A_15, %swap3A_16, %swap3A_17], %and3A_12 {strides = array<i32>} : memref<2x4x16xi32, #tpu.memory_space<vmem>>, vector<16xi32>,
    %iota3A_19 = tpu.iota {dimensions = array<i32: 0>} : vector<16xi32>
    %add3A_20 = arith.constant 16 : i32
    %add3A_21 = vector.broadcast %add3A_20 : i32 to vector<16xi32>
    %add3A_22 = arith.addi %iota3A_19, %add3A_21 : vector<16xi32>
    %shift_right_arithmetic3A_23 = arith.constant 3 : i32
    %shift_right_arithmetic3A_24 = vector.broadcast %shift_right_arithmetic3A_23 : i32 to vector<16xi32>
    %shift_right_arithmetic3A_25 = arith.shrsi %add3A_22, %shift_right_arithmetic3A_24 : vector<16xi32>
    %swap3A_26 = arith.constant 0 : i32
    %swap3A_27 = arith.constant 1 : i32
    %swap3A_28 = arith.index_cast %swap3A_26 : i32 to index
    %swap3A_29 = arith.index_cast %swap3A_27 : i32 to index
    %swap3A_30 = arith.constant 0 : index
    %swap3A_31 = tpu.vector_load %arg7[%swap3A_28, %swap3A_29, %swap3A_30] {strides = array<i32>} : memref<2x4x16xi32, #tpu.memory_space<vmem>>, vector<16xi32>,
    tpu.vector_store %arg7[%swap3A_28, %swap3A_29, %swap3A_30], %shift_right_arithmetic3A_25 {strides = array<i32>} : memref<2x4x16xi32, #tpu.memory_space<vmem>>, vector<16xi32>,
    %and3A_32 = arith.constant 7 : i32
    %and3A_33 = vector.broadcast %and3A_32 : i32 to vector<16xi32>
    %and3A_34 = arith.andi %add3A_22, %and3A_33 : vector<16xi32>
    %swap3A_35 = arith.constant 1 : i32
    %swap3A_36 = arith.constant 1 : i32
    %swap3A_37 = arith.index_cast %swap3A_35 : i32 to index
    %swap3A_38 = arith.index_cast %swap3A_36 : i32 to index
    %swap3A_39 = arith.constant 0 : index
    %swap3A_40 = tpu.vector_load %arg7[%swap3A_37, %swap3A_38, %swap3A_39] {strides = array<i32>} : memref<2x4x16xi32, #tpu.memory_space<vmem>>, vector<16xi32>,
    tpu.vector_store %arg7[%swap3A_37, %swap3A_38, %swap3A_39], %and3A_34 {strides = array<i32>} : memref<2x4x16xi32, #tpu.memory_space<vmem>>, vector<16xi32>,
    %iota3A_41 = tpu.iota {dimensions = array<i32: 0>} : vector<16xi32>
    %add3A_42 = arith.constant 32 : i32
    %add3A_43 = vector.broadcast %add3A_42 : i32 to vector<16xi32>
    %add3A_44 = arith.addi %iota3A_41, %add3A_43 : vector<16xi32>
    %shift_right_arithmetic3A_45 = arith.constant 3 : i32
    %shift_right_arithmetic3A_46 = vector.broadcast %shift_right_arithmetic3A_45 : i32 to vector<16xi32>
    %shift_right_arithmetic3A_47 = arith.shrsi %add3A_44, %shift_right_arithmetic3A_46 : vector<16xi32>
    %swap3A_48 = arith.constant 0 : i32
    %swap3A_49 = arith.constant 2 : i32
    %swap3A_50 = arith.index_cast %swap3A_48 : i32 to index
    %swap3A_51 = arith.index_cast %swap3A_49 : i32 to index
    %swap3A_52 = arith.constant 0 : index
    %swap3A_53 = tpu.vector_load %arg7[%swap3A_50, %swap3A_51, %swap3A_52] {strides = array<i32>} : memref<2x4x16xi32, #tpu.memory_space<vmem>>, vector<16xi32>,
    tpu.vector_store %arg7[%swap3A_50, %swap3A_51, %swap3A_52], %shift_right_arithmetic3A_47 {strides = array<i32>} : memref<2x4x16xi32, #tpu.memory_space<vmem>>, vector<16xi32>,
    %and3A_54 = arith.constant 7 : i32
    %and3A_55 = vector.broadcast %and3A_54 : i32 to vector<16xi32>
    %and3A_56 = arith.andi %add3A_44, %and3A_55 : vector<16xi32>
    %swap3A_57 = arith.constant 1 : i32
    %swap3A_58 = arith.constant 2 : i32
    %swap3A_59 = arith.index_cast %swap3A_57 : i32 to index
    %swap3A_60 = arith.index_cast %swap3A_58 : i32 to index
    %swap3A_61 = arith.constant 0 : index
    %swap3A_62 = tpu.vector_load %arg7[%swap3A_59, %swap3A_60, %swap3A_61] {strides = array<i32>} : memref<2x4x16xi32, #tpu.memory_space<vmem>>, vector<16xi32>,
    tpu.vector_store %arg7[%swap3A_59, %swap3A_60, %swap3A_61], %and3A_56 {strides = array<i32>} : memref<2x4x16xi32, #tpu.memory_space<vmem>>, vector<16xi32>,
    %iota3A_63 = tpu.iota {dimensions = array<i32: 0>} : vector<16xi32>
    %add3A_64 = arith.constant 48 : i32
    %add3A_65 = vector.broadcast %add3A_64 : i32 to vector<16xi32>
    %add3A_66 = arith.addi %iota3A_63, %add3A_65 : vector<16xi32>
    %shift_right_arithmetic3A_67 = arith.constant 3 : i32
    %shift_right_arithmetic3A_68 = vector.broadcast %shift_right_arithmetic3A_67 : i32 to vector<16xi32>
    %shift_right_arithmetic3A_69 = arith.shrsi %add3A_66, %shift_right_arithmetic3A_68 : vector<16xi32>
    %swap3A_70 = arith.constant 0 : i32
    %swap3A_71 = arith.constant 3 : i32
    %swap3A_72 = arith.index_cast %swap3A_70 : i32 to index
    %swap3A_73 = arith.index_cast %swap3A_71 : i32 to index
    %swap3A_74 = arith.constant 0 : index
    %swap3A_75 = tpu.vector_load %arg7[%swap3A_72, %swap3A_73, %swap3A_74] {strides = array<i32>} : memref<2x4x16xi32, #tpu.memory_space<vmem>>, vector<16xi32>,
    tpu.vector_store %arg7[%swap3A_72, %swap3A_73, %swap3A_74], %shift_right_arithmetic3A_69 {strides = array<i32>} : memref<2x4x16xi32, #tpu.memory_space<vmem>>, vector<16xi32>,
    %and3A_76 = arith.constant 7 : i32
    %and3A_77 = vector.broadcast %and3A_76 : i32 to vector<16xi32>
    %and3A_78 = arith.andi %add3A_66, %and3A_77 : vector<16xi32>
    %swap3A_79 = arith.constant 1 : i32
    %swap3A_80 = arith.constant 3 : i32
    %swap3A_81 = arith.index_cast %swap3A_79 : i32 to index
    %swap3A_82 = arith.index_cast %swap3A_80 : i32 to index
    %swap3A_83 = arith.constant 0 : index
    %swap3A_84 = tpu.vector_load %arg7[%swap3A_81, %swap3A_82, %swap3A_83] {strides = array<i32>} : memref<2x4x16xi32, #tpu.memory_space<vmem>>, vector<16xi32>,
    tpu.vector_store %arg7[%swap3A_81, %swap3A_82, %swap3A_83], %and3A_78 {strides = array<i32>} : memref<2x4x16xi32, #tpu.memory_space<vmem>>, vector<16xi32>,
    %dma_start3A = arith.constant 0 : i32
    %dma_start3A_85 = arith.constant 0 : i32
    %dma_start3A_86 = arith.constant 0 : i32
    %dma_start3A_87 = arith.constant 0 : i32
    %dma_start3A_88 = tpu.memref_slice %arg8[%dma_start3A_85, %dma_start3A_86, %dma_start3A_87] : memref<2x8x128xi32, #tpu.memory_space<vmem>> -> memref<1x8x128xi32, #tpu.memory_space<vmem>>
    %dma_start3A_89 = tpu.memref_squeeze %dma_start3A_88 : memref<1x8x128xi32, #tpu.memory_space<vmem>> -> memref<8x128xi32, #tpu.memory_space<vmem>>
    %dma_start3A_90 = arith.constant 0 : i32
    %dma_start3A_91 = arith.constant 0 : i32
    %dma_start3A_92 = tpu.memref_slice %arg2[%dma_start3A, %add3A, %dma_start3A_90, %dma_start3A_91] : memref<25x32x8x128xi32, #tpu.memory_space<hbm>> -> memref<1x1x8x128xi32, #tpu.memory_space<hbm>>
    %dma_start3A_93 = tpu.memref_squeeze %dma_start3A_92 : memref<1x1x8x128xi32, #tpu.memory_space<hbm>> -> memref<8x128xi32, #tpu.memory_space<hbm>>
    %dma_start3A_94 = arith.constant 0 : i32
    %dma_start3A_95 = arith.constant 0 : i32
    %dma_start3A_96 = tpu.memref_slice %arg8[%dma_start3A_85, %dma_start3A_94, %dma_start3A_95] : memref<2x8x128xi32, #tpu.memory_space<vmem>> -> memref<1x8x128xi32, #tpu.memory_space<vmem>>
    %dma_start3A_97 = tpu.memref_squeeze %dma_start3A_96 : memref<1x8x128xi32, #tpu.memory_space<vmem>> -> memref<8x128xi32, #tpu.memory_space<vmem>>
    %dma_start3A_98 = arith.constant 0 : i32
    %dma_start3A_99 = arith.constant 0 : i32
    %dma_start3A_100 = tpu.memref_slice %arg2[%dma_start3A, %add3A, %dma_start3A_98, %dma_start3A_99] : memref<25x32x8x128xi32, #tpu.memory_space<hbm>> -> memref<1x1x8x128xi32, #tpu.memory_space<hbm>>
    %dma_start3A_101 = tpu.memref_squeeze %dma_start3A_100 : memref<1x1x8x128xi32, #tpu.memory_space<hbm>> -> memref<8x128xi32, #tpu.memory_space<hbm>>
    tpu.enqueue_dma source(%dma_start3A_101 : memref<8x128xi32, #tpu.memory_space<hbm>>) target(%dma_start3A_97 : memref<8x128xi32, #tpu.memory_space<vmem>>) target_semaphore(%arg19 : memref<!tpu.dma_semaphore, #tpu.memory_space<semaphore_mem>>)
    %dma_wait3A = arith.constant 0 : i32
    %dma_wait3A_102 = arith.constant 0 : i32
    %dma_wait3A_103 = arith.constant 0 : i32
    %dma_wait3A_104 = arith.constant 0 : i32
    %dma_wait3A_105 = tpu.memref_slice %arg8[%dma_wait3A_102, %dma_wait3A_103, %dma_wait3A_104] : memref<2x8x128xi32, #tpu.memory_space<vmem>> -> memref<1x8x128xi32, #tpu.memory_space<vmem>>
    %dma_wait3A_106 = tpu.memref_squeeze %dma_wait3A_105 : memref<1x8x128xi32, #tpu.memory_space<vmem>> -> memref<8x128xi32, #tpu.memory_space<vmem>>
    %dma_wait3A_107 = arith.constant 0 : i32
    %dma_wait3A_108 = arith.constant 0 : i32
    %dma_wait3A_109 = tpu.memref_slice %arg2[%dma_wait3A, %add3A, %dma_wait3A_107, %dma_wait3A_108] : memref<25x32x8x128xi32, #tpu.memory_space<hbm>> -> memref<1x1x8x128xi32, #tpu.memory_space<hbm>>
    %dma_wait3A_110 = tpu.memref_squeeze %dma_wait3A_109 : memref<1x1x8x128xi32, #tpu.memory_space<hbm>> -> memref<8x128xi32, #tpu.memory_space<hbm>>
    %dma_wait3A_111 = arith.constant 0 : i32
    %dma_wait3A_112 = arith.constant 0 : i32
    %dma_wait3A_113 = tpu.memref_slice %arg8[%dma_wait3A_102, %dma_wait3A_111, %dma_wait3A_112] : memref<2x8x128xi32, #tpu.memory_space<vmem>> -> memref<1x8x128xi32, #tpu.memory_space<vmem>>
    %dma_wait3A_114 = tpu.memref_squeeze %dma_wait3A_113 : memref<1x8x128xi32, #tpu.memory_space<vmem>> -> memref<8x128xi32, #tpu.memory_space<vmem>>
    %dma_wait3A_115 = arith.constant 0 : i32
    %dma_wait3A_116 = arith.constant 0 : i32
    %dma_wait3A_117 = tpu.memref_slice %arg2[%dma_wait3A, %add3A, %dma_wait3A_115, %dma_wait3A_116] : memref<25x32x8x128xi32, #tpu.memory_space<hbm>> -> memref<1x1x8x128xi32, #tpu.memory_space<hbm>>
    %dma_wait3A_118 = tpu.memref_squeeze %dma_wait3A_117 : memref<1x1x8x128xi32, #tpu.memory_space<hbm>> -> memref<8x128xi32, #tpu.memory_space<hbm>>
    tpu.wait_dma2 semaphore(%arg19 : memref<!tpu.dma_semaphore, #tpu.memory_space<semaphore_mem>>) src(%dma_wait3A_118 : memref<8x128xi32, #tpu.memory_space<hbm>>) dst(%dma_wait3A_114 : memref<8x128xi32, #tpu.memory_space<vmem>>)
    %dma_start3A_119 = arith.constant 1 : i32
    %dma_start3A_120 = arith.constant 1 : i32
    %dma_start3A_121 = arith.constant 0 : i32
    %dma_start3A_122 = arith.constant 0 : i32
    %dma_start3A_123 = tpu.memref_slice %arg8[%dma_start3A_120, %dma_start3A_121, %dma_start3A_122] : memref<2x8x128xi32, #tpu.memory_space<vmem>> -> memref<1x8x128xi32, #tpu.memory_space<vmem>>
    %dma_start3A_124 = tpu.memref_squeeze %dma_start3A_123 : memref<1x8x128xi32, #tpu.memory_space<vmem>> -> memref<8x128xi32, #tpu.memory_space<vmem>>
    %dma_start3A_125 = arith.constant 0 : i32
    %dma_start3A_126 = arith.constant 0 : i32
    %dma_start3A_127 = tpu.memref_slice %arg2[%dma_start3A_119, %add3A, %dma_start3A_125, %dma_start3A_126] : memref<25x32x8x128xi32, #tpu.memory_space<hbm>> -> memref<1x1x8x128xi32, #tpu.memory_space<hbm>>
    %dma_start3A_128 = tpu.memref_squeeze %dma_start3A_127 : memref<1x1x8x128xi32, #tpu.memory_space<hbm>> -> memref<8x128xi32, #tpu.memory_space<hbm>>
    %dma_start3A_129 = arith.constant 0 : i32
    %dma_start3A_130 = arith.constant 0 : i32
    %dma_start3A_131 = tpu.memref_slice %arg8[%dma_start3A_120, %dma_start3A_129, %dma_start3A_130] : memref<2x8x128xi32, #tpu.memory_space<vmem>> -> memref<1x8x128xi32, #tpu.memory_space<vmem>>
    %dma_start3A_132 = tpu.memref_squeeze %dma_start3A_131 : memref<1x8x128xi32, #tpu.memory_space<vmem>> -> memref<8x128xi32, #tpu.memory_space<vmem>>
    %dma_start3A_133 = arith.constant 0 : i32
    %dma_start3A_134 = arith.constant 0 : i32
    %dma_start3A_135 = tpu.memref_slice %arg2[%dma_start3A_119, %add3A, %dma_start3A_133, %dma_start3A_134] : memref<25x32x8x128xi32, #tpu.memory_space<hbm>> -> memref<1x1x8x128xi32, #tpu.memory_space<hbm>>
    %dma_start3A_136 = tpu.memref_squeeze %dma_start3A_135 : memref<1x1x8x128xi32, #tpu.memory_space<hbm>> -> memref<8x128xi32, #tpu.memory_space<hbm>>
    tpu.enqueue_dma source(%dma_start3A_136 : memref<8x128xi32, #tpu.memory_space<hbm>>) target(%dma_start3A_132 : memref<8x128xi32, #tpu.memory_space<vmem>>) target_semaphore(%arg19 : memref<!tpu.dma_semaphore, #tpu.memory_space<semaphore_mem>>)
    %dma_start3A_137 = arith.constant 0 : i32
    %dma_start3A_138 = arith.constant 0 : i32
    %dma_start3A_139 = arith.constant 0 : i32
    %dma_start3A_140 = tpu.memref_slice %arg8[%dma_start3A_137, %dma_start3A_138, %dma_start3A_139] : memref<2x8x128xi32, #tpu.memory_space<vmem>> -> memref<1x1x128xi32, #tpu.memory_space<vmem>>
    %dma_start3A_141 = tpu.memref_squeeze %dma_start3A_140 : memref<1x1x128xi32, #tpu.memory_space<vmem>> -> memref<128xi32, #tpu.memory_space<vmem>>
    %dma_start3A_142 = arith.constant 0 : i32
    %dma_start3A_143 = arith.constant 0 : i32
    %dma_start3A_144 = tpu.memref_slice %arg3[%dma_start3A_142, %dma_start3A_143] : memref<100000x64xf32, #tpu.memory_space<hbm>> -> memref<100000x64xf32, #tpu.memory_space<hbm>>
    tpu.enqueue_indirect_dma source(%dma_start3A_144 : memref<100000x64xf32, #tpu.memory_space<hbm>>) target(%arg9 : memref<128x64xf32, #tpu.memory_space<vmem>>) offsets(%dma_start3A_141 : memref<128xi32, #tpu.memory_space<vmem>>) semaphore(%arg20 : memref<!tpu.dma_semaphore, #tpu.memory_space<semaphore_mem>>)
    %dma_start3A_145 = arith.constant 0 : i32
    %dma_start3A_146 = arith.constant 1 : i32
    %dma_start3A_147 = arith.constant 0 : i32
    %dma_start3A_148 = tpu.memref_slice %arg8[%dma_start3A_145, %dma_start3A_146, %dma_start3A_147] : memref<2x8x128xi32, #tpu.memory_space<vmem>> -> memref<1x1x128xi32, #tpu.memory_space<vmem>>
    %dma_start3A_149 = tpu.memref_squeeze %dma_start3A_148 : memref<1x1x128xi32, #tpu.memory_space<vmem>> -> memref<128xi32, #tpu.memory_space<vmem>>
    %dma_start3A_150 = arith.constant 0 : i32
    %dma_start3A_151 = arith.constant 0 : i32
    %dma_start3A_152 = tpu.memref_slice %arg3[%dma_start3A_150, %dma_start3A_151] : memref<100000x64xf32, #tpu.memory_space<hbm>> -> memref<100000x64xf32, #tpu.memory_space<hbm>>
    tpu.enqueue_indirect_dma source(%dma_start3A_152 : memref<100000x64xf32, #tpu.memory_space<hbm>>) target(%arg10 : memref<128x64xf32, #tpu.memory_space<vmem>>) offsets(%dma_start3A_149 : memref<128xi32, #tpu.memory_space<vmem>>) semaphore(%arg21 : memref<!tpu.dma_semaphore, #tpu.memory_space<semaphore_mem>>)
    %dma_start3A_153 = arith.constant 0 : i32
    %dma_start3A_154 = arith.constant 2 : i32
    %dma_start3A_155 = arith.constant 0 : i32
    %dma_start3A_156 = tpu.memref_slice %arg8[%dma_start3A_153, %dma_start3A_154, %dma_start3A_155] : memref<2x8x128xi32, #tpu.memory_space<vmem>> -> memref<1x1x128xi32, #tpu.memory_space<vmem>>
    %dma_start3A_157 = tpu.memref_squeeze %dma_start3A_156 : memref<1x1x128xi32, #tpu.memory_space<vmem>> -> memref<128xi32, #tpu.memory_space<vmem>>
    %dma_start3A_158 = arith.constant 0 : i32
    %dma_start3A_159 = arith.constant 0 : i32
    %dma_start3A_160 = tpu.memref_slice %arg3[%dma_start3A_158, %dma_start3A_159] : memref<100000x64xf32, #tpu.memory_space<hbm>> -> memref<100000x64xf32, #tpu.memory_space<hbm>>
    tpu.enqueue_indirect_dma source(%dma_start3A_160 : memref<100000x64xf32, #tpu.memory_space<hbm>>) target(%arg11 : memref<128x64xf32, #tpu.memory_space<vmem>>) offsets(%dma_start3A_157 : memref<128xi32, #tpu.memory_space<vmem>>) semaphore(%arg22 : memref<!tpu.dma_semaphore, #tpu.memory_space<semaphore_mem>>)
    %dma_start3A_161 = arith.constant 0 : i32
    %dma_start3A_162 = arith.constant 3 : i32
    %dma_start3A_163 = arith.constant 0 : i32
    %dma_start3A_164 = tpu.memref_slice %arg8[%dma_start3A_161, %dma_start3A_162, %dma_start3A_163] : memref<2x8x128xi32, #tpu.memory_space<vmem>> -> memref<1x1x128xi32, #tpu.memory_space<vmem>>
    %dma_start3A_165 = tpu.memref_squeeze %dma_start3A_164 : memref<1x1x128xi32, #tpu.memory_space<vmem>> -> memref<128xi32, #tpu.memory_space<vmem>>
    %dma_start3A_166 = arith.constant 0 : i32
    %dma_start3A_167 = arith.constant 0 : i32
    %dma_start3A_168 = tpu.memref_slice %arg3[%dma_start3A_166, %dma_start3A_167] : memref<100000x64xf32, #tpu.memory_space<hbm>> -> memref<100000x64xf32, #tpu.memory_space<hbm>>
    tpu.enqueue_indirect_dma source(%dma_start3A_168 : memref<100000x64xf32, #tpu.memory_space<hbm>>) target(%arg12 : memref<128x64xf32, #tpu.memory_space<vmem>>) offsets(%dma_start3A_165 : memref<128xi32, #tpu.memory_space<vmem>>) semaphore(%arg23 : memref<!tpu.dma_semaphore, #tpu.memory_space<semaphore_mem>>)
    %scan3A = arith.constant 0 : i32
    %scan3A_169 = arith.constant 0 : i32
    %scan3A_170 = arith.constant 40 : i32
    %scan3A_171 = arith.addi %scan3A_169, %scan3A_170 : i32
    %scan3A_172 = arith.constant 1 : i32
    scf.for %scan3A_269 = %scan3A_169 to %scan3A_171 step %scan3A_172  : i32 {
      %mul3A_270 = arith.constant 5 : i32
      %mul3A_271 = arith.muli %scan3A_269, %mul3A_270 : i32
      %add3A_272 = arith.constant 0 : i32
      %add3A_273 = arith.addi %mul3A_271, %add3A_272 : i32
      %jit3A = arith.constant 8 : i32
      %div3A = arith.divsi %add3A_273, %jit3A : i32
      %sign3A = arith.constant 0 : i32
      %sign3A_274 = arith.cmpi sgt, %add3A_273, %sign3A : i32
      %sign3A_275 = arith.extui %sign3A_274 : i1 to i32
      %sign3A_276 = arith.constant 0 : i32
      %sign3A_277 = arith.cmpi slt, %add3A_273, %sign3A_276 : i32
      %sign3A_278 = arith.extui %sign3A_277 : i1 to i32
      %sign3A_279 = arith.subi %sign3A_275, %sign3A_278 : i32
      %sign3A_280 = arith.constant 0 : i32
      %sign3A_281 = arith.cmpi sgt, %jit3A, %sign3A_280 : i32
      %sign3A_282 = arith.extui %sign3A_281 : i1 to i32
      %sign3A_283 = arith.constant 0 : i32
      %sign3A_284 = arith.cmpi slt, %jit3A, %sign3A_283 : i32
      %sign3A_285 = arith.extui %sign3A_284 : i1 to i32
      %sign3A_286 = arith.subi %sign3A_282, %sign3A_285 : i32
      %ne3A = arith.cmpi ne, %sign3A_279, %sign3A_286 : i32
      %rem3A = arith.remsi %add3A_273, %jit3A : i32
      %ne3A_287 = arith.constant 0 : i32
      %ne3A_288 = arith.cmpi ne, %rem3A, %ne3A_287 : i32
      %and3A_289 = arith.andi %ne3A, %ne3A_288 : i1
      %sub3A = arith.constant 1 : i32
      %sub3A_290 = arith.subi %div3A, %sub3A : i32
      %select_n3A = arith.select %and3A_289, %sub3A_290, %div3A : i32
      %jit3A_291 = arith.constant 2 : i32
      %eq3A = arith.constant 0 : i32
      %eq3A_292 = arith.cmpi eq, %jit3A_291, %eq3A : i32
      %jit3A_293 = arith.constant 1 : i32
      %select_n3A_294 = arith.select %eq3A_292, %jit3A_293, %jit3A_291 : i32
      %rem3A_295 = arith.remsi %select_n3A, %select_n3A_294 : i32
      %ne3A_296 = arith.constant 0 : i32
      %ne3A_297 = arith.cmpi ne, %rem3A_295, %ne3A_296 : i32
      %lt3A = arith.constant 0 : i32
      %lt3A_298 = arith.cmpi slt, %rem3A_295, %lt3A : i32
      %lt3A_299 = arith.constant 0 : i32
      %lt3A_300 = arith.cmpi slt, %select_n3A_294, %lt3A_299 : i32
      %ne3A_301 = arith.xori %lt3A_298, %lt3A_300 : i1
      %and3A_302 = arith.andi %ne3A_301, %ne3A_297 : i1
      %add3A_303 = arith.addi %rem3A_295, %select_n3A_294 : i32
      %select_n3A_304 = arith.select %and3A_302, %add3A_303, %rem3A_295 : i32
      %jit3A_305 = arith.constant 8 : i32
      %eq3A_306 = arith.constant 0 : i32
      %eq3A_307 = arith.cmpi eq, %jit3A_305, %eq3A_306 : i32
      %jit3A_308 = arith.constant 1 : i32
      %select_n3A_309 = arith.select %eq3A_307, %jit3A_308, %jit3A_305 : i32
      %rem3A_310 = arith.remsi %add3A_273, %select_n3A_309 : i32
      %ne3A_311 = arith.constant 0 : i32
      %ne3A_312 = arith.cmpi ne, %rem3A_310, %ne3A_311 : i32
      %lt3A_313 = arith.constant 0 : i32
      %lt3A_314 = arith.cmpi slt, %rem3A_310, %lt3A_313 : i32
      %lt3A_315 = arith.constant 0 : i32
      %lt3A_316 = arith.cmpi slt, %select_n3A_309, %lt3A_315 : i32
      %ne3A_317 = arith.xori %lt3A_314, %lt3A_316 : i1
      %and3A_318 = arith.andi %ne3A_317, %ne3A_312 : i1
      %add3A_319 = arith.addi %rem3A_310, %select_n3A_309 : i32
      %select_n3A_320 = arith.select %and3A_318, %add3A_319, %rem3A_310 : i32
      %dma_wait3A_321 = arith.constant 0 : i32
      %dma_wait3A_322 = tpu.memref_slice %arg8[%select_n3A_304, %select_n3A_320, %dma_wait3A_321] : memref<2x8x128xi32, #tpu.memory_space<vmem>> -> memref<1x1x128xi32, #tpu.memory_space<vmem>>
      %dma_wait3A_323 = tpu.memref_squeeze %dma_wait3A_322 : memref<1x1x128xi32, #tpu.memory_space<vmem>> -> memref<128xi32, #tpu.memory_space<vmem>>
      %dma_wait3A_324 = arith.constant 0 : i32
      %dma_wait3A_325 = arith.constant 0 : i32
      %dma_wait3A_326 = tpu.memref_slice %arg3[%dma_wait3A_324, %dma_wait3A_325] : memref<100000x64xf32, #tpu.memory_space<hbm>> -> memref<100000x64xf32, #tpu.memory_space<hbm>>
      tpu.wait_indirect_dma semaphore(%arg20 : memref<!tpu.dma_semaphore, #tpu.memory_space<semaphore_mem>>) src(%dma_wait3A_326 : memref<100000x64xf32, #tpu.memory_space<hbm>>) dst(%arg9 : memref<128x64xf32, #tpu.memory_space<vmem>>)
      %and3A_327 = arith.constant 7 : i32
      %and3A_328 = arith.andi %add3A_273, %and3A_327 : i32
      %eq3A_329 = arith.constant 0 : i32
      %eq3A_330 = arith.cmpi eq, %and3A_328, %eq3A_329 : i32
      %gt3A = arith.constant 0 : i32
      %gt3A_331 = arith.cmpi sgt, %add3A_273, %gt3A : i32
      %add3A_332 = arith.constant 8 : i32
      %add3A_333 = arith.addi %add3A_273, %add3A_332 : i32
      %lt3A_334 = arith.constant 200 : i32
      %lt3A_335 = arith.cmpi slt, %add3A_333, %lt3A_334 : i32
      %and3A_336 = arith.andi %gt3A_331, %lt3A_335 : i1
      %and3A_337 = arith.andi %eq3A_330, %and3A_336 : i1
      %convert_element_type3A = arith.extui %and3A_337 : i1 to i32
      %cond3A = arith.constant 0 : i32
      %cond3A_338 = arith.cmpi ne, %convert_element_type3A, %cond3A : i32
      scf.if %cond3A_338 {
        %shift_right_arithmetic3A_1195 = arith.constant 3 : i32
        %shift_right_arithmetic3A_1196 = arith.shrsi %add3A_273, %shift_right_arithmetic3A_1195 : i32
        %add3A_1197 = arith.constant 1 : i32
        %add3A_1198 = arith.addi %shift_right_arithmetic3A_1196, %add3A_1197 : i32
        %and3A_1199 = arith.constant 1 : i32
        %and3A_1200 = arith.andi %add3A_1198, %and3A_1199 : i32
        %dma_start3A_1201 = arith.constant 0 : i32
        %dma_start3A_1202 = arith.constant 0 : i32
        %dma_start3A_1203 = tpu.memref_slice %arg8[%and3A_1200, %dma_start3A_1201, %dma_start3A_1202] : memref<2x8x128xi32, #tpu.memory_space<vmem>> -> memref<1x8x128xi32, #tpu.memory_space<vmem>>
        %dma_start3A_1204 = tpu.memref_squeeze %dma_start3A_1203 : memref<1x8x128xi32, #tpu.memory_space<vmem>> -> memref<8x128xi32, #tpu.memory_space<vmem>>
        %dma_start3A_1205 = arith.constant 0 : i32
        %dma_start3A_1206 = arith.constant 0 : i32
        %dma_start3A_1207 = tpu.memref_slice %arg2[%add3A_1198, %add3A, %dma_start3A_1205, %dma_start3A_1206] : memref<25x32x8x128xi32, #tpu.memory_space<hbm>> -> memref<1x1x8x128xi32, #tpu.memory_space<hbm>>
        %dma_start3A_1208 = tpu.memref_squeeze %dma_start3A_1207 : memref<1x1x8x128xi32, #tpu.memory_space<hbm>> -> memref<8x128xi32, #tpu.memory_space<hbm>>
        %dma_start3A_1209 = arith.constant 0 : i32
        %dma_start3A_1210 = arith.constant 0 : i32
        %dma_start3A_1211 = tpu.memref_slice %arg8[%and3A_1200, %dma_start3A_1209, %dma_start3A_1210] : memref<2x8x128xi32, #tpu.memory_space<vmem>> -> memref<1x8x128xi32, #tpu.memory_space<vmem>>
        %dma_start3A_1212 = tpu.memref_squeeze %dma_start3A_1211 : memref<1x8x128xi32, #tpu.memory_space<vmem>> -> memref<8x128xi32, #tpu.memory_space<vmem>>
        %dma_start3A_1213 = arith.constant 0 : i32
        %dma_start3A_1214 = arith.constant 0 : i32
        %dma_start3A_1215 = tpu.memref_slice %arg2[%add3A_1198, %add3A, %dma_start3A_1213, %dma_start3A_1214] : memref<25x32x8x128xi32, #tpu.memory_space<hbm>> -> memref<1x1x8x128xi32, #tpu.memory_space<hbm>>
        %dma_start3A_1216 = tpu.memref_squeeze %dma_start3A_1215 : memref<1x1x8x128xi32, #tpu.memory_space<hbm>> -> memref<8x128xi32, #tpu.memory_space<hbm>>
        tpu.enqueue_dma source(%dma_start3A_1216 : memref<8x128xi32, #tpu.memory_space<hbm>>) target(%dma_start3A_1212 : memref<8x128xi32, #tpu.memory_space<vmem>>) target_semaphore(%arg19 : memref<!tpu.dma_semaphore, #tpu.memory_space<semaphore_mem>>)
      } else {
      }
      %ge3A = arith.constant 5 : i32
      %ge3A_339 = arith.cmpi sge, %add3A_273, %ge3A : i32
      %convert_element_type3A_340 = arith.extui %ge3A_339 : i1 to i32
      %cond3A_341 = arith.constant 0 : i32
      %cond3A_342 = arith.cmpi ne, %convert_element_type3A_340, %cond3A_341 : i32
      scf.if %cond3A_342 {
        %sub3A_1195 = arith.constant 5 : i32
        %sub3A_1196 = arith.subi %add3A_273, %sub3A_1195 : i32
        %dma_wait3A_1197 = arith.constant 0 : i32
        %dma_wait3A_1198 = arith.constant 0 : i32
        %dma_wait3A_1199 = arith.constant 0 : i32
        %dma_wait3A_1200 = tpu.memref_slice %arg14[%dma_wait3A_1197, %dma_wait3A_1198, %dma_wait3A_1199] : memref<8x8x137xf32, #tpu.memory_space<vmem>> -> memref<8x8x128xf32, #tpu.memory_space<vmem>>
        %dma_wait3A_1201 = arith.constant 0 : i32
        %dma_wait3A_1202 = arith.constant 0 : i32
        %dma_wait3A_1203 = arith.constant 0 : i32
        %dma_wait3A_1204 = tpu.memref_slice %arg5[%sub3A_1196, %dma_wait3A_1201, %add3A, %dma_wait3A_1202, %dma_wait3A_1203] : memref<200x8x32x8x128xf32, #tpu.memory_space<hbm>> -> memref<1x8x1x8x128xf32, #tpu.memory_space<hbm>>
        %dma_wait3A_1205 = tpu.memref_squeeze %dma_wait3A_1204 : memref<1x8x1x8x128xf32, #tpu.memory_space<hbm>> -> memref<8x8x128xf32, #tpu.memory_space<hbm>>
        %dma_wait3A_1206 = arith.constant 0 : i32
        %dma_wait3A_1207 = arith.constant 0 : i32
        %dma_wait3A_1208 = arith.constant 0 : i32
        %dma_wait3A_1209 = tpu.memref_slice %arg5[%sub3A_1196, %dma_wait3A_1206, %add3A, %dma_wait3A_1207, %dma_wait3A_1208] : memref<200x8x32x8x128xf32, #tpu.memory_space<hbm>> -> memref<1x8x1x8x128xf32, #tpu.memory_space<hbm>>
        %dma_wait3A_1210 = tpu.memref_squeeze %dma_wait3A_1209 : memref<1x8x1x8x128xf32, #tpu.memory_space<hbm>> -> memref<8x8x128xf32, #tpu.memory_space<hbm>>
        %dma_wait3A_1211 = arith.constant 0 : i32
        %dma_wait3A_1212 = arith.constant 0 : i32
        %dma_wait3A_1213 = arith.constant 0 : i32
        %dma_wait3A_1214 = tpu.memref_slice %arg14[%dma_wait3A_1211, %dma_wait3A_1212, %dma_wait3A_1213] : memref<8x8x137xf32, #tpu.memory_space<vmem>> -> memref<8x8x128xf32, #tpu.memory_space<vmem>>
        tpu.wait_dma2 semaphore(%arg25 : memref<!tpu.dma_semaphore, #tpu.memory_space<semaphore_mem>>) src(%dma_wait3A_1214 : memref<8x8x128xf32, #tpu.memory_space<vmem>>) dst(%dma_wait3A_1210 : memref<8x8x128xf32, #tpu.memory_space<hbm>>)
      } else {
      }
      %get3A = arith.index_cast %add3A_273 : i32 to index
      %get3A_343 = arith.constant 0 : index
      %get3A_344 = tpu.vector_load %arg6[%get3A, %get3A_343] {strides = array<i32>} : memref<200x64xf32, #tpu.memory_space<vmem>>, vector<16xf32>,
      %get3A_345 = arith.index_cast %add3A_273 : i32 to index
      %get3A_346 = arith.constant 16 : index
      %get3A_347 = tpu.vector_load %arg6[%get3A_345, %get3A_346] {strides = array<i32>} : memref<200x64xf32, #tpu.memory_space<vmem>>, vector<16xf32>,
      %get3A_348 = arith.index_cast %add3A_273 : i32 to index
      %get3A_349 = arith.constant 32 : index
      %get3A_350 = tpu.vector_load %arg6[%get3A_348, %get3A_349] {strides = array<i32>} : memref<200x64xf32, #tpu.memory_space<vmem>>, vector<16xf32>,
      %get3A_351 = arith.index_cast %add3A_273 : i32 to index
      %get3A_352 = arith.constant 48 : index
      %get3A_353 = tpu.vector_load %arg6[%get3A_351, %get3A_352] {strides = array<i32>} : memref<200x64xf32, #tpu.memory_space<vmem>>, vector<16xf32>,
      %get3A_354 = arith.constant 0 : i32
      %get3A_355 = arith.constant 0 : i32
      %get3A_356 = arith.index_cast %get3A_354 : i32 to index
      %get3A_357 = arith.index_cast %get3A_355 : i32 to index
      %get3A_358 = arith.constant 0 : index
      %get3A_359 = tpu.vector_load %arg7[%get3A_356, %get3A_357, %get3A_358] {strides = array<i32>} : memref<2x4x16xi32, #tpu.memory_space<vmem>>, vector<16xi32>,
      %get3A_360 = arith.constant 0 : i32
      %get3A_361 = arith.constant 1 : i32
      %get3A_362 = arith.index_cast %get3A_360 : i32 to index
      %get3A_363 = arith.index_cast %get3A_361 : i32 to index
      %get3A_364 = arith.constant 0 : index
      %get3A_365 = tpu.vector_load %arg7[%get3A_362, %get3A_363, %get3A_364] {strides = array<i32>} : memref<2x4x16xi32, #tpu.memory_space<vmem>>, vector<16xi32>,
      %get3A_366 = arith.constant 0 : i32
      %get3A_367 = arith.constant 2 : i32
      %get3A_368 = arith.index_cast %get3A_366 : i32 to index
      %get3A_369 = arith.index_cast %get3A_367 : i32 to index
      %get3A_370 = arith.constant 0 : index
      %get3A_371 = tpu.vector_load %arg7[%get3A_368, %get3A_369, %get3A_370] {strides = array<i32>} : memref<2x4x16xi32, #tpu.memory_space<vmem>>, vector<16xi32>,
      %get3A_372 = arith.constant 0 : i32
      %get3A_373 = arith.constant 3 : i32
      %get3A_374 = arith.index_cast %get3A_372 : i32 to index
      %get3A_375 = arith.index_cast %get3A_373 : i32 to index
      %get3A_376 = arith.constant 0 : index
      %get3A_377 = tpu.vector_load %arg7[%get3A_374, %get3A_375, %get3A_376] {strides = array<i32>} : memref<2x4x16xi32, #tpu.memory_space<vmem>>, vector<16xi32>,
      %get3A_378 = arith.constant 1 : i32
      %get3A_379 = arith.constant 0 : i32
      %get3A_380 = arith.index_cast %get3A_378 : i32 to index
      %get3A_381 = arith.index_cast %get3A_379 : i32 to index
      %get3A_382 = arith.constant 0 : index
      %get3A_383 = tpu.vector_load %arg7[%get3A_380, %get3A_381, %get3A_382] {strides = array<i32>} : memref<2x4x16xi32, #tpu.memory_space<vmem>>, vector<16xi32>,
      %get3A_384 = arith.constant 1 : i32
      %get3A_385 = arith.constant 1 : i32
      %get3A_386 = arith.index_cast %get3A_384 : i32 to index
      %get3A_387 = arith.index_cast %get3A_385 : i32 to index
      %get3A_388 = arith.constant 0 : index
      %get3A_389 = tpu.vector_load %arg7[%get3A_386, %get3A_387, %get3A_388] {strides = array<i32>} : memref<2x4x16xi32, #tpu.memory_space<vmem>>, vector<16xi32>,
      %get3A_390 = arith.constant 1 : i32
      %get3A_391 = arith.constant 2 : i32
      %get3A_392 = arith.index_cast %get3A_390 : i32 to index
      %get3A_393 = arith.index_cast %get3A_391 : i32 to index
      %get3A_394 = arith.constant 0 : index
      %get3A_395 = tpu.vector_load %arg7[%get3A_392, %get3A_393, %get3A_394] {strides = array<i32>} : memref<2x4x16xi32, #tpu.memory_space<vmem>>, vector<16xi32>,
      %get3A_396 = arith.constant 1 : i32
      %get3A_397 = arith.constant 3 : i32
      %get3A_398 = arith.index_cast %get3A_396 : i32 to index
      %get3A_399 = arith.index_cast %get3A_397 : i32 to index
      %get3A_400 = arith.constant 0 : index
      %get3A_401 = tpu.vector_load %arg7[%get3A_398, %get3A_399, %get3A_400] {strides = array<i32>} : memref<2x4x16xi32, #tpu.memory_space<vmem>>, vector<16xi32>,
      %parallel_loop3A = arith.constant 0 : i32
      %parallel_loop3A_402 = arith.constant 128 : i32
      %parallel_loop3A_403 = arith.constant 1 : i32
      scf.for %parallel_loop3A_1195 = %parallel_loop3A to %parallel_loop3A_402 step %parallel_loop3A_403  : i32 {
        %parallel_loop3A_1196 = vector.broadcast %parallel_loop3A_1195 : i32 to vector<16xi32>
        %parallel_loop3A_1197 = arith.index_cast %parallel_loop3A_1195 : i32 to index
        %parallel_loop3A_1198 = arith.constant 0 : index
        %parallel_loop3A_1199 = tpu.vector_load %arg9[%parallel_loop3A_1197, %parallel_loop3A_1198] {strides = array<i32>} : memref<128x64xf32, #tpu.memory_space<vmem>>, vector<16xf32>,
        %parallel_loop3A_1200 = arith.addf %parallel_loop3A_1199, %get3A_344 : vector<16xf32>
        tpu.vector_store_idx %arg14[%get3A_359, %get3A_383, %parallel_loop3A_1196], %parallel_loop3A_1200 : memref<8x8x137xf32, #tpu.memory_space<vmem>>[vector<16xi32>, vector<16xi32>, vector<16xi32>], vector<16xf32>,
        %parallel_loop3A_1201 = arith.index_cast %parallel_loop3A_1195 : i32 to index
        %parallel_loop3A_1202 = arith.constant 16 : index
        %parallel_loop3A_1203 = tpu.vector_load %arg9[%parallel_loop3A_1201, %parallel_loop3A_1202] {strides = array<i32>} : memref<128x64xf32, #tpu.memory_space<vmem>>, vector<16xf32>,
        %parallel_loop3A_1204 = arith.addf %parallel_loop3A_1203, %get3A_347 : vector<16xf32>
        tpu.vector_store_idx %arg14[%get3A_365, %get3A_389, %parallel_loop3A_1196], %parallel_loop3A_1204 : memref<8x8x137xf32, #tpu.memory_space<vmem>>[vector<16xi32>, vector<16xi32>, vector<16xi32>], vector<16xf32>,
        %parallel_loop3A_1205 = arith.index_cast %parallel_loop3A_1195 : i32 to index
        %parallel_loop3A_1206 = arith.constant 32 : index
        %parallel_loop3A_1207 = tpu.vector_load %arg9[%parallel_loop3A_1205, %parallel_loop3A_1206] {strides = array<i32>} : memref<128x64xf32, #tpu.memory_space<vmem>>, vector<16xf32>,
        %parallel_loop3A_1208 = arith.addf %parallel_loop3A_1207, %get3A_350 : vector<16xf32>
        tpu.vector_store_idx %arg14[%get3A_371, %get3A_395, %parallel_loop3A_1196], %parallel_loop3A_1208 : memref<8x8x137xf32, #tpu.memory_space<vmem>>[vector<16xi32>, vector<16xi32>, vector<16xi32>], vector<16xf32>,
        %parallel_loop3A_1209 = arith.index_cast %parallel_loop3A_1195 : i32 to index
        %parallel_loop3A_1210 = arith.constant 48 : index
        %parallel_loop3A_1211 = tpu.vector_load %arg9[%parallel_loop3A_1209, %parallel_loop3A_1210] {strides = array<i32>} : memref<128x64xf32, #tpu.memory_space<vmem>>, vector<16xf32>,
        %parallel_loop3A_1212 = arith.addf %parallel_loop3A_1211, %get3A_353 : vector<16xf32>
        tpu.vector_store_idx %arg14[%get3A_377, %get3A_401, %parallel_loop3A_1196], %parallel_loop3A_1212 : memref<8x8x137xf32, #tpu.memory_space<vmem>>[vector<16xi32>, vector<16xi32>, vector<16xi32>], vector<16xf32>,
      } {sc.loop_unroll_factor = 4 : i64, sc.parallel_access}
      %dma_start3A_404 = arith.constant 0 : i32
      %dma_start3A_405 = arith.constant 0 : i32
      %dma_start3A_406 = arith.constant 0 : i32
      %dma_start3A_407 = tpu.memref_slice %arg14[%dma_start3A_404, %dma_start3A_405, %dma_start3A_406] : memref<8x8x137xf32, #tpu.memory_space<vmem>> -> memref<8x8x128xf32, #tpu.memory_space<vmem>>
      %dma_start3A_408 = arith.constant 0 : i32
      %dma_start3A_409 = arith.constant 0 : i32
      %dma_start3A_410 = arith.constant 0 : i32
      %dma_start3A_411 = tpu.memref_slice %arg5[%add3A_273, %dma_start3A_408, %add3A, %dma_start3A_409, %dma_start3A_410] : memref<200x8x32x8x128xf32, #tpu.memory_space<hbm>> -> memref<1x8x1x8x128xf32, #tpu.memory_space<hbm>>
      %dma_start3A_412 = tpu.memref_squeeze %dma_start3A_411 : memref<1x8x1x8x128xf32, #tpu.memory_space<hbm>> -> memref<8x8x128xf32, #tpu.memory_space<hbm>>
      %dma_start3A_413 = arith.constant 0 : i32
      %dma_start3A_414 = arith.constant 0 : i32
      %dma_start3A_415 = arith.constant 0 : i32
      %dma_start3A_416 = tpu.memref_slice %arg5[%add3A_273, %dma_start3A_413, %add3A, %dma_start3A_414, %dma_start3A_415] : memref<200x8x32x8x128xf32, #tpu.memory_space<hbm>> -> memref<1x8x1x8x128xf32, #tpu.memory_space<hbm>>
      %dma_start3A_417 = tpu.memref_squeeze %dma_start3A_416 : memref<1x8x1x8x128xf32, #tpu.memory_space<hbm>> -> memref<8x8x128xf32, #tpu.memory_space<hbm>>
      %dma_start3A_418 = arith.constant 0 : i32
      %dma_start3A_419 = arith.constant 0 : i32
      %dma_start3A_420 = arith.constant 0 : i32
      %dma_start3A_421 = tpu.memref_slice %arg14[%dma_start3A_418, %dma_start3A_419, %dma_start3A_420] : memref<8x8x137xf32, #tpu.memory_space<vmem>> -> memref<8x8x128xf32, #tpu.memory_space<vmem>>
      tpu.enqueue_dma source(%dma_start3A_421 : memref<8x8x128xf32, #tpu.memory_space<vmem>>) target(%dma_start3A_417 : memref<8x8x128xf32, #tpu.memory_space<hbm>>) target_semaphore(%arg25 : memref<!tpu.dma_semaphore, #tpu.memory_space<semaphore_mem>>)
      %add3A_422 = arith.constant 4 : i32
      %add3A_423 = arith.addi %add3A_273, %add3A_422 : i32
      %lt3A_424 = arith.constant 200 : i32
      %lt3A_425 = arith.cmpi slt, %add3A_423, %lt3A_424 : i32
      %add3A_426 = arith.constant 4 : i32
      %add3A_427 = arith.addi %add3A_273, %add3A_426 : i32
      %and3A_428 = arith.constant 7 : i32
      %and3A_429 = arith.andi %add3A_427, %and3A_428 : i32
      %eq3A_430 = arith.constant 0 : i32
      %eq3A_431 = arith.cmpi eq, %and3A_429, %eq3A_430 : i32
      %and3A_432 = arith.andi %lt3A_425, %eq3A_431 : i1
      %convert_element_type3A_433 = arith.extui %and3A_432 : i1 to i32
      %cond3A_434 = arith.constant 0 : i32
      %cond3A_435 = arith.cmpi ne, %convert_element_type3A_433, %cond3A_434 : i32
      scf.if %cond3A_435 {
        %add3A_1195 = arith.constant 4 : i32
        %add3A_1196 = arith.addi %add3A_273, %add3A_1195 : i32
        %shift_right_arithmetic3A_1197 = arith.constant 3 : i32
        %shift_right_arithmetic3A_1198 = arith.shrsi %add3A_1196, %shift_right_arithmetic3A_1197 : i32
        %add3A_1199 = arith.constant 4 : i32
        %add3A_1200 = arith.addi %add3A_273, %add3A_1199 : i32
        %shift_right_arithmetic3A_1201 = arith.constant 3 : i32
        %shift_right_arithmetic3A_1202 = arith.shrsi %add3A_1200, %shift_right_arithmetic3A_1201 : i32
        %and3A_1203 = arith.constant 1 : i32
        %and3A_1204 = arith.andi %shift_right_arithmetic3A_1202, %and3A_1203 : i32
        %dma_wait3A_1205 = arith.constant 0 : i32
        %dma_wait3A_1206 = arith.constant 0 : i32
        %dma_wait3A_1207 = tpu.memref_slice %arg8[%and3A_1204, %dma_wait3A_1205, %dma_wait3A_1206] : memref<2x8x128xi32, #tpu.memory_space<vmem>> -> memref<1x8x128xi32, #tpu.memory_space<vmem>>
        %dma_wait3A_1208 = tpu.memref_squeeze %dma_wait3A_1207 : memref<1x8x128xi32, #tpu.memory_space<vmem>> -> memref<8x128xi32, #tpu.memory_space<vmem>>
        %dma_wait3A_1209 = arith.constant 0 : i32
        %dma_wait3A_1210 = arith.constant 0 : i32
        %dma_wait3A_1211 = tpu.memref_slice %arg2[%shift_right_arithmetic3A_1198, %add3A, %dma_wait3A_1209, %dma_wait3A_1210] : memref<25x32x8x128xi32, #tpu.memory_space<hbm>> -> memref<1x1x8x128xi32, #tpu.memory_space<hbm>>
        %dma_wait3A_1212 = tpu.memref_squeeze %dma_wait3A_1211 : memref<1x1x8x128xi32, #tpu.memory_space<hbm>> -> memref<8x128xi32, #tpu.memory_space<hbm>>
        %dma_wait3A_1213 = arith.constant 0 : i32
        %dma_wait3A_1214 = arith.constant 0 : i32
        %dma_wait3A_1215 = tpu.memref_slice %arg8[%and3A_1204, %dma_wait3A_1213, %dma_wait3A_1214] : memref<2x8x128xi32, #tpu.memory_space<vmem>> -> memref<1x8x128xi32, #tpu.memory_space<vmem>>
        %dma_wait3A_1216 = tpu.memref_squeeze %dma_wait3A_1215 : memref<1x8x128xi32, #tpu.memory_space<vmem>> -> memref<8x128xi32, #tpu.memory_space<vmem>>
        %dma_wait3A_1217 = arith.constant 0 : i32
        %dma_wait3A_1218 = arith.constant 0 : i32
        %dma_wait3A_1219 = tpu.memref_slice %arg2[%shift_right_arithmetic3A_1198, %add3A, %dma_wait3A_1217, %dma_wait3A_1218] : memref<25x32x8x128xi32, #tpu.memory_space<hbm>> -> memref<1x1x8x128xi32, #tpu.memory_space<hbm>>
        %dma_wait3A_1220 = tpu.memref_squeeze %dma_wait3A_1219 : memref<1x1x8x128xi32, #tpu.memory_space<hbm>> -> memref<8x128xi32, #tpu.memory_space<hbm>>
        tpu.wait_dma2 semaphore(%arg19 : memref<!tpu.dma_semaphore, #tpu.memory_space<semaphore_mem>>) src(%dma_wait3A_1220 : memref<8x128xi32, #tpu.memory_space<hbm>>) dst(%dma_wait3A_1216 : memref<8x128xi32, #tpu.memory_space<vmem>>)
      } else {
      }
      %add3A_436 = arith.constant 4 : i32
      %add3A_437 = arith.addi %add3A_273, %add3A_436 : i32
      %lt3A_438 = arith.constant 200 : i32
      %lt3A_439 = arith.cmpi slt, %add3A_437, %lt3A_438 : i32
      %convert_element_type3A_440 = arith.extui %lt3A_439 : i1 to i32
      %cond3A_441 = arith.constant 0 : i32
      %cond3A_442 = arith.cmpi ne, %convert_element_type3A_440, %cond3A_441 : i32
      scf.if %cond3A_442 {
        %add3A_1195 = arith.constant 4 : i32
        %add3A_1196 = arith.addi %add3A_273, %add3A_1195 : i32
        %jit3A_1197 = arith.constant 8 : i32
        %div3A_1198 = arith.divsi %add3A_1196, %jit3A_1197 : i32
        %sign3A_1199 = arith.constant 0 : i32
        %sign3A_1200 = arith.cmpi sgt, %add3A_1196, %sign3A_1199 : i32
        %sign3A_1201 = arith.extui %sign3A_1200 : i1 to i32
        %sign3A_1202 = arith.constant 0 : i32
        %sign3A_1203 = arith.cmpi slt, %add3A_1196, %sign3A_1202 : i32
        %sign3A_1204 = arith.extui %sign3A_1203 : i1 to i32
        %sign3A_1205 = arith.subi %sign3A_1201, %sign3A_1204 : i32
        %sign3A_1206 = arith.constant 0 : i32
        %sign3A_1207 = arith.cmpi sgt, %jit3A_1197, %sign3A_1206 : i32
        %sign3A_1208 = arith.extui %sign3A_1207 : i1 to i32
        %sign3A_1209 = arith.constant 0 : i32
        %sign3A_1210 = arith.cmpi slt, %jit3A_1197, %sign3A_1209 : i32
        %sign3A_1211 = arith.extui %sign3A_1210 : i1 to i32
        %sign3A_1212 = arith.subi %sign3A_1208, %sign3A_1211 : i32
        %ne3A_1213 = arith.cmpi ne, %sign3A_1205, %sign3A_1212 : i32
        %rem3A_1214 = arith.remsi %add3A_1196, %jit3A_1197 : i32
        %ne3A_1215 = arith.constant 0 : i32
        %ne3A_1216 = arith.cmpi ne, %rem3A_1214, %ne3A_1215 : i32
        %and3A_1217 = arith.andi %ne3A_1213, %ne3A_1216 : i1
        %sub3A_1218 = arith.constant 1 : i32
        %sub3A_1219 = arith.subi %div3A_1198, %sub3A_1218 : i32
        %select_n3A_1220 = arith.select %and3A_1217, %sub3A_1219, %div3A_1198 : i32
        %jit3A_1221 = arith.constant 2 : i32
        %eq3A_1222 = arith.constant 0 : i32
        %eq3A_1223 = arith.cmpi eq, %jit3A_1221, %eq3A_1222 : i32
        %jit3A_1224 = arith.constant 1 : i32
        %select_n3A_1225 = arith.select %eq3A_1223, %jit3A_1224, %jit3A_1221 : i32
        %rem3A_1226 = arith.remsi %select_n3A_1220, %select_n3A_1225 : i32
        %ne3A_1227 = arith.constant 0 : i32
        %ne3A_1228 = arith.cmpi ne, %rem3A_1226, %ne3A_1227 : i32
        %lt3A_1229 = arith.constant 0 : i32
        %lt3A_1230 = arith.cmpi slt, %rem3A_1226, %lt3A_1229 : i32
        %lt3A_1231 = arith.constant 0 : i32
        %lt3A_1232 = arith.cmpi slt, %select_n3A_1225, %lt3A_1231 : i32
        %ne3A_1233 = arith.xori %lt3A_1230, %lt3A_1232 : i1
        %and3A_1234 = arith.andi %ne3A_1233, %ne3A_1228 : i1
        %add3A_1235 = arith.addi %rem3A_1226, %select_n3A_1225 : i32
        %select_n3A_1236 = arith.select %and3A_1234, %add3A_1235, %rem3A_1226 : i32
        %jit3A_1237 = arith.constant 8 : i32
        %eq3A_1238 = arith.constant 0 : i32
        %eq3A_1239 = arith.cmpi eq, %jit3A_1237, %eq3A_1238 : i32
        %jit3A_1240 = arith.constant 1 : i32
        %select_n3A_1241 = arith.select %eq3A_1239, %jit3A_1240, %jit3A_1237 : i32
        %rem3A_1242 = arith.remsi %add3A_1196, %select_n3A_1241 : i32
        %ne3A_1243 = arith.constant 0 : i32
        %ne3A_1244 = arith.cmpi ne, %rem3A_1242, %ne3A_1243 : i32
        %lt3A_1245 = arith.constant 0 : i32
        %lt3A_1246 = arith.cmpi slt, %rem3A_1242, %lt3A_1245 : i32
        %lt3A_1247 = arith.constant 0 : i32
        %lt3A_1248 = arith.cmpi slt, %select_n3A_1241, %lt3A_1247 : i32
        %ne3A_1249 = arith.xori %lt3A_1246, %lt3A_1248 : i1
        %and3A_1250 = arith.andi %ne3A_1249, %ne3A_1244 : i1
        %add3A_1251 = arith.addi %rem3A_1242, %select_n3A_1241 : i32
        %select_n3A_1252 = arith.select %and3A_1250, %add3A_1251, %rem3A_1242 : i32
        %dma_start3A_1253 = arith.constant 0 : i32
        %dma_start3A_1254 = tpu.memref_slice %arg8[%select_n3A_1236, %select_n3A_1252, %dma_start3A_1253] : memref<2x8x128xi32, #tpu.memory_space<vmem>> -> memref<1x1x128xi32, #tpu.memory_space<vmem>>
        %dma_start3A_1255 = tpu.memref_squeeze %dma_start3A_1254 : memref<1x1x128xi32, #tpu.memory_space<vmem>> -> memref<128xi32, #tpu.memory_space<vmem>>
        %dma_start3A_1256 = arith.constant 0 : i32
        %dma_start3A_1257 = arith.constant 0 : i32
        %dma_start3A_1258 = tpu.memref_slice %arg3[%dma_start3A_1256, %dma_start3A_1257] : memref<100000x64xf32, #tpu.memory_space<hbm>> -> memref<100000x64xf32, #tpu.memory_space<hbm>>
        tpu.enqueue_indirect_dma source(%dma_start3A_1258 : memref<100000x64xf32, #tpu.memory_space<hbm>>) target(%arg13 : memref<128x64xf32, #tpu.memory_space<vmem>>) offsets(%dma_start3A_1255 : memref<128xi32, #tpu.memory_space<vmem>>) semaphore(%arg24 : memref<!tpu.dma_semaphore, #tpu.memory_space<semaphore_mem>>)
      } else {
      }
      %mul3A_443 = arith.constant 5 : i32
      %mul3A_444 = arith.muli %scan3A_269, %mul3A_443 : i32
      %add3A_445 = arith.constant 1 : i32
      %add3A_446 = arith.addi %mul3A_444, %add3A_445 : i32
      %jit3A_447 = arith.constant 8 : i32
      %div3A_448 = arith.divsi %add3A_446, %jit3A_447 : i32
      %sign3A_449 = arith.constant 0 : i32
      %sign3A_450 = arith.cmpi sgt, %add3A_446, %sign3A_449 : i32
      %sign3A_451 = arith.extui %sign3A_450 : i1 to i32
      %sign3A_452 = arith.constant 0 : i32
      %sign3A_453 = arith.cmpi slt, %add3A_446, %sign3A_452 : i32
      %sign3A_454 = arith.extui %sign3A_453 : i1 to i32
      %sign3A_455 = arith.subi %sign3A_451, %sign3A_454 : i32
      %sign3A_456 = arith.constant 0 : i32
      %sign3A_457 = arith.cmpi sgt, %jit3A_447, %sign3A_456 : i32
      %sign3A_458 = arith.extui %sign3A_457 : i1 to i32
      %sign3A_459 = arith.constant 0 : i32
      %sign3A_460 = arith.cmpi slt, %jit3A_447, %sign3A_459 : i32
      %sign3A_461 = arith.extui %sign3A_460 : i1 to i32
      %sign3A_462 = arith.subi %sign3A_458, %sign3A_461 : i32
      %ne3A_463 = arith.cmpi ne, %sign3A_455, %sign3A_462 : i32
      %rem3A_464 = arith.remsi %add3A_446, %jit3A_447 : i32
      %ne3A_465 = arith.constant 0 : i32
      %ne3A_466 = arith.cmpi ne, %rem3A_464, %ne3A_465 : i32
      %and3A_467 = arith.andi %ne3A_463, %ne3A_466 : i1
      %sub3A_468 = arith.constant 1 : i32
      %sub3A_469 = arith.subi %div3A_448, %sub3A_468 : i32
      %select_n3A_470 = arith.select %and3A_467, %sub3A_469, %div3A_448 : i32
      %jit3A_471 = arith.constant 2 : i32
      %eq3A_472 = arith.constant 0 : i32
      %eq3A_473 = arith.cmpi eq, %jit3A_471, %eq3A_472 : i32
      %jit3A_474 = arith.constant 1 : i32
      %select_n3A_475 = arith.select %eq3A_473, %jit3A_474, %jit3A_471 : i32
      %rem3A_476 = arith.remsi %select_n3A_470, %select_n3A_475 : i32
      %ne3A_477 = arith.constant 0 : i32
      %ne3A_478 = arith.cmpi ne, %rem3A_476, %ne3A_477 : i32
      %lt3A_479 = arith.constant 0 : i32
      %lt3A_480 = arith.cmpi slt, %rem3A_476, %lt3A_479 : i32
      %lt3A_481 = arith.constant 0 : i32
      %lt3A_482 = arith.cmpi slt, %select_n3A_475, %lt3A_481 : i32
      %ne3A_483 = arith.xori %lt3A_480, %lt3A_482 : i1
      %and3A_484 = arith.andi %ne3A_483, %ne3A_478 : i1
      %add3A_485 = arith.addi %rem3A_476, %select_n3A_475 : i32
      %select_n3A_486 = arith.select %and3A_484, %add3A_485, %rem3A_476 : i32
      %jit3A_487 = arith.constant 8 : i32
      %eq3A_488 = arith.constant 0 : i32
      %eq3A_489 = arith.cmpi eq, %jit3A_487, %eq3A_488 : i32
      %jit3A_490 = arith.constant 1 : i32
      %select_n3A_491 = arith.select %eq3A_489, %jit3A_490, %jit3A_487 : i32
      %rem3A_492 = arith.remsi %add3A_446, %select_n3A_491 : i32
      %ne3A_493 = arith.constant 0 : i32
      %ne3A_494 = arith.cmpi ne, %rem3A_492, %ne3A_493 : i32
      %lt3A_495 = arith.constant 0 : i32
      %lt3A_496 = arith.cmpi slt, %rem3A_492, %lt3A_495 : i32
      %lt3A_497 = arith.constant 0 : i32
      %lt3A_498 = arith.cmpi slt, %select_n3A_491, %lt3A_497 : i32
      %ne3A_499 = arith.xori %lt3A_496, %lt3A_498 : i1
      %and3A_500 = arith.andi %ne3A_499, %ne3A_494 : i1
      %add3A_501 = arith.addi %rem3A_492, %select_n3A_491 : i32
      %select_n3A_502 = arith.select %and3A_500, %add3A_501, %rem3A_492 : i32
      %dma_wait3A_503 = arith.constant 0 : i32
      %dma_wait3A_504 = tpu.memref_slice %arg8[%select_n3A_486, %select_n3A_502, %dma_wait3A_503] : memref<2x8x128xi32, #tpu.memory_space<vmem>> -> memref<1x1x128xi32, #tpu.memory_space<vmem>>
      %dma_wait3A_505 = tpu.memref_squeeze %dma_wait3A_504 : memref<1x1x128xi32, #tpu.memory_space<vmem>> -> memref<128xi32, #tpu.memory_space<vmem>>
      %dma_wait3A_506 = arith.constant 0 : i32
      %dma_wait3A_507 = arith.constant 0 : i32
      %dma_wait3A_508 = tpu.memref_slice %arg3[%dma_wait3A_506, %dma_wait3A_507] : memref<100000x64xf32, #tpu.memory_space<hbm>> -> memref<100000x64xf32, #tpu.memory_space<hbm>>
      tpu.wait_indirect_dma semaphore(%arg21 : memref<!tpu.dma_semaphore, #tpu.memory_space<semaphore_mem>>) src(%dma_wait3A_508 : memref<100000x64xf32, #tpu.memory_space<hbm>>) dst(%arg10 : memref<128x64xf32, #tpu.memory_space<vmem>>)
      %and3A_509 = arith.constant 7 : i32
      %and3A_510 = arith.andi %add3A_446, %and3A_509 : i32
      %eq3A_511 = arith.constant 0 : i32
      %eq3A_512 = arith.cmpi eq, %and3A_510, %eq3A_511 : i32
      %gt3A_513 = arith.constant 0 : i32
      %gt3A_514 = arith.cmpi sgt, %add3A_446, %gt3A_513 : i32
      %add3A_515 = arith.constant 8 : i32
      %add3A_516 = arith.addi %add3A_446, %add3A_515 : i32
      %lt3A_517 = arith.constant 200 : i32
      %lt3A_518 = arith.cmpi slt, %add3A_516, %lt3A_517 : i32
      %and3A_519 = arith.andi %gt3A_514, %lt3A_518 : i1
      %and3A_520 = arith.andi %eq3A_512, %and3A_519 : i1
      %convert_element_type3A_521 = arith.extui %and3A_520 : i1 to i32
      %cond3A_522 = arith.constant 0 : i32
      %cond3A_523 = arith.cmpi ne, %convert_element_type3A_521, %cond3A_522 : i32
      scf.if %cond3A_523 {
        %shift_right_arithmetic3A_1195 = arith.constant 3 : i32
        %shift_right_arithmetic3A_1196 = arith.shrsi %add3A_446, %shift_right_arithmetic3A_1195 : i32
        %add3A_1197 = arith.constant 1 : i32
        %add3A_1198 = arith.addi %shift_right_arithmetic3A_1196, %add3A_1197 : i32
        %and3A_1199 = arith.constant 1 : i32
        %and3A_1200 = arith.andi %add3A_1198, %and3A_1199 : i32
        %dma_start3A_1201 = arith.constant 0 : i32
        %dma_start3A_1202 = arith.constant 0 : i32
        %dma_start3A_1203 = tpu.memref_slice %arg8[%and3A_1200, %dma_start3A_1201, %dma_start3A_1202] : memref<2x8x128xi32, #tpu.memory_space<vmem>> -> memref<1x8x128xi32, #tpu.memory_space<vmem>>
        %dma_start3A_1204 = tpu.memref_squeeze %dma_start3A_1203 : memref<1x8x128xi32, #tpu.memory_space<vmem>> -> memref<8x128xi32, #tpu.memory_space<vmem>>
        %dma_start3A_1205 = arith.constant 0 : i32
        %dma_start3A_1206 = arith.constant 0 : i32
        %dma_start3A_1207 = tpu.memref_slice %arg2[%add3A_1198, %add3A, %dma_start3A_1205, %dma_start3A_1206] : memref<25x32x8x128xi32, #tpu.memory_space<hbm>> -> memref<1x1x8x128xi32, #tpu.memory_space<hbm>>
        %dma_start3A_1208 = tpu.memref_squeeze %dma_start3A_1207 : memref<1x1x8x128xi32, #tpu.memory_space<hbm>> -> memref<8x128xi32, #tpu.memory_space<hbm>>
        %dma_start3A_1209 = arith.constant 0 : i32
        %dma_start3A_1210 = arith.constant 0 : i32
        %dma_start3A_1211 = tpu.memref_slice %arg8[%and3A_1200, %dma_start3A_1209, %dma_start3A_1210] : memref<2x8x128xi32, #tpu.memory_space<vmem>> -> memref<1x8x128xi32, #tpu.memory_space<vmem>>
        %dma_start3A_1212 = tpu.memref_squeeze %dma_start3A_1211 : memref<1x8x128xi32, #tpu.memory_space<vmem>> -> memref<8x128xi32, #tpu.memory_space<vmem>>
        %dma_start3A_1213 = arith.constant 0 : i32
        %dma_start3A_1214 = arith.constant 0 : i32
        %dma_start3A_1215 = tpu.memref_slice %arg2[%add3A_1198, %add3A, %dma_start3A_1213, %dma_start3A_1214] : memref<25x32x8x128xi32, #tpu.memory_space<hbm>> -> memref<1x1x8x128xi32, #tpu.memory_space<hbm>>
        %dma_start3A_1216 = tpu.memref_squeeze %dma_start3A_1215 : memref<1x1x8x128xi32, #tpu.memory_space<hbm>> -> memref<8x128xi32, #tpu.memory_space<hbm>>
        tpu.enqueue_dma source(%dma_start3A_1216 : memref<8x128xi32, #tpu.memory_space<hbm>>) target(%dma_start3A_1212 : memref<8x128xi32, #tpu.memory_space<vmem>>) target_semaphore(%arg19 : memref<!tpu.dma_semaphore, #tpu.memory_space<semaphore_mem>>)
      } else {
      }
      %ge3A_524 = arith.constant 5 : i32
      %ge3A_525 = arith.cmpi sge, %add3A_446, %ge3A_524 : i32
      %convert_element_type3A_526 = arith.extui %ge3A_525 : i1 to i32
      %cond3A_527 = arith.constant 0 : i32
      %cond3A_528 = arith.cmpi ne, %convert_element_type3A_526, %cond3A_527 : i32
      scf.if %cond3A_528 {
        %sub3A_1195 = arith.constant 5 : i32
        %sub3A_1196 = arith.subi %add3A_446, %sub3A_1195 : i32
        %dma_wait3A_1197 = arith.constant 0 : i32
        %dma_wait3A_1198 = arith.constant 0 : i32
        %dma_wait3A_1199 = arith.constant 0 : i32
        %dma_wait3A_1200 = tpu.memref_slice %arg15[%dma_wait3A_1197, %dma_wait3A_1198, %dma_wait3A_1199] : memref<8x8x137xf32, #tpu.memory_space<vmem>> -> memref<8x8x128xf32, #tpu.memory_space<vmem>>
        %dma_wait3A_1201 = arith.constant 0 : i32
        %dma_wait3A_1202 = arith.constant 0 : i32
        %dma_wait3A_1203 = arith.constant 0 : i32
        %dma_wait3A_1204 = tpu.memref_slice %arg5[%sub3A_1196, %dma_wait3A_1201, %add3A, %dma_wait3A_1202, %dma_wait3A_1203] : memref<200x8x32x8x128xf32, #tpu.memory_space<hbm>> -> memref<1x8x1x8x128xf32, #tpu.memory_space<hbm>>
        %dma_wait3A_1205 = tpu.memref_squeeze %dma_wait3A_1204 : memref<1x8x1x8x128xf32, #tpu.memory_space<hbm>> -> memref<8x8x128xf32, #tpu.memory_space<hbm>>
        %dma_wait3A_1206 = arith.constant 0 : i32
        %dma_wait3A_1207 = arith.constant 0 : i32
        %dma_wait3A_1208 = arith.constant 0 : i32
        %dma_wait3A_1209 = tpu.memref_slice %arg5[%sub3A_1196, %dma_wait3A_1206, %add3A, %dma_wait3A_1207, %dma_wait3A_1208] : memref<200x8x32x8x128xf32, #tpu.memory_space<hbm>> -> memref<1x8x1x8x128xf32, #tpu.memory_space<hbm>>
        %dma_wait3A_1210 = tpu.memref_squeeze %dma_wait3A_1209 : memref<1x8x1x8x128xf32, #tpu.memory_space<hbm>> -> memref<8x8x128xf32, #tpu.memory_space<hbm>>
        %dma_wait3A_1211 = arith.constant 0 : i32
        %dma_wait3A_1212 = arith.constant 0 : i32
        %dma_wait3A_1213 = arith.constant 0 : i32
        %dma_wait3A_1214 = tpu.memref_slice %arg15[%dma_wait3A_1211, %dma_wait3A_1212, %dma_wait3A_1213] : memref<8x8x137xf32, #tpu.memory_space<vmem>> -> memref<8x8x128xf32, #tpu.memory_space<vmem>>
        tpu.wait_dma2 semaphore(%arg26 : memref<!tpu.dma_semaphore, #tpu.memory_space<semaphore_mem>>) src(%dma_wait3A_1214 : memref<8x8x128xf32, #tpu.memory_space<vmem>>) dst(%dma_wait3A_1210 : memref<8x8x128xf32, #tpu.memory_space<hbm>>)
      } else {
      }
      %get3A_529 = arith.index_cast %add3A_446 : i32 to index
      %get3A_530 = arith.constant 0 : index
      %get3A_531 = tpu.vector_load %arg6[%get3A_529, %get3A_530] {strides = array<i32>} : memref<200x64xf32, #tpu.memory_space<vmem>>, vector<16xf32>,
      %get3A_532 = arith.index_cast %add3A_446 : i32 to index
      %get3A_533 = arith.constant 16 : index
      %get3A_534 = tpu.vector_load %arg6[%get3A_532, %get3A_533] {strides = array<i32>} : memref<200x64xf32, #tpu.memory_space<vmem>>, vector<16xf32>,
      %get3A_535 = arith.index_cast %add3A_446 : i32 to index
      %get3A_536 = arith.constant 32 : index
      %get3A_537 = tpu.vector_load %arg6[%get3A_535, %get3A_536] {strides = array<i32>} : memref<200x64xf32, #tpu.memory_space<vmem>>, vector<16xf32>,
      %get3A_538 = arith.index_cast %add3A_446 : i32 to index
      %get3A_539 = arith.constant 48 : index
      %get3A_540 = tpu.vector_load %arg6[%get3A_538, %get3A_539] {strides = array<i32>} : memref<200x64xf32, #tpu.memory_space<vmem>>, vector<16xf32>,
      %get3A_541 = arith.constant 0 : i32
      %get3A_542 = arith.constant 0 : i32
      %get3A_543 = arith.index_cast %get3A_541 : i32 to index
      %get3A_544 = arith.index_cast %get3A_542 : i32 to index
      %get3A_545 = arith.constant 0 : index
      %get3A_546 = tpu.vector_load %arg7[%get3A_543, %get3A_544, %get3A_545] {strides = array<i32>} : memref<2x4x16xi32, #tpu.memory_space<vmem>>, vector<16xi32>,
      %get3A_547 = arith.constant 0 : i32
      %get3A_548 = arith.constant 1 : i32
      %get3A_549 = arith.index_cast %get3A_547 : i32 to index
      %get3A_550 = arith.index_cast %get3A_548 : i32 to index
      %get3A_551 = arith.constant 0 : index
      %get3A_552 = tpu.vector_load %arg7[%get3A_549, %get3A_550, %get3A_551] {strides = array<i32>} : memref<2x4x16xi32, #tpu.memory_space<vmem>>, vector<16xi32>,
      %get3A_553 = arith.constant 0 : i32
      %get3A_554 = arith.constant 2 : i32
      %get3A_555 = arith.index_cast %get3A_553 : i32 to index
      %get3A_556 = arith.index_cast %get3A_554 : i32 to index
      %get3A_557 = arith.constant 0 : index
      %get3A_558 = tpu.vector_load %arg7[%get3A_555, %get3A_556, %get3A_557] {strides = array<i32>} : memref<2x4x16xi32, #tpu.memory_space<vmem>>, vector<16xi32>,
      %get3A_559 = arith.constant 0 : i32
      %get3A_560 = arith.constant 3 : i32
      %get3A_561 = arith.index_cast %get3A_559 : i32 to index
      %get3A_562 = arith.index_cast %get3A_560 : i32 to index
      %get3A_563 = arith.constant 0 : index
      %get3A_564 = tpu.vector_load %arg7[%get3A_561, %get3A_562, %get3A_563] {strides = array<i32>} : memref<2x4x16xi32, #tpu.memory_space<vmem>>, vector<16xi32>,
      %get3A_565 = arith.constant 1 : i32
      %get3A_566 = arith.constant 0 : i32
      %get3A_567 = arith.index_cast %get3A_565 : i32 to index
      %get3A_568 = arith.index_cast %get3A_566 : i32 to index
      %get3A_569 = arith.constant 0 : index
      %get3A_570 = tpu.vector_load %arg7[%get3A_567, %get3A_568, %get3A_569] {strides = array<i32>} : memref<2x4x16xi32, #tpu.memory_space<vmem>>, vector<16xi32>,
      %get3A_571 = arith.constant 1 : i32
      %get3A_572 = arith.constant 1 : i32
      %get3A_573 = arith.index_cast %get3A_571 : i32 to index
      %get3A_574 = arith.index_cast %get3A_572 : i32 to index
      %get3A_575 = arith.constant 0 : index
      %get3A_576 = tpu.vector_load %arg7[%get3A_573, %get3A_574, %get3A_575] {strides = array<i32>} : memref<2x4x16xi32, #tpu.memory_space<vmem>>, vector<16xi32>,
      %get3A_577 = arith.constant 1 : i32
      %get3A_578 = arith.constant 2 : i32
      %get3A_579 = arith.index_cast %get3A_577 : i32 to index
      %get3A_580 = arith.index_cast %get3A_578 : i32 to index
      %get3A_581 = arith.constant 0 : index
      %get3A_582 = tpu.vector_load %arg7[%get3A_579, %get3A_580, %get3A_581] {strides = array<i32>} : memref<2x4x16xi32, #tpu.memory_space<vmem>>, vector<16xi32>,
      %get3A_583 = arith.constant 1 : i32
      %get3A_584 = arith.constant 3 : i32
      %get3A_585 = arith.index_cast %get3A_583 : i32 to index
      %get3A_586 = arith.index_cast %get3A_584 : i32 to index
      %get3A_587 = arith.constant 0 : index
      %get3A_588 = tpu.vector_load %arg7[%get3A_585, %get3A_586, %get3A_587] {strides = array<i32>} : memref<2x4x16xi32, #tpu.memory_space<vmem>>, vector<16xi32>,
      %parallel_loop3A_589 = arith.constant 0 : i32
      %parallel_loop3A_590 = arith.constant 128 : i32
      %parallel_loop3A_591 = arith.constant 1 : i32
      scf.for %parallel_loop3A_1195 = %parallel_loop3A_589 to %parallel_loop3A_590 step %parallel_loop3A_591  : i32 {
        %parallel_loop3A_1196 = vector.broadcast %parallel_loop3A_1195 : i32 to vector<16xi32>
        %parallel_loop3A_1197 = arith.index_cast %parallel_loop3A_1195 : i32 to index
        %parallel_loop3A_1198 = arith.constant 0 : index
        %parallel_loop3A_1199 = tpu.vector_load %arg10[%parallel_loop3A_1197, %parallel_loop3A_1198] {strides = array<i32>} : memref<128x64xf32, #tpu.memory_space<vmem>>, vector<16xf32>,
        %parallel_loop3A_1200 = arith.addf %parallel_loop3A_1199, %get3A_531 : vector<16xf32>
        tpu.vector_store_idx %arg15[%get3A_546, %get3A_570, %parallel_loop3A_1196], %parallel_loop3A_1200 : memref<8x8x137xf32, #tpu.memory_space<vmem>>[vector<16xi32>, vector<16xi32>, vector<16xi32>], vector<16xf32>,
        %parallel_loop3A_1201 = arith.index_cast %parallel_loop3A_1195 : i32 to index
        %parallel_loop3A_1202 = arith.constant 16 : index
        %parallel_loop3A_1203 = tpu.vector_load %arg10[%parallel_loop3A_1201, %parallel_loop3A_1202] {strides = array<i32>} : memref<128x64xf32, #tpu.memory_space<vmem>>, vector<16xf32>,
        %parallel_loop3A_1204 = arith.addf %parallel_loop3A_1203, %get3A_534 : vector<16xf32>
        tpu.vector_store_idx %arg15[%get3A_552, %get3A_576, %parallel_loop3A_1196], %parallel_loop3A_1204 : memref<8x8x137xf32, #tpu.memory_space<vmem>>[vector<16xi32>, vector<16xi32>, vector<16xi32>], vector<16xf32>,
        %parallel_loop3A_1205 = arith.index_cast %parallel_loop3A_1195 : i32 to index
        %parallel_loop3A_1206 = arith.constant 32 : index
        %parallel_loop3A_1207 = tpu.vector_load %arg10[%parallel_loop3A_1205, %parallel_loop3A_1206] {strides = array<i32>} : memref<128x64xf32, #tpu.memory_space<vmem>>, vector<16xf32>,
        %parallel_loop3A_1208 = arith.addf %parallel_loop3A_1207, %get3A_537 : vector<16xf32>
        tpu.vector_store_idx %arg15[%get3A_558, %get3A_582, %parallel_loop3A_1196], %parallel_loop3A_1208 : memref<8x8x137xf32, #tpu.memory_space<vmem>>[vector<16xi32>, vector<16xi32>, vector<16xi32>], vector<16xf32>,
        %parallel_loop3A_1209 = arith.index_cast %parallel_loop3A_1195 : i32 to index
        %parallel_loop3A_1210 = arith.constant 48 : index
        %parallel_loop3A_1211 = tpu.vector_load %arg10[%parallel_loop3A_1209, %parallel_loop3A_1210] {strides = array<i32>} : memref<128x64xf32, #tpu.memory_space<vmem>>, vector<16xf32>,
        %parallel_loop3A_1212 = arith.addf %parallel_loop3A_1211, %get3A_540 : vector<16xf32>
        tpu.vector_store_idx %arg15[%get3A_564, %get3A_588, %parallel_loop3A_1196], %parallel_loop3A_1212 : memref<8x8x137xf32, #tpu.memory_space<vmem>>[vector<16xi32>, vector<16xi32>, vector<16xi32>], vector<16xf32>,
      } {sc.loop_unroll_factor = 4 : i64, sc.parallel_access}
      %dma_start3A_592 = arith.constant 0 : i32
      %dma_start3A_593 = arith.constant 0 : i32
      %dma_start3A_594 = arith.constant 0 : i32
      %dma_start3A_595 = tpu.memref_slice %arg15[%dma_start3A_592, %dma_start3A_593, %dma_start3A_594] : memref<8x8x137xf32, #tpu.memory_space<vmem>> -> memref<8x8x128xf32, #tpu.memory_space<vmem>>
      %dma_start3A_596 = arith.constant 0 : i32
      %dma_start3A_597 = arith.constant 0 : i32
      %dma_start3A_598 = arith.constant 0 : i32
      %dma_start3A_599 = tpu.memref_slice %arg5[%add3A_446, %dma_start3A_596, %add3A, %dma_start3A_597, %dma_start3A_598] : memref<200x8x32x8x128xf32, #tpu.memory_space<hbm>> -> memref<1x8x1x8x128xf32, #tpu.memory_space<hbm>>
      %dma_start3A_600 = tpu.memref_squeeze %dma_start3A_599 : memref<1x8x1x8x128xf32, #tpu.memory_space<hbm>> -> memref<8x8x128xf32, #tpu.memory_space<hbm>>
      %dma_start3A_601 = arith.constant 0 : i32
      %dma_start3A_602 = arith.constant 0 : i32
      %dma_start3A_603 = arith.constant 0 : i32
      %dma_start3A_604 = tpu.memref_slice %arg5[%add3A_446, %dma_start3A_601, %add3A, %dma_start3A_602, %dma_start3A_603] : memref<200x8x32x8x128xf32, #tpu.memory_space<hbm>> -> memref<1x8x1x8x128xf32, #tpu.memory_space<hbm>>
      %dma_start3A_605 = tpu.memref_squeeze %dma_start3A_604 : memref<1x8x1x8x128xf32, #tpu.memory_space<hbm>> -> memref<8x8x128xf32, #tpu.memory_space<hbm>>
      %dma_start3A_606 = arith.constant 0 : i32
      %dma_start3A_607 = arith.constant 0 : i32
      %dma_start3A_608 = arith.constant 0 : i32
      %dma_start3A_609 = tpu.memref_slice %arg15[%dma_start3A_606, %dma_start3A_607, %dma_start3A_608] : memref<8x8x137xf32, #tpu.memory_space<vmem>> -> memref<8x8x128xf32, #tpu.memory_space<vmem>>
      tpu.enqueue_dma source(%dma_start3A_609 : memref<8x8x128xf32, #tpu.memory_space<vmem>>) target(%dma_start3A_605 : memref<8x8x128xf32, #tpu.memory_space<hbm>>) target_semaphore(%arg26 : memref<!tpu.dma_semaphore, #tpu.memory_space<semaphore_mem>>)
      %add3A_610 = arith.constant 4 : i32
      %add3A_611 = arith.addi %add3A_446, %add3A_610 : i32
      %lt3A_612 = arith.constant 200 : i32
      %lt3A_613 = arith.cmpi slt, %add3A_611, %lt3A_612 : i32
      %add3A_614 = arith.constant 4 : i32
      %add3A_615 = arith.addi %add3A_446, %add3A_614 : i32
      %and3A_616 = arith.constant 7 : i32
      %and3A_617 = arith.andi %add3A_615, %and3A_616 : i32
      %eq3A_618 = arith.constant 0 : i32
      %eq3A_619 = arith.cmpi eq, %and3A_617, %eq3A_618 : i32
      %and3A_620 = arith.andi %lt3A_613, %eq3A_619 : i1
      %convert_element_type3A_621 = arith.extui %and3A_620 : i1 to i32
      %cond3A_622 = arith.constant 0 : i32
      %cond3A_623 = arith.cmpi ne, %convert_element_type3A_621, %cond3A_622 : i32
      scf.if %cond3A_623 {
        %add3A_1195 = arith.constant 4 : i32
        %add3A_1196 = arith.addi %add3A_446, %add3A_1195 : i32
        %shift_right_arithmetic3A_1197 = arith.constant 3 : i32
        %shift_right_arithmetic3A_1198 = arith.shrsi %add3A_1196, %shift_right_arithmetic3A_1197 : i32
        %add3A_1199 = arith.constant 4 : i32
        %add3A_1200 = arith.addi %add3A_446, %add3A_1199 : i32
        %shift_right_arithmetic3A_1201 = arith.constant 3 : i32
        %shift_right_arithmetic3A_1202 = arith.shrsi %add3A_1200, %shift_right_arithmetic3A_1201 : i32
        %and3A_1203 = arith.constant 1 : i32
        %and3A_1204 = arith.andi %shift_right_arithmetic3A_1202, %and3A_1203 : i32
        %dma_wait3A_1205 = arith.constant 0 : i32
        %dma_wait3A_1206 = arith.constant 0 : i32
        %dma_wait3A_1207 = tpu.memref_slice %arg8[%and3A_1204, %dma_wait3A_1205, %dma_wait3A_1206] : memref<2x8x128xi32, #tpu.memory_space<vmem>> -> memref<1x8x128xi32, #tpu.memory_space<vmem>>
        %dma_wait3A_1208 = tpu.memref_squeeze %dma_wait3A_1207 : memref<1x8x128xi32, #tpu.memory_space<vmem>> -> memref<8x128xi32, #tpu.memory_space<vmem>>
        %dma_wait3A_1209 = arith.constant 0 : i32
        %dma_wait3A_1210 = arith.constant 0 : i32
        %dma_wait3A_1211 = tpu.memref_slice %arg2[%shift_right_arithmetic3A_1198, %add3A, %dma_wait3A_1209, %dma_wait3A_1210] : memref<25x32x8x128xi32, #tpu.memory_space<hbm>> -> memref<1x1x8x128xi32, #tpu.memory_space<hbm>>
        %dma_wait3A_1212 = tpu.memref_squeeze %dma_wait3A_1211 : memref<1x1x8x128xi32, #tpu.memory_space<hbm>> -> memref<8x128xi32, #tpu.memory_space<hbm>>
        %dma_wait3A_1213 = arith.constant 0 : i32
        %dma_wait3A_1214 = arith.constant 0 : i32
        %dma_wait3A_1215 = tpu.memref_slice %arg8[%and3A_1204, %dma_wait3A_1213, %dma_wait3A_1214] : memref<2x8x128xi32, #tpu.memory_space<vmem>> -> memref<1x8x128xi32, #tpu.memory_space<vmem>>
        %dma_wait3A_1216 = tpu.memref_squeeze %dma_wait3A_1215 : memref<1x8x128xi32, #tpu.memory_space<vmem>> -> memref<8x128xi32, #tpu.memory_space<vmem>>
        %dma_wait3A_1217 = arith.constant 0 : i32
        %dma_wait3A_1218 = arith.constant 0 : i32
        %dma_wait3A_1219 = tpu.memref_slice %arg2[%shift_right_arithmetic3A_1198, %add3A, %dma_wait3A_1217, %dma_wait3A_1218] : memref<25x32x8x128xi32, #tpu.memory_space<hbm>> -> memref<1x1x8x128xi32, #tpu.memory_space<hbm>>
        %dma_wait3A_1220 = tpu.memref_squeeze %dma_wait3A_1219 : memref<1x1x8x128xi32, #tpu.memory_space<hbm>> -> memref<8x128xi32, #tpu.memory_space<hbm>>
        tpu.wait_dma2 semaphore(%arg19 : memref<!tpu.dma_semaphore, #tpu.memory_space<semaphore_mem>>) src(%dma_wait3A_1220 : memref<8x128xi32, #tpu.memory_space<hbm>>) dst(%dma_wait3A_1216 : memref<8x128xi32, #tpu.memory_space<vmem>>)
      } else {
      }
      %add3A_624 = arith.constant 4 : i32
      %add3A_625 = arith.addi %add3A_446, %add3A_624 : i32
      %lt3A_626 = arith.constant 200 : i32
      %lt3A_627 = arith.cmpi slt, %add3A_625, %lt3A_626 : i32
      %convert_element_type3A_628 = arith.extui %lt3A_627 : i1 to i32
      %cond3A_629 = arith.constant 0 : i32
      %cond3A_630 = arith.cmpi ne, %convert_element_type3A_628, %cond3A_629 : i32
      scf.if %cond3A_630 {
        %add3A_1195 = arith.constant 4 : i32
        %add3A_1196 = arith.addi %add3A_446, %add3A_1195 : i32
        %jit3A_1197 = arith.constant 8 : i32
        %div3A_1198 = arith.divsi %add3A_1196, %jit3A_1197 : i32
        %sign3A_1199 = arith.constant 0 : i32
        %sign3A_1200 = arith.cmpi sgt, %add3A_1196, %sign3A_1199 : i32
        %sign3A_1201 = arith.extui %sign3A_1200 : i1 to i32
        %sign3A_1202 = arith.constant 0 : i32
        %sign3A_1203 = arith.cmpi slt, %add3A_1196, %sign3A_1202 : i32
        %sign3A_1204 = arith.extui %sign3A_1203 : i1 to i32
        %sign3A_1205 = arith.subi %sign3A_1201, %sign3A_1204 : i32
        %sign3A_1206 = arith.constant 0 : i32
        %sign3A_1207 = arith.cmpi sgt, %jit3A_1197, %sign3A_1206 : i32
        %sign3A_1208 = arith.extui %sign3A_1207 : i1 to i32
        %sign3A_1209 = arith.constant 0 : i32
        %sign3A_1210 = arith.cmpi slt, %jit3A_1197, %sign3A_1209 : i32
        %sign3A_1211 = arith.extui %sign3A_1210 : i1 to i32
        %sign3A_1212 = arith.subi %sign3A_1208, %sign3A_1211 : i32
        %ne3A_1213 = arith.cmpi ne, %sign3A_1205, %sign3A_1212 : i32
        %rem3A_1214 = arith.remsi %add3A_1196, %jit3A_1197 : i32
        %ne3A_1215 = arith.constant 0 : i32
        %ne3A_1216 = arith.cmpi ne, %rem3A_1214, %ne3A_1215 : i32
        %and3A_1217 = arith.andi %ne3A_1213, %ne3A_1216 : i1
        %sub3A_1218 = arith.constant 1 : i32
        %sub3A_1219 = arith.subi %div3A_1198, %sub3A_1218 : i32
        %select_n3A_1220 = arith.select %and3A_1217, %sub3A_1219, %div3A_1198 : i32
        %jit3A_1221 = arith.constant 2 : i32
        %eq3A_1222 = arith.constant 0 : i32
        %eq3A_1223 = arith.cmpi eq, %jit3A_1221, %eq3A_1222 : i32
        %jit3A_1224 = arith.constant 1 : i32
        %select_n3A_1225 = arith.select %eq3A_1223, %jit3A_1224, %jit3A_1221 : i32
        %rem3A_1226 = arith.remsi %select_n3A_1220, %select_n3A_1225 : i32
        %ne3A_1227 = arith.constant 0 : i32
        %ne3A_1228 = arith.cmpi ne, %rem3A_1226, %ne3A_1227 : i32
        %lt3A_1229 = arith.constant 0 : i32
        %lt3A_1230 = arith.cmpi slt, %rem3A_1226, %lt3A_1229 : i32
        %lt3A_1231 = arith.constant 0 : i32
        %lt3A_1232 = arith.cmpi slt, %select_n3A_1225, %lt3A_1231 : i32
        %ne3A_1233 = arith.xori %lt3A_1230, %lt3A_1232 : i1
        %and3A_1234 = arith.andi %ne3A_1233, %ne3A_1228 : i1
        %add3A_1235 = arith.addi %rem3A_1226, %select_n3A_1225 : i32
        %select_n3A_1236 = arith.select %and3A_1234, %add3A_1235, %rem3A_1226 : i32
        %jit3A_1237 = arith.constant 8 : i32
        %eq3A_1238 = arith.constant 0 : i32
        %eq3A_1239 = arith.cmpi eq, %jit3A_1237, %eq3A_1238 : i32
        %jit3A_1240 = arith.constant 1 : i32
        %select_n3A_1241 = arith.select %eq3A_1239, %jit3A_1240, %jit3A_1237 : i32
        %rem3A_1242 = arith.remsi %add3A_1196, %select_n3A_1241 : i32
        %ne3A_1243 = arith.constant 0 : i32
        %ne3A_1244 = arith.cmpi ne, %rem3A_1242, %ne3A_1243 : i32
        %lt3A_1245 = arith.constant 0 : i32
        %lt3A_1246 = arith.cmpi slt, %rem3A_1242, %lt3A_1245 : i32
        %lt3A_1247 = arith.constant 0 : i32
        %lt3A_1248 = arith.cmpi slt, %select_n3A_1241, %lt3A_1247 : i32
        %ne3A_1249 = arith.xori %lt3A_1246, %lt3A_1248 : i1
        %and3A_1250 = arith.andi %ne3A_1249, %ne3A_1244 : i1
        %add3A_1251 = arith.addi %rem3A_1242, %select_n3A_1241 : i32
        %select_n3A_1252 = arith.select %and3A_1250, %add3A_1251, %rem3A_1242 : i32
        %dma_start3A_1253 = arith.constant 0 : i32
        %dma_start3A_1254 = tpu.memref_slice %arg8[%select_n3A_1236, %select_n3A_1252, %dma_start3A_1253] : memref<2x8x128xi32, #tpu.memory_space<vmem>> -> memref<1x1x128xi32, #tpu.memory_space<vmem>>
        %dma_start3A_1255 = tpu.memref_squeeze %dma_start3A_1254 : memref<1x1x128xi32, #tpu.memory_space<vmem>> -> memref<128xi32, #tpu.memory_space<vmem>>
        %dma_start3A_1256 = arith.constant 0 : i32
        %dma_start3A_1257 = arith.constant 0 : i32
        %dma_start3A_1258 = tpu.memref_slice %arg3[%dma_start3A_1256, %dma_start3A_1257] : memref<100000x64xf32, #tpu.memory_space<hbm>> -> memref<100000x64xf32, #tpu.memory_space<hbm>>
        tpu.enqueue_indirect_dma source(%dma_start3A_1258 : memref<100000x64xf32, #tpu.memory_space<hbm>>) target(%arg9 : memref<128x64xf32, #tpu.memory_space<vmem>>) offsets(%dma_start3A_1255 : memref<128xi32, #tpu.memory_space<vmem>>) semaphore(%arg20 : memref<!tpu.dma_semaphore, #tpu.memory_space<semaphore_mem>>)
      } else {
      }
      %mul3A_631 = arith.constant 5 : i32
      %mul3A_632 = arith.muli %scan3A_269, %mul3A_631 : i32
      %add3A_633 = arith.constant 2 : i32
      %add3A_634 = arith.addi %mul3A_632, %add3A_633 : i32
      %jit3A_635 = arith.constant 8 : i32
      %div3A_636 = arith.divsi %add3A_634, %jit3A_635 : i32
      %sign3A_637 = arith.constant 0 : i32
      %sign3A_638 = arith.cmpi sgt, %add3A_634, %sign3A_637 : i32
      %sign3A_639 = arith.extui %sign3A_638 : i1 to i32
      %sign3A_640 = arith.constant 0 : i32
      %sign3A_641 = arith.cmpi slt, %add3A_634, %sign3A_640 : i32
      %sign3A_642 = arith.extui %sign3A_641 : i1 to i32
      %sign3A_643 = arith.subi %sign3A_639, %sign3A_642 : i32
      %sign3A_644 = arith.constant 0 : i32
      %sign3A_645 = arith.cmpi sgt, %jit3A_635, %sign3A_644 : i32
      %sign3A_646 = arith.extui %sign3A_645 : i1 to i32
      %sign3A_647 = arith.constant 0 : i32
      %sign3A_648 = arith.cmpi slt, %jit3A_635, %sign3A_647 : i32
      %sign3A_649 = arith.extui %sign3A_648 : i1 to i32
      %sign3A_650 = arith.subi %sign3A_646, %sign3A_649 : i32
      %ne3A_651 = arith.cmpi ne, %sign3A_643, %sign3A_650 : i32
      %rem3A_652 = arith.remsi %add3A_634, %jit3A_635 : i32
      %ne3A_653 = arith.constant 0 : i32
      %ne3A_654 = arith.cmpi ne, %rem3A_652, %ne3A_653 : i32
      %and3A_655 = arith.andi %ne3A_651, %ne3A_654 : i1
      %sub3A_656 = arith.constant 1 : i32
      %sub3A_657 = arith.subi %div3A_636, %sub3A_656 : i32
      %select_n3A_658 = arith.select %and3A_655, %sub3A_657, %div3A_636 : i32
      %jit3A_659 = arith.constant 2 : i32
      %eq3A_660 = arith.constant 0 : i32
      %eq3A_661 = arith.cmpi eq, %jit3A_659, %eq3A_660 : i32
      %jit3A_662 = arith.constant 1 : i32
      %select_n3A_663 = arith.select %eq3A_661, %jit3A_662, %jit3A_659 : i32
      %rem3A_664 = arith.remsi %select_n3A_658, %select_n3A_663 : i32
      %ne3A_665 = arith.constant 0 : i32
      %ne3A_666 = arith.cmpi ne, %rem3A_664, %ne3A_665 : i32
      %lt3A_667 = arith.constant 0 : i32
      %lt3A_668 = arith.cmpi slt, %rem3A_664, %lt3A_667 : i32
      %lt3A_669 = arith.constant 0 : i32
      %lt3A_670 = arith.cmpi slt, %select_n3A_663, %lt3A_669 : i32
      %ne3A_671 = arith.xori %lt3A_668, %lt3A_670 : i1
      %and3A_672 = arith.andi %ne3A_671, %ne3A_666 : i1
      %add3A_673 = arith.addi %rem3A_664, %select_n3A_663 : i32
      %select_n3A_674 = arith.select %and3A_672, %add3A_673, %rem3A_664 : i32
      %jit3A_675 = arith.constant 8 : i32
      %eq3A_676 = arith.constant 0 : i32
      %eq3A_677 = arith.cmpi eq, %jit3A_675, %eq3A_676 : i32
      %jit3A_678 = arith.constant 1 : i32
      %select_n3A_679 = arith.select %eq3A_677, %jit3A_678, %jit3A_675 : i32
      %rem3A_680 = arith.remsi %add3A_634, %select_n3A_679 : i32
      %ne3A_681 = arith.constant 0 : i32
      %ne3A_682 = arith.cmpi ne, %rem3A_680, %ne3A_681 : i32
      %lt3A_683 = arith.constant 0 : i32
      %lt3A_684 = arith.cmpi slt, %rem3A_680, %lt3A_683 : i32
      %lt3A_685 = arith.constant 0 : i32
      %lt3A_686 = arith.cmpi slt, %select_n3A_679, %lt3A_685 : i32
      %ne3A_687 = arith.xori %lt3A_684, %lt3A_686 : i1
      %and3A_688 = arith.andi %ne3A_687, %ne3A_682 : i1
      %add3A_689 = arith.addi %rem3A_680, %select_n3A_679 : i32
      %select_n3A_690 = arith.select %and3A_688, %add3A_689, %rem3A_680 : i32
      %dma_wait3A_691 = arith.constant 0 : i32
      %dma_wait3A_692 = tpu.memref_slice %arg8[%select_n3A_674, %select_n3A_690, %dma_wait3A_691] : memref<2x8x128xi32, #tpu.memory_space<vmem>> -> memref<1x1x128xi32, #tpu.memory_space<vmem>>
      %dma_wait3A_693 = tpu.memref_squeeze %dma_wait3A_692 : memref<1x1x128xi32, #tpu.memory_space<vmem>> -> memref<128xi32, #tpu.memory_space<vmem>>
      %dma_wait3A_694 = arith.constant 0 : i32
      %dma_wait3A_695 = arith.constant 0 : i32
      %dma_wait3A_696 = tpu.memref_slice %arg3[%dma_wait3A_694, %dma_wait3A_695] : memref<100000x64xf32, #tpu.memory_space<hbm>> -> memref<100000x64xf32, #tpu.memory_space<hbm>>
      tpu.wait_indirect_dma semaphore(%arg22 : memref<!tpu.dma_semaphore, #tpu.memory_space<semaphore_mem>>) src(%dma_wait3A_696 : memref<100000x64xf32, #tpu.memory_space<hbm>>) dst(%arg11 : memref<128x64xf32, #tpu.memory_space<vmem>>)
      %and3A_697 = arith.constant 7 : i32
      %and3A_698 = arith.andi %add3A_634, %and3A_697 : i32
      %eq3A_699 = arith.constant 0 : i32
      %eq3A_700 = arith.cmpi eq, %and3A_698, %eq3A_699 : i32
      %gt3A_701 = arith.constant 0 : i32
      %gt3A_702 = arith.cmpi sgt, %add3A_634, %gt3A_701 : i32
      %add3A_703 = arith.constant 8 : i32
      %add3A_704 = arith.addi %add3A_634, %add3A_703 : i32
      %lt3A_705 = arith.constant 200 : i32
      %lt3A_706 = arith.cmpi slt, %add3A_704, %lt3A_705 : i32
      %and3A_707 = arith.andi %gt3A_702, %lt3A_706 : i1
      %and3A_708 = arith.andi %eq3A_700, %and3A_707 : i1
      %convert_element_type3A_709 = arith.extui %and3A_708 : i1 to i32
      %cond3A_710 = arith.constant 0 : i32
      %cond3A_711 = arith.cmpi ne, %convert_element_type3A_709, %cond3A_710 : i32
      scf.if %cond3A_711 {
        %shift_right_arithmetic3A_1195 = arith.constant 3 : i32
        %shift_right_arithmetic3A_1196 = arith.shrsi %add3A_634, %shift_right_arithmetic3A_1195 : i32
        %add3A_1197 = arith.constant 1 : i32
        %add3A_1198 = arith.addi %shift_right_arithmetic3A_1196, %add3A_1197 : i32
        %and3A_1199 = arith.constant 1 : i32
        %and3A_1200 = arith.andi %add3A_1198, %and3A_1199 : i32
        %dma_start3A_1201 = arith.constant 0 : i32
        %dma_start3A_1202 = arith.constant 0 : i32
        %dma_start3A_1203 = tpu.memref_slice %arg8[%and3A_1200, %dma_start3A_1201, %dma_start3A_1202] : memref<2x8x128xi32, #tpu.memory_space<vmem>> -> memref<1x8x128xi32, #tpu.memory_space<vmem>>
        %dma_start3A_1204 = tpu.memref_squeeze %dma_start3A_1203 : memref<1x8x128xi32, #tpu.memory_space<vmem>> -> memref<8x128xi32, #tpu.memory_space<vmem>>
        %dma_start3A_1205 = arith.constant 0 : i32
        %dma_start3A_1206 = arith.constant 0 : i32
        %dma_start3A_1207 = tpu.memref_slice %arg2[%add3A_1198, %add3A, %dma_start3A_1205, %dma_start3A_1206] : memref<25x32x8x128xi32, #tpu.memory_space<hbm>> -> memref<1x1x8x128xi32, #tpu.memory_space<hbm>>
        %dma_start3A_1208 = tpu.memref_squeeze %dma_start3A_1207 : memref<1x1x8x128xi32, #tpu.memory_space<hbm>> -> memref<8x128xi32, #tpu.memory_space<hbm>>
        %dma_start3A_1209 = arith.constant 0 : i32
        %dma_start3A_1210 = arith.constant 0 : i32
        %dma_start3A_1211 = tpu.memref_slice %arg8[%and3A_1200, %dma_start3A_1209, %dma_start3A_1210] : memref<2x8x128xi32, #tpu.memory_space<vmem>> -> memref<1x8x128xi32, #tpu.memory_space<vmem>>
        %dma_start3A_1212 = tpu.memref_squeeze %dma_start3A_1211 : memref<1x8x128xi32, #tpu.memory_space<vmem>> -> memref<8x128xi32, #tpu.memory_space<vmem>>
        %dma_start3A_1213 = arith.constant 0 : i32
        %dma_start3A_1214 = arith.constant 0 : i32
        %dma_start3A_1215 = tpu.memref_slice %arg2[%add3A_1198, %add3A, %dma_start3A_1213, %dma_start3A_1214] : memref<25x32x8x128xi32, #tpu.memory_space<hbm>> -> memref<1x1x8x128xi32, #tpu.memory_space<hbm>>
        %dma_start3A_1216 = tpu.memref_squeeze %dma_start3A_1215 : memref<1x1x8x128xi32, #tpu.memory_space<hbm>> -> memref<8x128xi32, #tpu.memory_space<hbm>>
        tpu.enqueue_dma source(%dma_start3A_1216 : memref<8x128xi32, #tpu.memory_space<hbm>>) target(%dma_start3A_1212 : memref<8x128xi32, #tpu.memory_space<vmem>>) target_semaphore(%arg19 : memref<!tpu.dma_semaphore, #tpu.memory_space<semaphore_mem>>)
      } else {
      }
      %ge3A_712 = arith.constant 5 : i32
      %ge3A_713 = arith.cmpi sge, %add3A_634, %ge3A_712 : i32
      %convert_element_type3A_714 = arith.extui %ge3A_713 : i1 to i32
      %cond3A_715 = arith.constant 0 : i32
      %cond3A_716 = arith.cmpi ne, %convert_element_type3A_714, %cond3A_715 : i32
      scf.if %cond3A_716 {
        %sub3A_1195 = arith.constant 5 : i32
        %sub3A_1196 = arith.subi %add3A_634, %sub3A_1195 : i32
        %dma_wait3A_1197 = arith.constant 0 : i32
        %dma_wait3A_1198 = arith.constant 0 : i32
        %dma_wait3A_1199 = arith.constant 0 : i32
        %dma_wait3A_1200 = tpu.memref_slice %arg16[%dma_wait3A_1197, %dma_wait3A_1198, %dma_wait3A_1199] : memref<8x8x137xf32, #tpu.memory_space<vmem>> -> memref<8x8x128xf32, #tpu.memory_space<vmem>>
        %dma_wait3A_1201 = arith.constant 0 : i32
        %dma_wait3A_1202 = arith.constant 0 : i32
        %dma_wait3A_1203 = arith.constant 0 : i32
        %dma_wait3A_1204 = tpu.memref_slice %arg5[%sub3A_1196, %dma_wait3A_1201, %add3A, %dma_wait3A_1202, %dma_wait3A_1203] : memref<200x8x32x8x128xf32, #tpu.memory_space<hbm>> -> memref<1x8x1x8x128xf32, #tpu.memory_space<hbm>>
        %dma_wait3A_1205 = tpu.memref_squeeze %dma_wait3A_1204 : memref<1x8x1x8x128xf32, #tpu.memory_space<hbm>> -> memref<8x8x128xf32, #tpu.memory_space<hbm>>
        %dma_wait3A_1206 = arith.constant 0 : i32
        %dma_wait3A_1207 = arith.constant 0 : i32
        %dma_wait3A_1208 = arith.constant 0 : i32
        %dma_wait3A_1209 = tpu.memref_slice %arg5[%sub3A_1196, %dma_wait3A_1206, %add3A, %dma_wait3A_1207, %dma_wait3A_1208] : memref<200x8x32x8x128xf32, #tpu.memory_space<hbm>> -> memref<1x8x1x8x128xf32, #tpu.memory_space<hbm>>
        %dma_wait3A_1210 = tpu.memref_squeeze %dma_wait3A_1209 : memref<1x8x1x8x128xf32, #tpu.memory_space<hbm>> -> memref<8x8x128xf32, #tpu.memory_space<hbm>>
        %dma_wait3A_1211 = arith.constant 0 : i32
        %dma_wait3A_1212 = arith.constant 0 : i32
        %dma_wait3A_1213 = arith.constant 0 : i32
        %dma_wait3A_1214 = tpu.memref_slice %arg16[%dma_wait3A_1211, %dma_wait3A_1212, %dma_wait3A_1213] : memref<8x8x137xf32, #tpu.memory_space<vmem>> -> memref<8x8x128xf32, #tpu.memory_space<vmem>>
        tpu.wait_dma2 semaphore(%arg27 : memref<!tpu.dma_semaphore, #tpu.memory_space<semaphore_mem>>) src(%dma_wait3A_1214 : memref<8x8x128xf32, #tpu.memory_space<vmem>>) dst(%dma_wait3A_1210 : memref<8x8x128xf32, #tpu.memory_space<hbm>>)
      } else {
      }
      %get3A_717 = arith.index_cast %add3A_634 : i32 to index
      %get3A_718 = arith.constant 0 : index
      %get3A_719 = tpu.vector_load %arg6[%get3A_717, %get3A_718] {strides = array<i32>} : memref<200x64xf32, #tpu.memory_space<vmem>>, vector<16xf32>,
      %get3A_720 = arith.index_cast %add3A_634 : i32 to index
      %get3A_721 = arith.constant 16 : index
      %get3A_722 = tpu.vector_load %arg6[%get3A_720, %get3A_721] {strides = array<i32>} : memref<200x64xf32, #tpu.memory_space<vmem>>, vector<16xf32>,
      %get3A_723 = arith.index_cast %add3A_634 : i32 to index
      %get3A_724 = arith.constant 32 : index
      %get3A_725 = tpu.vector_load %arg6[%get3A_723, %get3A_724] {strides = array<i32>} : memref<200x64xf32, #tpu.memory_space<vmem>>, vector<16xf32>,
      %get3A_726 = arith.index_cast %add3A_634 : i32 to index
      %get3A_727 = arith.constant 48 : index
      %get3A_728 = tpu.vector_load %arg6[%get3A_726, %get3A_727] {strides = array<i32>} : memref<200x64xf32, #tpu.memory_space<vmem>>, vector<16xf32>,
      %get3A_729 = arith.constant 0 : i32
      %get3A_730 = arith.constant 0 : i32
      %get3A_731 = arith.index_cast %get3A_729 : i32 to index
      %get3A_732 = arith.index_cast %get3A_730 : i32 to index
      %get3A_733 = arith.constant 0 : index
      %get3A_734 = tpu.vector_load %arg7[%get3A_731, %get3A_732, %get3A_733] {strides = array<i32>} : memref<2x4x16xi32, #tpu.memory_space<vmem>>, vector<16xi32>,
      %get3A_735 = arith.constant 0 : i32
      %get3A_736 = arith.constant 1 : i32
      %get3A_737 = arith.index_cast %get3A_735 : i32 to index
      %get3A_738 = arith.index_cast %get3A_736 : i32 to index
      %get3A_739 = arith.constant 0 : index
      %get3A_740 = tpu.vector_load %arg7[%get3A_737, %get3A_738, %get3A_739] {strides = array<i32>} : memref<2x4x16xi32, #tpu.memory_space<vmem>>, vector<16xi32>,
      %get3A_741 = arith.constant 0 : i32
      %get3A_742 = arith.constant 2 : i32
      %get3A_743 = arith.index_cast %get3A_741 : i32 to index
      %get3A_744 = arith.index_cast %get3A_742 : i32 to index
      %get3A_745 = arith.constant 0 : index
      %get3A_746 = tpu.vector_load %arg7[%get3A_743, %get3A_744, %get3A_745] {strides = array<i32>} : memref<2x4x16xi32, #tpu.memory_space<vmem>>, vector<16xi32>,
      %get3A_747 = arith.constant 0 : i32
      %get3A_748 = arith.constant 3 : i32
      %get3A_749 = arith.index_cast %get3A_747 : i32 to index
      %get3A_750 = arith.index_cast %get3A_748 : i32 to index
      %get3A_751 = arith.constant 0 : index
      %get3A_752 = tpu.vector_load %arg7[%get3A_749, %get3A_750, %get3A_751] {strides = array<i32>} : memref<2x4x16xi32, #tpu.memory_space<vmem>>, vector<16xi32>,
      %get3A_753 = arith.constant 1 : i32
      %get3A_754 = arith.constant 0 : i32
      %get3A_755 = arith.index_cast %get3A_753 : i32 to index
      %get3A_756 = arith.index_cast %get3A_754 : i32 to index
      %get3A_757 = arith.constant 0 : index
      %get3A_758 = tpu.vector_load %arg7[%get3A_755, %get3A_756, %get3A_757] {strides = array<i32>} : memref<2x4x16xi32, #tpu.memory_space<vmem>>, vector<16xi32>,
      %get3A_759 = arith.constant 1 : i32
      %get3A_760 = arith.constant 1 : i32
      %get3A_761 = arith.index_cast %get3A_759 : i32 to index
      %get3A_762 = arith.index_cast %get3A_760 : i32 to index
      %get3A_763 = arith.constant 0 : index
      %get3A_764 = tpu.vector_load %arg7[%get3A_761, %get3A_762, %get3A_763] {strides = array<i32>} : memref<2x4x16xi32, #tpu.memory_space<vmem>>, vector<16xi32>,
      %get3A_765 = arith.constant 1 : i32
      %get3A_766 = arith.constant 2 : i32
      %get3A_767 = arith.index_cast %get3A_765 : i32 to index
      %get3A_768 = arith.index_cast %get3A_766 : i32 to index
      %get3A_769 = arith.constant 0 : index
      %get3A_770 = tpu.vector_load %arg7[%get3A_767, %get3A_768, %get3A_769] {strides = array<i32>} : memref<2x4x16xi32, #tpu.memory_space<vmem>>, vector<16xi32>,
      %get3A_771 = arith.constant 1 : i32
      %get3A_772 = arith.constant 3 : i32
      %get3A_773 = arith.index_cast %get3A_771 : i32 to index
      %get3A_774 = arith.index_cast %get3A_772 : i32 to index
      %get3A_775 = arith.constant 0 : index
      %get3A_776 = tpu.vector_load %arg7[%get3A_773, %get3A_774, %get3A_775] {strides = array<i32>} : memref<2x4x16xi32, #tpu.memory_space<vmem>>, vector<16xi32>,
      %parallel_loop3A_777 = arith.constant 0 : i32
      %parallel_loop3A_778 = arith.constant 128 : i32
      %parallel_loop3A_779 = arith.constant 1 : i32
      scf.for %parallel_loop3A_1195 = %parallel_loop3A_777 to %parallel_loop3A_778 step %parallel_loop3A_779  : i32 {
        %parallel_loop3A_1196 = vector.broadcast %parallel_loop3A_1195 : i32 to vector<16xi32>
        %parallel_loop3A_1197 = arith.index_cast %parallel_loop3A_1195 : i32 to index
        %parallel_loop3A_1198 = arith.constant 0 : index
        %parallel_loop3A_1199 = tpu.vector_load %arg11[%parallel_loop3A_1197, %parallel_loop3A_1198] {strides = array<i32>} : memref<128x64xf32, #tpu.memory_space<vmem>>, vector<16xf32>,
        %parallel_loop3A_1200 = arith.addf %parallel_loop3A_1199, %get3A_719 : vector<16xf32>
        tpu.vector_store_idx %arg16[%get3A_734, %get3A_758, %parallel_loop3A_1196], %parallel_loop3A_1200 : memref<8x8x137xf32, #tpu.memory_space<vmem>>[vector<16xi32>, vector<16xi32>, vector<16xi32>], vector<16xf32>,
        %parallel_loop3A_1201 = arith.index_cast %parallel_loop3A_1195 : i32 to index
        %parallel_loop3A_1202 = arith.constant 16 : index
        %parallel_loop3A_1203 = tpu.vector_load %arg11[%parallel_loop3A_1201, %parallel_loop3A_1202] {strides = array<i32>} : memref<128x64xf32, #tpu.memory_space<vmem>>, vector<16xf32>,
        %parallel_loop3A_1204 = arith.addf %parallel_loop3A_1203, %get3A_722 : vector<16xf32>
        tpu.vector_store_idx %arg16[%get3A_740, %get3A_764, %parallel_loop3A_1196], %parallel_loop3A_1204 : memref<8x8x137xf32, #tpu.memory_space<vmem>>[vector<16xi32>, vector<16xi32>, vector<16xi32>], vector<16xf32>,
        %parallel_loop3A_1205 = arith.index_cast %parallel_loop3A_1195 : i32 to index
        %parallel_loop3A_1206 = arith.constant 32 : index
        %parallel_loop3A_1207 = tpu.vector_load %arg11[%parallel_loop3A_1205, %parallel_loop3A_1206] {strides = array<i32>} : memref<128x64xf32, #tpu.memory_space<vmem>>, vector<16xf32>,
        %parallel_loop3A_1208 = arith.addf %parallel_loop3A_1207, %get3A_725 : vector<16xf32>
        tpu.vector_store_idx %arg16[%get3A_746, %get3A_770, %parallel_loop3A_1196], %parallel_loop3A_1208 : memref<8x8x137xf32, #tpu.memory_space<vmem>>[vector<16xi32>, vector<16xi32>, vector<16xi32>], vector<16xf32>,
        %parallel_loop3A_1209 = arith.index_cast %parallel_loop3A_1195 : i32 to index
        %parallel_loop3A_1210 = arith.constant 48 : index
        %parallel_loop3A_1211 = tpu.vector_load %arg11[%parallel_loop3A_1209, %parallel_loop3A_1210] {strides = array<i32>} : memref<128x64xf32, #tpu.memory_space<vmem>>, vector<16xf32>,
        %parallel_loop3A_1212 = arith.addf %parallel_loop3A_1211, %get3A_728 : vector<16xf32>
        tpu.vector_store_idx %arg16[%get3A_752, %get3A_776, %parallel_loop3A_1196], %parallel_loop3A_1212 : memref<8x8x137xf32, #tpu.memory_space<vmem>>[vector<16xi32>, vector<16xi32>, vector<16xi32>], vector<16xf32>,
      } {sc.loop_unroll_factor = 4 : i64, sc.parallel_access}
      %dma_start3A_780 = arith.constant 0 : i32
      %dma_start3A_781 = arith.constant 0 : i32
      %dma_start3A_782 = arith.constant 0 : i32
      %dma_start3A_783 = tpu.memref_slice %arg16[%dma_start3A_780, %dma_start3A_781, %dma_start3A_782] : memref<8x8x137xf32, #tpu.memory_space<vmem>> -> memref<8x8x128xf32, #tpu.memory_space<vmem>>
      %dma_start3A_784 = arith.constant 0 : i32
      %dma_start3A_785 = arith.constant 0 : i32
      %dma_start3A_786 = arith.constant 0 : i32
      %dma_start3A_787 = tpu.memref_slice %arg5[%add3A_634, %dma_start3A_784, %add3A, %dma_start3A_785, %dma_start3A_786] : memref<200x8x32x8x128xf32, #tpu.memory_space<hbm>> -> memref<1x8x1x8x128xf32, #tpu.memory_space<hbm>>
      %dma_start3A_788 = tpu.memref_squeeze %dma_start3A_787 : memref<1x8x1x8x128xf32, #tpu.memory_space<hbm>> -> memref<8x8x128xf32, #tpu.memory_space<hbm>>
      %dma_start3A_789 = arith.constant 0 : i32
      %dma_start3A_790 = arith.constant 0 : i32
      %dma_start3A_791 = arith.constant 0 : i32
      %dma_start3A_792 = tpu.memref_slice %arg5[%add3A_634, %dma_start3A_789, %add3A, %dma_start3A_790, %dma_start3A_791] : memref<200x8x32x8x128xf32, #tpu.memory_space<hbm>> -> memref<1x8x1x8x128xf32, #tpu.memory_space<hbm>>
      %dma_start3A_793 = tpu.memref_squeeze %dma_start3A_792 : memref<1x8x1x8x128xf32, #tpu.memory_space<hbm>> -> memref<8x8x128xf32, #tpu.memory_space<hbm>>
      %dma_start3A_794 = arith.constant 0 : i32
      %dma_start3A_795 = arith.constant 0 : i32
      %dma_start3A_796 = arith.constant 0 : i32
      %dma_start3A_797 = tpu.memref_slice %arg16[%dma_start3A_794, %dma_start3A_795, %dma_start3A_796] : memref<8x8x137xf32, #tpu.memory_space<vmem>> -> memref<8x8x128xf32, #tpu.memory_space<vmem>>
      tpu.enqueue_dma source(%dma_start3A_797 : memref<8x8x128xf32, #tpu.memory_space<vmem>>) target(%dma_start3A_793 : memref<8x8x128xf32, #tpu.memory_space<hbm>>) target_semaphore(%arg27 : memref<!tpu.dma_semaphore, #tpu.memory_space<semaphore_mem>>)
      %add3A_798 = arith.constant 4 : i32
      %add3A_799 = arith.addi %add3A_634, %add3A_798 : i32
      %lt3A_800 = arith.constant 200 : i32
      %lt3A_801 = arith.cmpi slt, %add3A_799, %lt3A_800 : i32
      %add3A_802 = arith.constant 4 : i32
      %add3A_803 = arith.addi %add3A_634, %add3A_802 : i32
      %and3A_804 = arith.constant 7 : i32
      %and3A_805 = arith.andi %add3A_803, %and3A_804 : i32
      %eq3A_806 = arith.constant 0 : i32
      %eq3A_807 = arith.cmpi eq, %and3A_805, %eq3A_806 : i32
      %and3A_808 = arith.andi %lt3A_801, %eq3A_807 : i1
      %convert_element_type3A_809 = arith.extui %and3A_808 : i1 to i32
      %cond3A_810 = arith.constant 0 : i32
      %cond3A_811 = arith.cmpi ne, %convert_element_type3A_809, %cond3A_810 : i32
      scf.if %cond3A_811 {
        %add3A_1195 = arith.constant 4 : i32
        %add3A_1196 = arith.addi %add3A_634, %add3A_1195 : i32
        %shift_right_arithmetic3A_1197 = arith.constant 3 : i32
        %shift_right_arithmetic3A_1198 = arith.shrsi %add3A_1196, %shift_right_arithmetic3A_1197 : i32
        %add3A_1199 = arith.constant 4 : i32
        %add3A_1200 = arith.addi %add3A_634, %add3A_1199 : i32
        %shift_right_arithmetic3A_1201 = arith.constant 3 : i32
        %shift_right_arithmetic3A_1202 = arith.shrsi %add3A_1200, %shift_right_arithmetic3A_1201 : i32
        %and3A_1203 = arith.constant 1 : i32
        %and3A_1204 = arith.andi %shift_right_arithmetic3A_1202, %and3A_1203 : i32
        %dma_wait3A_1205 = arith.constant 0 : i32
        %dma_wait3A_1206 = arith.constant 0 : i32
        %dma_wait3A_1207 = tpu.memref_slice %arg8[%and3A_1204, %dma_wait3A_1205, %dma_wait3A_1206] : memref<2x8x128xi32, #tpu.memory_space<vmem>> -> memref<1x8x128xi32, #tpu.memory_space<vmem>>
        %dma_wait3A_1208 = tpu.memref_squeeze %dma_wait3A_1207 : memref<1x8x128xi32, #tpu.memory_space<vmem>> -> memref<8x128xi32, #tpu.memory_space<vmem>>
        %dma_wait3A_1209 = arith.constant 0 : i32
        %dma_wait3A_1210 = arith.constant 0 : i32
        %dma_wait3A_1211 = tpu.memref_slice %arg2[%shift_right_arithmetic3A_1198, %add3A, %dma_wait3A_1209, %dma_wait3A_1210] : memref<25x32x8x128xi32, #tpu.memory_space<hbm>> -> memref<1x1x8x128xi32, #tpu.memory_space<hbm>>
        %dma_wait3A_1212 = tpu.memref_squeeze %dma_wait3A_1211 : memref<1x1x8x128xi32, #tpu.memory_space<hbm>> -> memref<8x128xi32, #tpu.memory_space<hbm>>
        %dma_wait3A_1213 = arith.constant 0 : i32
        %dma_wait3A_1214 = arith.constant 0 : i32
        %dma_wait3A_1215 = tpu.memref_slice %arg8[%and3A_1204, %dma_wait3A_1213, %dma_wait3A_1214] : memref<2x8x128xi32, #tpu.memory_space<vmem>> -> memref<1x8x128xi32, #tpu.memory_space<vmem>>
        %dma_wait3A_1216 = tpu.memref_squeeze %dma_wait3A_1215 : memref<1x8x128xi32, #tpu.memory_space<vmem>> -> memref<8x128xi32, #tpu.memory_space<vmem>>
        %dma_wait3A_1217 = arith.constant 0 : i32
        %dma_wait3A_1218 = arith.constant 0 : i32
        %dma_wait3A_1219 = tpu.memref_slice %arg2[%shift_right_arithmetic3A_1198, %add3A, %dma_wait3A_1217, %dma_wait3A_1218] : memref<25x32x8x128xi32, #tpu.memory_space<hbm>> -> memref<1x1x8x128xi32, #tpu.memory_space<hbm>>
        %dma_wait3A_1220 = tpu.memref_squeeze %dma_wait3A_1219 : memref<1x1x8x128xi32, #tpu.memory_space<hbm>> -> memref<8x128xi32, #tpu.memory_space<hbm>>
        tpu.wait_dma2 semaphore(%arg19 : memref<!tpu.dma_semaphore, #tpu.memory_space<semaphore_mem>>) src(%dma_wait3A_1220 : memref<8x128xi32, #tpu.memory_space<hbm>>) dst(%dma_wait3A_1216 : memref<8x128xi32, #tpu.memory_space<vmem>>)
      } else {
      }
      %add3A_812 = arith.constant 4 : i32
      %add3A_813 = arith.addi %add3A_634, %add3A_812 : i32
      %lt3A_814 = arith.constant 200 : i32
      %lt3A_815 = arith.cmpi slt, %add3A_813, %lt3A_814 : i32
      %convert_element_type3A_816 = arith.extui %lt3A_815 : i1 to i32
      %cond3A_817 = arith.constant 0 : i32
      %cond3A_818 = arith.cmpi ne, %convert_element_type3A_816, %cond3A_817 : i32
      scf.if %cond3A_818 {
        %add3A_1195 = arith.constant 4 : i32
        %add3A_1196 = arith.addi %add3A_634, %add3A_1195 : i32
        %jit3A_1197 = arith.constant 8 : i32
        %div3A_1198 = arith.divsi %add3A_1196, %jit3A_1197 : i32
        %sign3A_1199 = arith.constant 0 : i32
        %sign3A_1200 = arith.cmpi sgt, %add3A_1196, %sign3A_1199 : i32
        %sign3A_1201 = arith.extui %sign3A_1200 : i1 to i32
        %sign3A_1202 = arith.constant 0 : i32
        %sign3A_1203 = arith.cmpi slt, %add3A_1196, %sign3A_1202 : i32
        %sign3A_1204 = arith.extui %sign3A_1203 : i1 to i32
        %sign3A_1205 = arith.subi %sign3A_1201, %sign3A_1204 : i32
        %sign3A_1206 = arith.constant 0 : i32
        %sign3A_1207 = arith.cmpi sgt, %jit3A_1197, %sign3A_1206 : i32
        %sign3A_1208 = arith.extui %sign3A_1207 : i1 to i32
        %sign3A_1209 = arith.constant 0 : i32
        %sign3A_1210 = arith.cmpi slt, %jit3A_1197, %sign3A_1209 : i32
        %sign3A_1211 = arith.extui %sign3A_1210 : i1 to i32
        %sign3A_1212 = arith.subi %sign3A_1208, %sign3A_1211 : i32
        %ne3A_1213 = arith.cmpi ne, %sign3A_1205, %sign3A_1212 : i32
        %rem3A_1214 = arith.remsi %add3A_1196, %jit3A_1197 : i32
        %ne3A_1215 = arith.constant 0 : i32
        %ne3A_1216 = arith.cmpi ne, %rem3A_1214, %ne3A_1215 : i32
        %and3A_1217 = arith.andi %ne3A_1213, %ne3A_1216 : i1
        %sub3A_1218 = arith.constant 1 : i32
        %sub3A_1219 = arith.subi %div3A_1198, %sub3A_1218 : i32
        %select_n3A_1220 = arith.select %and3A_1217, %sub3A_1219, %div3A_1198 : i32
        %jit3A_1221 = arith.constant 2 : i32
        %eq3A_1222 = arith.constant 0 : i32
        %eq3A_1223 = arith.cmpi eq, %jit3A_1221, %eq3A_1222 : i32
        %jit3A_1224 = arith.constant 1 : i32
        %select_n3A_1225 = arith.select %eq3A_1223, %jit3A_1224, %jit3A_1221 : i32
        %rem3A_1226 = arith.remsi %select_n3A_1220, %select_n3A_1225 : i32
        %ne3A_1227 = arith.constant 0 : i32
        %ne3A_1228 = arith.cmpi ne, %rem3A_1226, %ne3A_1227 : i32
        %lt3A_1229 = arith.constant 0 : i32
        %lt3A_1230 = arith.cmpi slt, %rem3A_1226, %lt3A_1229 : i32
        %lt3A_1231 = arith.constant 0 : i32
        %lt3A_1232 = arith.cmpi slt, %select_n3A_1225, %lt3A_1231 : i32
        %ne3A_1233 = arith.xori %lt3A_1230, %lt3A_1232 : i1
        %and3A_1234 = arith.andi %ne3A_1233, %ne3A_1228 : i1
        %add3A_1235 = arith.addi %rem3A_1226, %select_n3A_1225 : i32
        %select_n3A_1236 = arith.select %and3A_1234, %add3A_1235, %rem3A_1226 : i32
        %jit3A_1237 = arith.constant 8 : i32
        %eq3A_1238 = arith.constant 0 : i32
        %eq3A_1239 = arith.cmpi eq, %jit3A_1237, %eq3A_1238 : i32
        %jit3A_1240 = arith.constant 1 : i32
        %select_n3A_1241 = arith.select %eq3A_1239, %jit3A_1240, %jit3A_1237 : i32
        %rem3A_1242 = arith.remsi %add3A_1196, %select_n3A_1241 : i32
        %ne3A_1243 = arith.constant 0 : i32
        %ne3A_1244 = arith.cmpi ne, %rem3A_1242, %ne3A_1243 : i32
        %lt3A_1245 = arith.constant 0 : i32
        %lt3A_1246 = arith.cmpi slt, %rem3A_1242, %lt3A_1245 : i32
        %lt3A_1247 = arith.constant 0 : i32
        %lt3A_1248 = arith.cmpi slt, %select_n3A_1241, %lt3A_1247 : i32
        %ne3A_1249 = arith.xori %lt3A_1246, %lt3A_1248 : i1
        %and3A_1250 = arith.andi %ne3A_1249, %ne3A_1244 : i1
        %add3A_1251 = arith.addi %rem3A_1242, %select_n3A_1241 : i32
        %select_n3A_1252 = arith.select %and3A_1250, %add3A_1251, %rem3A_1242 : i32
        %dma_start3A_1253 = arith.constant 0 : i32
        %dma_start3A_1254 = tpu.memref_slice %arg8[%select_n3A_1236, %select_n3A_1252, %dma_start3A_1253] : memref<2x8x128xi32, #tpu.memory_space<vmem>> -> memref<1x1x128xi32, #tpu.memory_space<vmem>>
        %dma_start3A_1255 = tpu.memref_squeeze %dma_start3A_1254 : memref<1x1x128xi32, #tpu.memory_space<vmem>> -> memref<128xi32, #tpu.memory_space<vmem>>
        %dma_start3A_1256 = arith.constant 0 : i32
        %dma_start3A_1257 = arith.constant 0 : i32
        %dma_start3A_1258 = tpu.memref_slice %arg3[%dma_start3A_1256, %dma_start3A_1257] : memref<100000x64xf32, #tpu.memory_space<hbm>> -> memref<100000x64xf32, #tpu.memory_space<hbm>>
        tpu.enqueue_indirect_dma source(%dma_start3A_1258 : memref<100000x64xf32, #tpu.memory_space<hbm>>) target(%arg10 : memref<128x64xf32, #tpu.memory_space<vmem>>) offsets(%dma_start3A_1255 : memref<128xi32, #tpu.memory_space<vmem>>) semaphore(%arg21 : memref<!tpu.dma_semaphore, #tpu.memory_space<semaphore_mem>>)
      } else {
      }
      %mul3A_819 = arith.constant 5 : i32
      %mul3A_820 = arith.muli %scan3A_269, %mul3A_819 : i32
      %add3A_821 = arith.constant 3 : i32
      %add3A_822 = arith.addi %mul3A_820, %add3A_821 : i32
      %jit3A_823 = arith.constant 8 : i32
      %div3A_824 = arith.divsi %add3A_822, %jit3A_823 : i32
      %sign3A_825 = arith.constant 0 : i32
      %sign3A_826 = arith.cmpi sgt, %add3A_822, %sign3A_825 : i32
      %sign3A_827 = arith.extui %sign3A_826 : i1 to i32
      %sign3A_828 = arith.constant 0 : i32
      %sign3A_829 = arith.cmpi slt, %add3A_822, %sign3A_828 : i32
      %sign3A_830 = arith.extui %sign3A_829 : i1 to i32
      %sign3A_831 = arith.subi %sign3A_827, %sign3A_830 : i32
      %sign3A_832 = arith.constant 0 : i32
      %sign3A_833 = arith.cmpi sgt, %jit3A_823, %sign3A_832 : i32
      %sign3A_834 = arith.extui %sign3A_833 : i1 to i32
      %sign3A_835 = arith.constant 0 : i32
      %sign3A_836 = arith.cmpi slt, %jit3A_823, %sign3A_835 : i32
      %sign3A_837 = arith.extui %sign3A_836 : i1 to i32
      %sign3A_838 = arith.subi %sign3A_834, %sign3A_837 : i32
      %ne3A_839 = arith.cmpi ne, %sign3A_831, %sign3A_838 : i32
      %rem3A_840 = arith.remsi %add3A_822, %jit3A_823 : i32
      %ne3A_841 = arith.constant 0 : i32
      %ne3A_842 = arith.cmpi ne, %rem3A_840, %ne3A_841 : i32
      %and3A_843 = arith.andi %ne3A_839, %ne3A_842 : i1
      %sub3A_844 = arith.constant 1 : i32
      %sub3A_845 = arith.subi %div3A_824, %sub3A_844 : i32
      %select_n3A_846 = arith.select %and3A_843, %sub3A_845, %div3A_824 : i32
      %jit3A_847 = arith.constant 2 : i32
      %eq3A_848 = arith.constant 0 : i32
      %eq3A_849 = arith.cmpi eq, %jit3A_847, %eq3A_848 : i32
      %jit3A_850 = arith.constant 1 : i32
      %select_n3A_851 = arith.select %eq3A_849, %jit3A_850, %jit3A_847 : i32
      %rem3A_852 = arith.remsi %select_n3A_846, %select_n3A_851 : i32
      %ne3A_853 = arith.constant 0 : i32
      %ne3A_854 = arith.cmpi ne, %rem3A_852, %ne3A_853 : i32
      %lt3A_855 = arith.constant 0 : i32
      %lt3A_856 = arith.cmpi slt, %rem3A_852, %lt3A_855 : i32
      %lt3A_857 = arith.constant 0 : i32
      %lt3A_858 = arith.cmpi slt, %select_n3A_851, %lt3A_857 : i32
      %ne3A_859 = arith.xori %lt3A_856, %lt3A_858 : i1
      %and3A_860 = arith.andi %ne3A_859, %ne3A_854 : i1
      %add3A_861 = arith.addi %rem3A_852, %select_n3A_851 : i32
      %select_n3A_862 = arith.select %and3A_860, %add3A_861, %rem3A_852 : i32
      %jit3A_863 = arith.constant 8 : i32
      %eq3A_864 = arith.constant 0 : i32
      %eq3A_865 = arith.cmpi eq, %jit3A_863, %eq3A_864 : i32
      %jit3A_866 = arith.constant 1 : i32
      %select_n3A_867 = arith.select %eq3A_865, %jit3A_866, %jit3A_863 : i32
      %rem3A_868 = arith.remsi %add3A_822, %select_n3A_867 : i32
      %ne3A_869 = arith.constant 0 : i32
      %ne3A_870 = arith.cmpi ne, %rem3A_868, %ne3A_869 : i32
      %lt3A_871 = arith.constant 0 : i32
      %lt3A_872 = arith.cmpi slt, %rem3A_868, %lt3A_871 : i32
      %lt3A_873 = arith.constant 0 : i32
      %lt3A_874 = arith.cmpi slt, %select_n3A_867, %lt3A_873 : i32
      %ne3A_875 = arith.xori %lt3A_872, %lt3A_874 : i1
      %and3A_876 = arith.andi %ne3A_875, %ne3A_870 : i1
      %add3A_877 = arith.addi %rem3A_868, %select_n3A_867 : i32
      %select_n3A_878 = arith.select %and3A_876, %add3A_877, %rem3A_868 : i32
      %dma_wait3A_879 = arith.constant 0 : i32
      %dma_wait3A_880 = tpu.memref_slice %arg8[%select_n3A_862, %select_n3A_878, %dma_wait3A_879] : memref<2x8x128xi32, #tpu.memory_space<vmem>> -> memref<1x1x128xi32, #tpu.memory_space<vmem>>
      %dma_wait3A_881 = tpu.memref_squeeze %dma_wait3A_880 : memref<1x1x128xi32, #tpu.memory_space<vmem>> -> memref<128xi32, #tpu.memory_space<vmem>>
      %dma_wait3A_882 = arith.constant 0 : i32
      %dma_wait3A_883 = arith.constant 0 : i32
      %dma_wait3A_884 = tpu.memref_slice %arg3[%dma_wait3A_882, %dma_wait3A_883] : memref<100000x64xf32, #tpu.memory_space<hbm>> -> memref<100000x64xf32, #tpu.memory_space<hbm>>
      tpu.wait_indirect_dma semaphore(%arg23 : memref<!tpu.dma_semaphore, #tpu.memory_space<semaphore_mem>>) src(%dma_wait3A_884 : memref<100000x64xf32, #tpu.memory_space<hbm>>) dst(%arg12 : memref<128x64xf32, #tpu.memory_space<vmem>>)
      %and3A_885 = arith.constant 7 : i32
      %and3A_886 = arith.andi %add3A_822, %and3A_885 : i32
      %eq3A_887 = arith.constant 0 : i32
      %eq3A_888 = arith.cmpi eq, %and3A_886, %eq3A_887 : i32
      %gt3A_889 = arith.constant 0 : i32
      %gt3A_890 = arith.cmpi sgt, %add3A_822, %gt3A_889 : i32
      %add3A_891 = arith.constant 8 : i32
      %add3A_892 = arith.addi %add3A_822, %add3A_891 : i32
      %lt3A_893 = arith.constant 200 : i32
      %lt3A_894 = arith.cmpi slt, %add3A_892, %lt3A_893 : i32
      %and3A_895 = arith.andi %gt3A_890, %lt3A_894 : i1
      %and3A_896 = arith.andi %eq3A_888, %and3A_895 : i1
      %convert_element_type3A_897 = arith.extui %and3A_896 : i1 to i32
      %cond3A_898 = arith.constant 0 : i32
      %cond3A_899 = arith.cmpi ne, %convert_element_type3A_897, %cond3A_898 : i32
      scf.if %cond3A_899 {
        %shift_right_arithmetic3A_1195 = arith.constant 3 : i32
        %shift_right_arithmetic3A_1196 = arith.shrsi %add3A_822, %shift_right_arithmetic3A_1195 : i32
        %add3A_1197 = arith.constant 1 : i32
        %add3A_1198 = arith.addi %shift_right_arithmetic3A_1196, %add3A_1197 : i32
        %and3A_1199 = arith.constant 1 : i32
        %and3A_1200 = arith.andi %add3A_1198, %and3A_1199 : i32
        %dma_start3A_1201 = arith.constant 0 : i32
        %dma_start3A_1202 = arith.constant 0 : i32
        %dma_start3A_1203 = tpu.memref_slice %arg8[%and3A_1200, %dma_start3A_1201, %dma_start3A_1202] : memref<2x8x128xi32, #tpu.memory_space<vmem>> -> memref<1x8x128xi32, #tpu.memory_space<vmem>>
        %dma_start3A_1204 = tpu.memref_squeeze %dma_start3A_1203 : memref<1x8x128xi32, #tpu.memory_space<vmem>> -> memref<8x128xi32, #tpu.memory_space<vmem>>
        %dma_start3A_1205 = arith.constant 0 : i32
        %dma_start3A_1206 = arith.constant 0 : i32
        %dma_start3A_1207 = tpu.memref_slice %arg2[%add3A_1198, %add3A, %dma_start3A_1205, %dma_start3A_1206] : memref<25x32x8x128xi32, #tpu.memory_space<hbm>> -> memref<1x1x8x128xi32, #tpu.memory_space<hbm>>
        %dma_start3A_1208 = tpu.memref_squeeze %dma_start3A_1207 : memref<1x1x8x128xi32, #tpu.memory_space<hbm>> -> memref<8x128xi32, #tpu.memory_space<hbm>>
        %dma_start3A_1209 = arith.constant 0 : i32
        %dma_start3A_1210 = arith.constant 0 : i32
        %dma_start3A_1211 = tpu.memref_slice %arg8[%and3A_1200, %dma_start3A_1209, %dma_start3A_1210] : memref<2x8x128xi32, #tpu.memory_space<vmem>> -> memref<1x8x128xi32, #tpu.memory_space<vmem>>
        %dma_start3A_1212 = tpu.memref_squeeze %dma_start3A_1211 : memref<1x8x128xi32, #tpu.memory_space<vmem>> -> memref<8x128xi32, #tpu.memory_space<vmem>>
        %dma_start3A_1213 = arith.constant 0 : i32
        %dma_start3A_1214 = arith.constant 0 : i32
        %dma_start3A_1215 = tpu.memref_slice %arg2[%add3A_1198, %add3A, %dma_start3A_1213, %dma_start3A_1214] : memref<25x32x8x128xi32, #tpu.memory_space<hbm>> -> memref<1x1x8x128xi32, #tpu.memory_space<hbm>>
        %dma_start3A_1216 = tpu.memref_squeeze %dma_start3A_1215 : memref<1x1x8x128xi32, #tpu.memory_space<hbm>> -> memref<8x128xi32, #tpu.memory_space<hbm>>
        tpu.enqueue_dma source(%dma_start3A_1216 : memref<8x128xi32, #tpu.memory_space<hbm>>) target(%dma_start3A_1212 : memref<8x128xi32, #tpu.memory_space<vmem>>) target_semaphore(%arg19 : memref<!tpu.dma_semaphore, #tpu.memory_space<semaphore_mem>>)
      } else {
      }
      %ge3A_900 = arith.constant 5 : i32
      %ge3A_901 = arith.cmpi sge, %add3A_822, %ge3A_900 : i32
      %convert_element_type3A_902 = arith.extui %ge3A_901 : i1 to i32
      %cond3A_903 = arith.constant 0 : i32
      %cond3A_904 = arith.cmpi ne, %convert_element_type3A_902, %cond3A_903 : i32
      scf.if %cond3A_904 {
        %sub3A_1195 = arith.constant 5 : i32
        %sub3A_1196 = arith.subi %add3A_822, %sub3A_1195 : i32
        %dma_wait3A_1197 = arith.constant 0 : i32
        %dma_wait3A_1198 = arith.constant 0 : i32
        %dma_wait3A_1199 = arith.constant 0 : i32
        %dma_wait3A_1200 = tpu.memref_slice %arg17[%dma_wait3A_1197, %dma_wait3A_1198, %dma_wait3A_1199] : memref<8x8x137xf32, #tpu.memory_space<vmem>> -> memref<8x8x128xf32, #tpu.memory_space<vmem>>
        %dma_wait3A_1201 = arith.constant 0 : i32
        %dma_wait3A_1202 = arith.constant 0 : i32
        %dma_wait3A_1203 = arith.constant 0 : i32
        %dma_wait3A_1204 = tpu.memref_slice %arg5[%sub3A_1196, %dma_wait3A_1201, %add3A, %dma_wait3A_1202, %dma_wait3A_1203] : memref<200x8x32x8x128xf32, #tpu.memory_space<hbm>> -> memref<1x8x1x8x128xf32, #tpu.memory_space<hbm>>
        %dma_wait3A_1205 = tpu.memref_squeeze %dma_wait3A_1204 : memref<1x8x1x8x128xf32, #tpu.memory_space<hbm>> -> memref<8x8x128xf32, #tpu.memory_space<hbm>>
        %dma_wait3A_1206 = arith.constant 0 : i32
        %dma_wait3A_1207 = arith.constant 0 : i32
        %dma_wait3A_1208 = arith.constant 0 : i32
        %dma_wait3A_1209 = tpu.memref_slice %arg5[%sub3A_1196, %dma_wait3A_1206, %add3A, %dma_wait3A_1207, %dma_wait3A_1208] : memref<200x8x32x8x128xf32, #tpu.memory_space<hbm>> -> memref<1x8x1x8x128xf32, #tpu.memory_space<hbm>>
        %dma_wait3A_1210 = tpu.memref_squeeze %dma_wait3A_1209 : memref<1x8x1x8x128xf32, #tpu.memory_space<hbm>> -> memref<8x8x128xf32, #tpu.memory_space<hbm>>
        %dma_wait3A_1211 = arith.constant 0 : i32
        %dma_wait3A_1212 = arith.constant 0 : i32
        %dma_wait3A_1213 = arith.constant 0 : i32
        %dma_wait3A_1214 = tpu.memref_slice %arg17[%dma_wait3A_1211, %dma_wait3A_1212, %dma_wait3A_1213] : memref<8x8x137xf32, #tpu.memory_space<vmem>> -> memref<8x8x128xf32, #tpu.memory_space<vmem>>
        tpu.wait_dma2 semaphore(%arg28 : memref<!tpu.dma_semaphore, #tpu.memory_space<semaphore_mem>>) src(%dma_wait3A_1214 : memref<8x8x128xf32, #tpu.memory_space<vmem>>) dst(%dma_wait3A_1210 : memref<8x8x128xf32, #tpu.memory_space<hbm>>)
      } else {
      }
      %get3A_905 = arith.index_cast %add3A_822 : i32 to index
      %get3A_906 = arith.constant 0 : index
      %get3A_907 = tpu.vector_load %arg6[%get3A_905, %get3A_906] {strides = array<i32>} : memref<200x64xf32, #tpu.memory_space<vmem>>, vector<16xf32>,
      %get3A_908 = arith.index_cast %add3A_822 : i32 to index
      %get3A_909 = arith.constant 16 : index
      %get3A_910 = tpu.vector_load %arg6[%get3A_908, %get3A_909] {strides = array<i32>} : memref<200x64xf32, #tpu.memory_space<vmem>>, vector<16xf32>,
      %get3A_911 = arith.index_cast %add3A_822 : i32 to index
      %get3A_912 = arith.constant 32 : index
      %get3A_913 = tpu.vector_load %arg6[%get3A_911, %get3A_912] {strides = array<i32>} : memref<200x64xf32, #tpu.memory_space<vmem>>, vector<16xf32>,
      %get3A_914 = arith.index_cast %add3A_822 : i32 to index
      %get3A_915 = arith.constant 48 : index
      %get3A_916 = tpu.vector_load %arg6[%get3A_914, %get3A_915] {strides = array<i32>} : memref<200x64xf32, #tpu.memory_space<vmem>>, vector<16xf32>,
      %get3A_917 = arith.constant 0 : i32
      %get3A_918 = arith.constant 0 : i32
      %get3A_919 = arith.index_cast %get3A_917 : i32 to index
      %get3A_920 = arith.index_cast %get3A_918 : i32 to index
      %get3A_921 = arith.constant 0 : index
      %get3A_922 = tpu.vector_load %arg7[%get3A_919, %get3A_920, %get3A_921] {strides = array<i32>} : memref<2x4x16xi32, #tpu.memory_space<vmem>>, vector<16xi32>,
      %get3A_923 = arith.constant 0 : i32
      %get3A_924 = arith.constant 1 : i32
      %get3A_925 = arith.index_cast %get3A_923 : i32 to index
      %get3A_926 = arith.index_cast %get3A_924 : i32 to index
      %get3A_927 = arith.constant 0 : index
      %get3A_928 = tpu.vector_load %arg7[%get3A_925, %get3A_926, %get3A_927] {strides = array<i32>} : memref<2x4x16xi32, #tpu.memory_space<vmem>>, vector<16xi32>,
      %get3A_929 = arith.constant 0 : i32
      %get3A_930 = arith.constant 2 : i32
      %get3A_931 = arith.index_cast %get3A_929 : i32 to index
      %get3A_932 = arith.index_cast %get3A_930 : i32 to index
      %get3A_933 = arith.constant 0 : index
      %get3A_934 = tpu.vector_load %arg7[%get3A_931, %get3A_932, %get3A_933] {strides = array<i32>} : memref<2x4x16xi32, #tpu.memory_space<vmem>>, vector<16xi32>,
      %get3A_935 = arith.constant 0 : i32
      %get3A_936 = arith.constant 3 : i32
      %get3A_937 = arith.index_cast %get3A_935 : i32 to index
      %get3A_938 = arith.index_cast %get3A_936 : i32 to index
      %get3A_939 = arith.constant 0 : index
      %get3A_940 = tpu.vector_load %arg7[%get3A_937, %get3A_938, %get3A_939] {strides = array<i32>} : memref<2x4x16xi32, #tpu.memory_space<vmem>>, vector<16xi32>,
      %get3A_941 = arith.constant 1 : i32
      %get3A_942 = arith.constant 0 : i32
      %get3A_943 = arith.index_cast %get3A_941 : i32 to index
      %get3A_944 = arith.index_cast %get3A_942 : i32 to index
      %get3A_945 = arith.constant 0 : index
      %get3A_946 = tpu.vector_load %arg7[%get3A_943, %get3A_944, %get3A_945] {strides = array<i32>} : memref<2x4x16xi32, #tpu.memory_space<vmem>>, vector<16xi32>,
      %get3A_947 = arith.constant 1 : i32
      %get3A_948 = arith.constant 1 : i32
      %get3A_949 = arith.index_cast %get3A_947 : i32 to index
      %get3A_950 = arith.index_cast %get3A_948 : i32 to index
      %get3A_951 = arith.constant 0 : index
      %get3A_952 = tpu.vector_load %arg7[%get3A_949, %get3A_950, %get3A_951] {strides = array<i32>} : memref<2x4x16xi32, #tpu.memory_space<vmem>>, vector<16xi32>,
      %get3A_953 = arith.constant 1 : i32
      %get3A_954 = arith.constant 2 : i32
      %get3A_955 = arith.index_cast %get3A_953 : i32 to index
      %get3A_956 = arith.index_cast %get3A_954 : i32 to index
      %get3A_957 = arith.constant 0 : index
      %get3A_958 = tpu.vector_load %arg7[%get3A_955, %get3A_956, %get3A_957] {strides = array<i32>} : memref<2x4x16xi32, #tpu.memory_space<vmem>>, vector<16xi32>,
      %get3A_959 = arith.constant 1 : i32
      %get3A_960 = arith.constant 3 : i32
      %get3A_961 = arith.index_cast %get3A_959 : i32 to index
      %get3A_962 = arith.index_cast %get3A_960 : i32 to index
      %get3A_963 = arith.constant 0 : index
      %get3A_964 = tpu.vector_load %arg7[%get3A_961, %get3A_962, %get3A_963] {strides = array<i32>} : memref<2x4x16xi32, #tpu.memory_space<vmem>>, vector<16xi32>,
      %parallel_loop3A_965 = arith.constant 0 : i32
      %parallel_loop3A_966 = arith.constant 128 : i32
      %parallel_loop3A_967 = arith.constant 1 : i32
      scf.for %parallel_loop3A_1195 = %parallel_loop3A_965 to %parallel_loop3A_966 step %parallel_loop3A_967  : i32 {
        %parallel_loop3A_1196 = vector.broadcast %parallel_loop3A_1195 : i32 to vector<16xi32>
        %parallel_loop3A_1197 = arith.index_cast %parallel_loop3A_1195 : i32 to index
        %parallel_loop3A_1198 = arith.constant 0 : index
        %parallel_loop3A_1199 = tpu.vector_load %arg12[%parallel_loop3A_1197, %parallel_loop3A_1198] {strides = array<i32>} : memref<128x64xf32, #tpu.memory_space<vmem>>, vector<16xf32>,
        %parallel_loop3A_1200 = arith.addf %parallel_loop3A_1199, %get3A_907 : vector<16xf32>
        tpu.vector_store_idx %arg17[%get3A_922, %get3A_946, %parallel_loop3A_1196], %parallel_loop3A_1200 : memref<8x8x137xf32, #tpu.memory_space<vmem>>[vector<16xi32>, vector<16xi32>, vector<16xi32>], vector<16xf32>,
        %parallel_loop3A_1201 = arith.index_cast %parallel_loop3A_1195 : i32 to index
        %parallel_loop3A_1202 = arith.constant 16 : index
        %parallel_loop3A_1203 = tpu.vector_load %arg12[%parallel_loop3A_1201, %parallel_loop3A_1202] {strides = array<i32>} : memref<128x64xf32, #tpu.memory_space<vmem>>, vector<16xf32>,
        %parallel_loop3A_1204 = arith.addf %parallel_loop3A_1203, %get3A_910 : vector<16xf32>
        tpu.vector_store_idx %arg17[%get3A_928, %get3A_952, %parallel_loop3A_1196], %parallel_loop3A_1204 : memref<8x8x137xf32, #tpu.memory_space<vmem>>[vector<16xi32>, vector<16xi32>, vector<16xi32>], vector<16xf32>,
        %parallel_loop3A_1205 = arith.index_cast %parallel_loop3A_1195 : i32 to index
        %parallel_loop3A_1206 = arith.constant 32 : index
        %parallel_loop3A_1207 = tpu.vector_load %arg12[%parallel_loop3A_1205, %parallel_loop3A_1206] {strides = array<i32>} : memref<128x64xf32, #tpu.memory_space<vmem>>, vector<16xf32>,
        %parallel_loop3A_1208 = arith.addf %parallel_loop3A_1207, %get3A_913 : vector<16xf32>
        tpu.vector_store_idx %arg17[%get3A_934, %get3A_958, %parallel_loop3A_1196], %parallel_loop3A_1208 : memref<8x8x137xf32, #tpu.memory_space<vmem>>[vector<16xi32>, vector<16xi32>, vector<16xi32>], vector<16xf32>,
        %parallel_loop3A_1209 = arith.index_cast %parallel_loop3A_1195 : i32 to index
        %parallel_loop3A_1210 = arith.constant 48 : index
        %parallel_loop3A_1211 = tpu.vector_load %arg12[%parallel_loop3A_1209, %parallel_loop3A_1210] {strides = array<i32>} : memref<128x64xf32, #tpu.memory_space<vmem>>, vector<16xf32>,
        %parallel_loop3A_1212 = arith.addf %parallel_loop3A_1211, %get3A_916 : vector<16xf32>
        tpu.vector_store_idx %arg17[%get3A_940, %get3A_964, %parallel_loop3A_1196], %parallel_loop3A_1212 : memref<8x8x137xf32, #tpu.memory_space<vmem>>[vector<16xi32>, vector<16xi32>, vector<16xi32>], vector<16xf32>,
      } {sc.loop_unroll_factor = 4 : i64, sc.parallel_access}
      %dma_start3A_968 = arith.constant 0 : i32
      %dma_start3A_969 = arith.constant 0 : i32
      %dma_start3A_970 = arith.constant 0 : i32
      %dma_start3A_971 = tpu.memref_slice %arg17[%dma_start3A_968, %dma_start3A_969, %dma_start3A_970] : memref<8x8x137xf32, #tpu.memory_space<vmem>> -> memref<8x8x128xf32, #tpu.memory_space<vmem>>
      %dma_start3A_972 = arith.constant 0 : i32
      %dma_start3A_973 = arith.constant 0 : i32
      %dma_start3A_974 = arith.constant 0 : i32
      %dma_start3A_975 = tpu.memref_slice %arg5[%add3A_822, %dma_start3A_972, %add3A, %dma_start3A_973, %dma_start3A_974] : memref<200x8x32x8x128xf32, #tpu.memory_space<hbm>> -> memref<1x8x1x8x128xf32, #tpu.memory_space<hbm>>
      %dma_start3A_976 = tpu.memref_squeeze %dma_start3A_975 : memref<1x8x1x8x128xf32, #tpu.memory_space<hbm>> -> memref<8x8x128xf32, #tpu.memory_space<hbm>>
      %dma_start3A_977 = arith.constant 0 : i32
      %dma_start3A_978 = arith.constant 0 : i32
      %dma_start3A_979 = arith.constant 0 : i32
      %dma_start3A_980 = tpu.memref_slice %arg5[%add3A_822, %dma_start3A_977, %add3A, %dma_start3A_978, %dma_start3A_979] : memref<200x8x32x8x128xf32, #tpu.memory_space<hbm>> -> memref<1x8x1x8x128xf32, #tpu.memory_space<hbm>>
      %dma_start3A_981 = tpu.memref_squeeze %dma_start3A_980 : memref<1x8x1x8x128xf32, #tpu.memory_space<hbm>> -> memref<8x8x128xf32, #tpu.memory_space<hbm>>
      %dma_start3A_982 = arith.constant 0 : i32
      %dma_start3A_983 = arith.constant 0 : i32
      %dma_start3A_984 = arith.constant 0 : i32
      %dma_start3A_985 = tpu.memref_slice %arg17[%dma_start3A_982, %dma_start3A_983, %dma_start3A_984] : memref<8x8x137xf32, #tpu.memory_space<vmem>> -> memref<8x8x128xf32, #tpu.memory_space<vmem>>
      tpu.enqueue_dma source(%dma_start3A_985 : memref<8x8x128xf32, #tpu.memory_space<vmem>>) target(%dma_start3A_981 : memref<8x8x128xf32, #tpu.memory_space<hbm>>) target_semaphore(%arg28 : memref<!tpu.dma_semaphore, #tpu.memory_space<semaphore_mem>>)
      %add3A_986 = arith.constant 4 : i32
      %add3A_987 = arith.addi %add3A_822, %add3A_986 : i32
      %lt3A_988 = arith.constant 200 : i32
      %lt3A_989 = arith.cmpi slt, %add3A_987, %lt3A_988 : i32
      %add3A_990 = arith.constant 4 : i32
      %add3A_991 = arith.addi %add3A_822, %add3A_990 : i32
      %and3A_992 = arith.constant 7 : i32
      %and3A_993 = arith.andi %add3A_991, %and3A_992 : i32
      %eq3A_994 = arith.constant 0 : i32
      %eq3A_995 = arith.cmpi eq, %and3A_993, %eq3A_994 : i32
      %and3A_996 = arith.andi %lt3A_989, %eq3A_995 : i1
      %convert_element_type3A_997 = arith.extui %and3A_996 : i1 to i32
      %cond3A_998 = arith.constant 0 : i32
      %cond3A_999 = arith.cmpi ne, %convert_element_type3A_997, %cond3A_998 : i32
      scf.if %cond3A_999 {
        %add3A_1195 = arith.constant 4 : i32
        %add3A_1196 = arith.addi %add3A_822, %add3A_1195 : i32
        %shift_right_arithmetic3A_1197 = arith.constant 3 : i32
        %shift_right_arithmetic3A_1198 = arith.shrsi %add3A_1196, %shift_right_arithmetic3A_1197 : i32
        %add3A_1199 = arith.constant 4 : i32
        %add3A_1200 = arith.addi %add3A_822, %add3A_1199 : i32
        %shift_right_arithmetic3A_1201 = arith.constant 3 : i32
        %shift_right_arithmetic3A_1202 = arith.shrsi %add3A_1200, %shift_right_arithmetic3A_1201 : i32
        %and3A_1203 = arith.constant 1 : i32
        %and3A_1204 = arith.andi %shift_right_arithmetic3A_1202, %and3A_1203 : i32
        %dma_wait3A_1205 = arith.constant 0 : i32
        %dma_wait3A_1206 = arith.constant 0 : i32
        %dma_wait3A_1207 = tpu.memref_slice %arg8[%and3A_1204, %dma_wait3A_1205, %dma_wait3A_1206] : memref<2x8x128xi32, #tpu.memory_space<vmem>> -> memref<1x8x128xi32, #tpu.memory_space<vmem>>
        %dma_wait3A_1208 = tpu.memref_squeeze %dma_wait3A_1207 : memref<1x8x128xi32, #tpu.memory_space<vmem>> -> memref<8x128xi32, #tpu.memory_space<vmem>>
        %dma_wait3A_1209 = arith.constant 0 : i32
        %dma_wait3A_1210 = arith.constant 0 : i32
        %dma_wait3A_1211 = tpu.memref_slice %arg2[%shift_right_arithmetic3A_1198, %add3A, %dma_wait3A_1209, %dma_wait3A_1210] : memref<25x32x8x128xi32, #tpu.memory_space<hbm>> -> memref<1x1x8x128xi32, #tpu.memory_space<hbm>>
        %dma_wait3A_1212 = tpu.memref_squeeze %dma_wait3A_1211 : memref<1x1x8x128xi32, #tpu.memory_space<hbm>> -> memref<8x128xi32, #tpu.memory_space<hbm>>
        %dma_wait3A_1213 = arith.constant 0 : i32
        %dma_wait3A_1214 = arith.constant 0 : i32
        %dma_wait3A_1215 = tpu.memref_slice %arg8[%and3A_1204, %dma_wait3A_1213, %dma_wait3A_1214] : memref<2x8x128xi32, #tpu.memory_space<vmem>> -> memref<1x8x128xi32, #tpu.memory_space<vmem>>
        %dma_wait3A_1216 = tpu.memref_squeeze %dma_wait3A_1215 : memref<1x8x128xi32, #tpu.memory_space<vmem>> -> memref<8x128xi32, #tpu.memory_space<vmem>>
        %dma_wait3A_1217 = arith.constant 0 : i32
        %dma_wait3A_1218 = arith.constant 0 : i32
        %dma_wait3A_1219 = tpu.memref_slice %arg2[%shift_right_arithmetic3A_1198, %add3A, %dma_wait3A_1217, %dma_wait3A_1218] : memref<25x32x8x128xi32, #tpu.memory_space<hbm>> -> memref<1x1x8x128xi32, #tpu.memory_space<hbm>>
        %dma_wait3A_1220 = tpu.memref_squeeze %dma_wait3A_1219 : memref<1x1x8x128xi32, #tpu.memory_space<hbm>> -> memref<8x128xi32, #tpu.memory_space<hbm>>
        tpu.wait_dma2 semaphore(%arg19 : memref<!tpu.dma_semaphore, #tpu.memory_space<semaphore_mem>>) src(%dma_wait3A_1220 : memref<8x128xi32, #tpu.memory_space<hbm>>) dst(%dma_wait3A_1216 : memref<8x128xi32, #tpu.memory_space<vmem>>)
      } else {
      }
      %add3A_1000 = arith.constant 4 : i32
      %add3A_1001 = arith.addi %add3A_822, %add3A_1000 : i32
      %lt3A_1002 = arith.constant 200 : i32
      %lt3A_1003 = arith.cmpi slt, %add3A_1001, %lt3A_1002 : i32
      %convert_element_type3A_1004 = arith.extui %lt3A_1003 : i1 to i32
      %cond3A_1005 = arith.constant 0 : i32
      %cond3A_1006 = arith.cmpi ne, %convert_element_type3A_1004, %cond3A_1005 : i32
      scf.if %cond3A_1006 {
        %add3A_1195 = arith.constant 4 : i32
        %add3A_1196 = arith.addi %add3A_822, %add3A_1195 : i32
        %jit3A_1197 = arith.constant 8 : i32
        %div3A_1198 = arith.divsi %add3A_1196, %jit3A_1197 : i32
        %sign3A_1199 = arith.constant 0 : i32
        %sign3A_1200 = arith.cmpi sgt, %add3A_1196, %sign3A_1199 : i32
        %sign3A_1201 = arith.extui %sign3A_1200 : i1 to i32
        %sign3A_1202 = arith.constant 0 : i32
        %sign3A_1203 = arith.cmpi slt, %add3A_1196, %sign3A_1202 : i32
        %sign3A_1204 = arith.extui %sign3A_1203 : i1 to i32
        %sign3A_1205 = arith.subi %sign3A_1201, %sign3A_1204 : i32
        %sign3A_1206 = arith.constant 0 : i32
        %sign3A_1207 = arith.cmpi sgt, %jit3A_1197, %sign3A_1206 : i32
        %sign3A_1208 = arith.extui %sign3A_1207 : i1 to i32
        %sign3A_1209 = arith.constant 0 : i32
        %sign3A_1210 = arith.cmpi slt, %jit3A_1197, %sign3A_1209 : i32
        %sign3A_1211 = arith.extui %sign3A_1210 : i1 to i32
        %sign3A_1212 = arith.subi %sign3A_1208, %sign3A_1211 : i32
        %ne3A_1213 = arith.cmpi ne, %sign3A_1205, %sign3A_1212 : i32
        %rem3A_1214 = arith.remsi %add3A_1196, %jit3A_1197 : i32
        %ne3A_1215 = arith.constant 0 : i32
        %ne3A_1216 = arith.cmpi ne, %rem3A_1214, %ne3A_1215 : i32
        %and3A_1217 = arith.andi %ne3A_1213, %ne3A_1216 : i1
        %sub3A_1218 = arith.constant 1 : i32
        %sub3A_1219 = arith.subi %div3A_1198, %sub3A_1218 : i32
        %select_n3A_1220 = arith.select %and3A_1217, %sub3A_1219, %div3A_1198 : i32
        %jit3A_1221 = arith.constant 2 : i32
        %eq3A_1222 = arith.constant 0 : i32
        %eq3A_1223 = arith.cmpi eq, %jit3A_1221, %eq3A_1222 : i32
        %jit3A_1224 = arith.constant 1 : i32
        %select_n3A_1225 = arith.select %eq3A_1223, %jit3A_1224, %jit3A_1221 : i32
        %rem3A_1226 = arith.remsi %select_n3A_1220, %select_n3A_1225 : i32
        %ne3A_1227 = arith.constant 0 : i32
        %ne3A_1228 = arith.cmpi ne, %rem3A_1226, %ne3A_1227 : i32
        %lt3A_1229 = arith.constant 0 : i32
        %lt3A_1230 = arith.cmpi slt, %rem3A_1226, %lt3A_1229 : i32
        %lt3A_1231 = arith.constant 0 : i32
        %lt3A_1232 = arith.cmpi slt, %select_n3A_1225, %lt3A_1231 : i32
        %ne3A_1233 = arith.xori %lt3A_1230, %lt3A_1232 : i1
        %and3A_1234 = arith.andi %ne3A_1233, %ne3A_1228 : i1
        %add3A_1235 = arith.addi %rem3A_1226, %select_n3A_1225 : i32
        %select_n3A_1236 = arith.select %and3A_1234, %add3A_1235, %rem3A_1226 : i32
        %jit3A_1237 = arith.constant 8 : i32
        %eq3A_1238 = arith.constant 0 : i32
        %eq3A_1239 = arith.cmpi eq, %jit3A_1237, %eq3A_1238 : i32
        %jit3A_1240 = arith.constant 1 : i32
        %select_n3A_1241 = arith.select %eq3A_1239, %jit3A_1240, %jit3A_1237 : i32
        %rem3A_1242 = arith.remsi %add3A_1196, %select_n3A_1241 : i32
        %ne3A_1243 = arith.constant 0 : i32
        %ne3A_1244 = arith.cmpi ne, %rem3A_1242, %ne3A_1243 : i32
        %lt3A_1245 = arith.constant 0 : i32
        %lt3A_1246 = arith.cmpi slt, %rem3A_1242, %lt3A_1245 : i32
        %lt3A_1247 = arith.constant 0 : i32
        %lt3A_1248 = arith.cmpi slt, %select_n3A_1241, %lt3A_1247 : i32
        %ne3A_1249 = arith.xori %lt3A_1246, %lt3A_1248 : i1
        %and3A_1250 = arith.andi %ne3A_1249, %ne3A_1244 : i1
        %add3A_1251 = arith.addi %rem3A_1242, %select_n3A_1241 : i32
        %select_n3A_1252 = arith.select %and3A_1250, %add3A_1251, %rem3A_1242 : i32
        %dma_start3A_1253 = arith.constant 0 : i32
        %dma_start3A_1254 = tpu.memref_slice %arg8[%select_n3A_1236, %select_n3A_1252, %dma_start3A_1253] : memref<2x8x128xi32, #tpu.memory_space<vmem>> -> memref<1x1x128xi32, #tpu.memory_space<vmem>>
        %dma_start3A_1255 = tpu.memref_squeeze %dma_start3A_1254 : memref<1x1x128xi32, #tpu.memory_space<vmem>> -> memref<128xi32, #tpu.memory_space<vmem>>
        %dma_start3A_1256 = arith.constant 0 : i32
        %dma_start3A_1257 = arith.constant 0 : i32
        %dma_start3A_1258 = tpu.memref_slice %arg3[%dma_start3A_1256, %dma_start3A_1257] : memref<100000x64xf32, #tpu.memory_space<hbm>> -> memref<100000x64xf32, #tpu.memory_space<hbm>>
        tpu.enqueue_indirect_dma source(%dma_start3A_1258 : memref<100000x64xf32, #tpu.memory_space<hbm>>) target(%arg11 : memref<128x64xf32, #tpu.memory_space<vmem>>) offsets(%dma_start3A_1255 : memref<128xi32, #tpu.memory_space<vmem>>) semaphore(%arg22 : memref<!tpu.dma_semaphore, #tpu.memory_space<semaphore_mem>>)
      } else {
      }
      %mul3A_1007 = arith.constant 5 : i32
      %mul3A_1008 = arith.muli %scan3A_269, %mul3A_1007 : i32
      %add3A_1009 = arith.constant 4 : i32
      %add3A_1010 = arith.addi %mul3A_1008, %add3A_1009 : i32
      %jit3A_1011 = arith.constant 8 : i32
      %div3A_1012 = arith.divsi %add3A_1010, %jit3A_1011 : i32
      %sign3A_1013 = arith.constant 0 : i32
      %sign3A_1014 = arith.cmpi sgt, %add3A_1010, %sign3A_1013 : i32
      %sign3A_1015 = arith.extui %sign3A_1014 : i1 to i32
      %sign3A_1016 = arith.constant 0 : i32
      %sign3A_1017 = arith.cmpi slt, %add3A_1010, %sign3A_1016 : i32
      %sign3A_1018 = arith.extui %sign3A_1017 : i1 to i32
      %sign3A_1019 = arith.subi %sign3A_1015, %sign3A_1018 : i32
      %sign3A_1020 = arith.constant 0 : i32
      %sign3A_1021 = arith.cmpi sgt, %jit3A_1011, %sign3A_1020 : i32
      %sign3A_1022 = arith.extui %sign3A_1021 : i1 to i32
      %sign3A_1023 = arith.constant 0 : i32
      %sign3A_1024 = arith.cmpi slt, %jit3A_1011, %sign3A_1023 : i32
      %sign3A_1025 = arith.extui %sign3A_1024 : i1 to i32
      %sign3A_1026 = arith.subi %sign3A_1022, %sign3A_1025 : i32
      %ne3A_1027 = arith.cmpi ne, %sign3A_1019, %sign3A_1026 : i32
      %rem3A_1028 = arith.remsi %add3A_1010, %jit3A_1011 : i32
      %ne3A_1029 = arith.constant 0 : i32
      %ne3A_1030 = arith.cmpi ne, %rem3A_1028, %ne3A_1029 : i32
      %and3A_1031 = arith.andi %ne3A_1027, %ne3A_1030 : i1
      %sub3A_1032 = arith.constant 1 : i32
      %sub3A_1033 = arith.subi %div3A_1012, %sub3A_1032 : i32
      %select_n3A_1034 = arith.select %and3A_1031, %sub3A_1033, %div3A_1012 : i32
      %jit3A_1035 = arith.constant 2 : i32
      %eq3A_1036 = arith.constant 0 : i32
      %eq3A_1037 = arith.cmpi eq, %jit3A_1035, %eq3A_1036 : i32
      %jit3A_1038 = arith.constant 1 : i32
      %select_n3A_1039 = arith.select %eq3A_1037, %jit3A_1038, %jit3A_1035 : i32
      %rem3A_1040 = arith.remsi %select_n3A_1034, %select_n3A_1039 : i32
      %ne3A_1041 = arith.constant 0 : i32
      %ne3A_1042 = arith.cmpi ne, %rem3A_1040, %ne3A_1041 : i32
      %lt3A_1043 = arith.constant 0 : i32
      %lt3A_1044 = arith.cmpi slt, %rem3A_1040, %lt3A_1043 : i32
      %lt3A_1045 = arith.constant 0 : i32
      %lt3A_1046 = arith.cmpi slt, %select_n3A_1039, %lt3A_1045 : i32
      %ne3A_1047 = arith.xori %lt3A_1044, %lt3A_1046 : i1
      %and3A_1048 = arith.andi %ne3A_1047, %ne3A_1042 : i1
      %add3A_1049 = arith.addi %rem3A_1040, %select_n3A_1039 : i32
      %select_n3A_1050 = arith.select %and3A_1048, %add3A_1049, %rem3A_1040 : i32
      %jit3A_1051 = arith.constant 8 : i32
      %eq3A_1052 = arith.constant 0 : i32
      %eq3A_1053 = arith.cmpi eq, %jit3A_1051, %eq3A_1052 : i32
      %jit3A_1054 = arith.constant 1 : i32
      %select_n3A_1055 = arith.select %eq3A_1053, %jit3A_1054, %jit3A_1051 : i32
      %rem3A_1056 = arith.remsi %add3A_1010, %select_n3A_1055 : i32
      %ne3A_1057 = arith.constant 0 : i32
      %ne3A_1058 = arith.cmpi ne, %rem3A_1056, %ne3A_1057 : i32
      %lt3A_1059 = arith.constant 0 : i32
      %lt3A_1060 = arith.cmpi slt, %rem3A_1056, %lt3A_1059 : i32
      %lt3A_1061 = arith.constant 0 : i32
      %lt3A_1062 = arith.cmpi slt, %select_n3A_1055, %lt3A_1061 : i32
      %ne3A_1063 = arith.xori %lt3A_1060, %lt3A_1062 : i1
      %and3A_1064 = arith.andi %ne3A_1063, %ne3A_1058 : i1
      %add3A_1065 = arith.addi %rem3A_1056, %select_n3A_1055 : i32
      %select_n3A_1066 = arith.select %and3A_1064, %add3A_1065, %rem3A_1056 : i32
      %dma_wait3A_1067 = arith.constant 0 : i32
      %dma_wait3A_1068 = tpu.memref_slice %arg8[%select_n3A_1050, %select_n3A_1066, %dma_wait3A_1067] : memref<2x8x128xi32, #tpu.memory_space<vmem>> -> memref<1x1x128xi32, #tpu.memory_space<vmem>>
      %dma_wait3A_1069 = tpu.memref_squeeze %dma_wait3A_1068 : memref<1x1x128xi32, #tpu.memory_space<vmem>> -> memref<128xi32, #tpu.memory_space<vmem>>
      %dma_wait3A_1070 = arith.constant 0 : i32
      %dma_wait3A_1071 = arith.constant 0 : i32
      %dma_wait3A_1072 = tpu.memref_slice %arg3[%dma_wait3A_1070, %dma_wait3A_1071] : memref<100000x64xf32, #tpu.memory_space<hbm>> -> memref<100000x64xf32, #tpu.memory_space<hbm>>
      tpu.wait_indirect_dma semaphore(%arg24 : memref<!tpu.dma_semaphore, #tpu.memory_space<semaphore_mem>>) src(%dma_wait3A_1072 : memref<100000x64xf32, #tpu.memory_space<hbm>>) dst(%arg13 : memref<128x64xf32, #tpu.memory_space<vmem>>)
      %and3A_1073 = arith.constant 7 : i32
      %and3A_1074 = arith.andi %add3A_1010, %and3A_1073 : i32
      %eq3A_1075 = arith.constant 0 : i32
      %eq3A_1076 = arith.cmpi eq, %and3A_1074, %eq3A_1075 : i32
      %gt3A_1077 = arith.constant 0 : i32
      %gt3A_1078 = arith.cmpi sgt, %add3A_1010, %gt3A_1077 : i32
      %add3A_1079 = arith.constant 8 : i32
      %add3A_1080 = arith.addi %add3A_1010, %add3A_1079 : i32
      %lt3A_1081 = arith.constant 200 : i32
      %lt3A_1082 = arith.cmpi slt, %add3A_1080, %lt3A_1081 : i32
      %and3A_1083 = arith.andi %gt3A_1078, %lt3A_1082 : i1
      %and3A_1084 = arith.andi %eq3A_1076, %and3A_1083 : i1
      %convert_element_type3A_1085 = arith.extui %and3A_1084 : i1 to i32
      %cond3A_1086 = arith.constant 0 : i32
      %cond3A_1087 = arith.cmpi ne, %convert_element_type3A_1085, %cond3A_1086 : i32
      scf.if %cond3A_1087 {
        %shift_right_arithmetic3A_1195 = arith.constant 3 : i32
        %shift_right_arithmetic3A_1196 = arith.shrsi %add3A_1010, %shift_right_arithmetic3A_1195 : i32
        %add3A_1197 = arith.constant 1 : i32
        %add3A_1198 = arith.addi %shift_right_arithmetic3A_1196, %add3A_1197 : i32
        %and3A_1199 = arith.constant 1 : i32
        %and3A_1200 = arith.andi %add3A_1198, %and3A_1199 : i32
        %dma_start3A_1201 = arith.constant 0 : i32
        %dma_start3A_1202 = arith.constant 0 : i32
        %dma_start3A_1203 = tpu.memref_slice %arg8[%and3A_1200, %dma_start3A_1201, %dma_start3A_1202] : memref<2x8x128xi32, #tpu.memory_space<vmem>> -> memref<1x8x128xi32, #tpu.memory_space<vmem>>
        %dma_start3A_1204 = tpu.memref_squeeze %dma_start3A_1203 : memref<1x8x128xi32, #tpu.memory_space<vmem>> -> memref<8x128xi32, #tpu.memory_space<vmem>>
        %dma_start3A_1205 = arith.constant 0 : i32
        %dma_start3A_1206 = arith.constant 0 : i32
        %dma_start3A_1207 = tpu.memref_slice %arg2[%add3A_1198, %add3A, %dma_start3A_1205, %dma_start3A_1206] : memref<25x32x8x128xi32, #tpu.memory_space<hbm>> -> memref<1x1x8x128xi32, #tpu.memory_space<hbm>>
        %dma_start3A_1208 = tpu.memref_squeeze %dma_start3A_1207 : memref<1x1x8x128xi32, #tpu.memory_space<hbm>> -> memref<8x128xi32, #tpu.memory_space<hbm>>
        %dma_start3A_1209 = arith.constant 0 : i32
        %dma_start3A_1210 = arith.constant 0 : i32
        %dma_start3A_1211 = tpu.memref_slice %arg8[%and3A_1200, %dma_start3A_1209, %dma_start3A_1210] : memref<2x8x128xi32, #tpu.memory_space<vmem>> -> memref<1x8x128xi32, #tpu.memory_space<vmem>>
        %dma_start3A_1212 = tpu.memref_squeeze %dma_start3A_1211 : memref<1x8x128xi32, #tpu.memory_space<vmem>> -> memref<8x128xi32, #tpu.memory_space<vmem>>
        %dma_start3A_1213 = arith.constant 0 : i32
        %dma_start3A_1214 = arith.constant 0 : i32
        %dma_start3A_1215 = tpu.memref_slice %arg2[%add3A_1198, %add3A, %dma_start3A_1213, %dma_start3A_1214] : memref<25x32x8x128xi32, #tpu.memory_space<hbm>> -> memref<1x1x8x128xi32, #tpu.memory_space<hbm>>
        %dma_start3A_1216 = tpu.memref_squeeze %dma_start3A_1215 : memref<1x1x8x128xi32, #tpu.memory_space<hbm>> -> memref<8x128xi32, #tpu.memory_space<hbm>>
        tpu.enqueue_dma source(%dma_start3A_1216 : memref<8x128xi32, #tpu.memory_space<hbm>>) target(%dma_start3A_1212 : memref<8x128xi32, #tpu.memory_space<vmem>>) target_semaphore(%arg19 : memref<!tpu.dma_semaphore, #tpu.memory_space<semaphore_mem>>)
      } else {
      }
      %ge3A_1088 = arith.constant 5 : i32
      %ge3A_1089 = arith.cmpi sge, %add3A_1010, %ge3A_1088 : i32
      %convert_element_type3A_1090 = arith.extui %ge3A_1089 : i1 to i32
      %cond3A_1091 = arith.constant 0 : i32
      %cond3A_1092 = arith.cmpi ne, %convert_element_type3A_1090, %cond3A_1091 : i32
      scf.if %cond3A_1092 {
        %sub3A_1195 = arith.constant 5 : i32
        %sub3A_1196 = arith.subi %add3A_1010, %sub3A_1195 : i32
        %dma_wait3A_1197 = arith.constant 0 : i32
        %dma_wait3A_1198 = arith.constant 0 : i32
        %dma_wait3A_1199 = arith.constant 0 : i32
        %dma_wait3A_1200 = tpu.memref_slice %arg18[%dma_wait3A_1197, %dma_wait3A_1198, %dma_wait3A_1199] : memref<8x8x137xf32, #tpu.memory_space<vmem>> -> memref<8x8x128xf32, #tpu.memory_space<vmem>>
        %dma_wait3A_1201 = arith.constant 0 : i32
        %dma_wait3A_1202 = arith.constant 0 : i32
        %dma_wait3A_1203 = arith.constant 0 : i32
        %dma_wait3A_1204 = tpu.memref_slice %arg5[%sub3A_1196, %dma_wait3A_1201, %add3A, %dma_wait3A_1202, %dma_wait3A_1203] : memref<200x8x32x8x128xf32, #tpu.memory_space<hbm>> -> memref<1x8x1x8x128xf32, #tpu.memory_space<hbm>>
        %dma_wait3A_1205 = tpu.memref_squeeze %dma_wait3A_1204 : memref<1x8x1x8x128xf32, #tpu.memory_space<hbm>> -> memref<8x8x128xf32, #tpu.memory_space<hbm>>
        %dma_wait3A_1206 = arith.constant 0 : i32
        %dma_wait3A_1207 = arith.constant 0 : i32
        %dma_wait3A_1208 = arith.constant 0 : i32
        %dma_wait3A_1209 = tpu.memref_slice %arg5[%sub3A_1196, %dma_wait3A_1206, %add3A, %dma_wait3A_1207, %dma_wait3A_1208] : memref<200x8x32x8x128xf32, #tpu.memory_space<hbm>> -> memref<1x8x1x8x128xf32, #tpu.memory_space<hbm>>
        %dma_wait3A_1210 = tpu.memref_squeeze %dma_wait3A_1209 : memref<1x8x1x8x128xf32, #tpu.memory_space<hbm>> -> memref<8x8x128xf32, #tpu.memory_space<hbm>>
        %dma_wait3A_1211 = arith.constant 0 : i32
        %dma_wait3A_1212 = arith.constant 0 : i32
        %dma_wait3A_1213 = arith.constant 0 : i32
        %dma_wait3A_1214 = tpu.memref_slice %arg18[%dma_wait3A_1211, %dma_wait3A_1212, %dma_wait3A_1213] : memref<8x8x137xf32, #tpu.memory_space<vmem>> -> memref<8x8x128xf32, #tpu.memory_space<vmem>>
        tpu.wait_dma2 semaphore(%arg29 : memref<!tpu.dma_semaphore, #tpu.memory_space<semaphore_mem>>) src(%dma_wait3A_1214 : memref<8x8x128xf32, #tpu.memory_space<vmem>>) dst(%dma_wait3A_1210 : memref<8x8x128xf32, #tpu.memory_space<hbm>>)
      } else {
      }
      %get3A_1093 = arith.index_cast %add3A_1010 : i32 to index
      %get3A_1094 = arith.constant 0 : index
      %get3A_1095 = tpu.vector_load %arg6[%get3A_1093, %get3A_1094] {strides = array<i32>} : memref<200x64xf32, #tpu.memory_space<vmem>>, vector<16xf32>,
      %get3A_1096 = arith.index_cast %add3A_1010 : i32 to index
      %get3A_1097 = arith.constant 16 : index
      %get3A_1098 = tpu.vector_load %arg6[%get3A_1096, %get3A_1097] {strides = array<i32>} : memref<200x64xf32, #tpu.memory_space<vmem>>, vector<16xf32>,
      %get3A_1099 = arith.index_cast %add3A_1010 : i32 to index
      %get3A_1100 = arith.constant 32 : index
      %get3A_1101 = tpu.vector_load %arg6[%get3A_1099, %get3A_1100] {strides = array<i32>} : memref<200x64xf32, #tpu.memory_space<vmem>>, vector<16xf32>,
      %get3A_1102 = arith.index_cast %add3A_1010 : i32 to index
      %get3A_1103 = arith.constant 48 : index
      %get3A_1104 = tpu.vector_load %arg6[%get3A_1102, %get3A_1103] {strides = array<i32>} : memref<200x64xf32, #tpu.memory_space<vmem>>, vector<16xf32>,
      %get3A_1105 = arith.constant 0 : i32
      %get3A_1106 = arith.constant 0 : i32
      %get3A_1107 = arith.index_cast %get3A_1105 : i32 to index
      %get3A_1108 = arith.index_cast %get3A_1106 : i32 to index
      %get3A_1109 = arith.constant 0 : index
      %get3A_1110 = tpu.vector_load %arg7[%get3A_1107, %get3A_1108, %get3A_1109] {strides = array<i32>} : memref<2x4x16xi32, #tpu.memory_space<vmem>>, vector<16xi32>,
      %get3A_1111 = arith.constant 0 : i32
      %get3A_1112 = arith.constant 1 : i32
      %get3A_1113 = arith.index_cast %get3A_1111 : i32 to index
      %get3A_1114 = arith.index_cast %get3A_1112 : i32 to index
      %get3A_1115 = arith.constant 0 : index
      %get3A_1116 = tpu.vector_load %arg7[%get3A_1113, %get3A_1114, %get3A_1115] {strides = array<i32>} : memref<2x4x16xi32, #tpu.memory_space<vmem>>, vector<16xi32>,
      %get3A_1117 = arith.constant 0 : i32
      %get3A_1118 = arith.constant 2 : i32
      %get3A_1119 = arith.index_cast %get3A_1117 : i32 to index
      %get3A_1120 = arith.index_cast %get3A_1118 : i32 to index
      %get3A_1121 = arith.constant 0 : index
      %get3A_1122 = tpu.vector_load %arg7[%get3A_1119, %get3A_1120, %get3A_1121] {strides = array<i32>} : memref<2x4x16xi32, #tpu.memory_space<vmem>>, vector<16xi32>,
      %get3A_1123 = arith.constant 0 : i32
      %get3A_1124 = arith.constant 3 : i32
      %get3A_1125 = arith.index_cast %get3A_1123 : i32 to index
      %get3A_1126 = arith.index_cast %get3A_1124 : i32 to index
      %get3A_1127 = arith.constant 0 : index
      %get3A_1128 = tpu.vector_load %arg7[%get3A_1125, %get3A_1126, %get3A_1127] {strides = array<i32>} : memref<2x4x16xi32, #tpu.memory_space<vmem>>, vector<16xi32>,
      %get3A_1129 = arith.constant 1 : i32
      %get3A_1130 = arith.constant 0 : i32
      %get3A_1131 = arith.index_cast %get3A_1129 : i32 to index
      %get3A_1132 = arith.index_cast %get3A_1130 : i32 to index
      %get3A_1133 = arith.constant 0 : index
      %get3A_1134 = tpu.vector_load %arg7[%get3A_1131, %get3A_1132, %get3A_1133] {strides = array<i32>} : memref<2x4x16xi32, #tpu.memory_space<vmem>>, vector<16xi32>,
      %get3A_1135 = arith.constant 1 : i32
      %get3A_1136 = arith.constant 1 : i32
      %get3A_1137 = arith.index_cast %get3A_1135 : i32 to index
      %get3A_1138 = arith.index_cast %get3A_1136 : i32 to index
      %get3A_1139 = arith.constant 0 : index
      %get3A_1140 = tpu.vector_load %arg7[%get3A_1137, %get3A_1138, %get3A_1139] {strides = array<i32>} : memref<2x4x16xi32, #tpu.memory_space<vmem>>, vector<16xi32>,
      %get3A_1141 = arith.constant 1 : i32
      %get3A_1142 = arith.constant 2 : i32
      %get3A_1143 = arith.index_cast %get3A_1141 : i32 to index
      %get3A_1144 = arith.index_cast %get3A_1142 : i32 to index
      %get3A_1145 = arith.constant 0 : index
      %get3A_1146 = tpu.vector_load %arg7[%get3A_1143, %get3A_1144, %get3A_1145] {strides = array<i32>} : memref<2x4x16xi32, #tpu.memory_space<vmem>>, vector<16xi32>,
      %get3A_1147 = arith.constant 1 : i32
      %get3A_1148 = arith.constant 3 : i32
      %get3A_1149 = arith.index_cast %get3A_1147 : i32 to index
      %get3A_1150 = arith.index_cast %get3A_1148 : i32 to index
      %get3A_1151 = arith.constant 0 : index
      %get3A_1152 = tpu.vector_load %arg7[%get3A_1149, %get3A_1150, %get3A_1151] {strides = array<i32>} : memref<2x4x16xi32, #tpu.memory_space<vmem>>, vector<16xi32>,
      %parallel_loop3A_1153 = arith.constant 0 : i32
      %parallel_loop3A_1154 = arith.constant 128 : i32
      %parallel_loop3A_1155 = arith.constant 1 : i32
      scf.for %parallel_loop3A_1195 = %parallel_loop3A_1153 to %parallel_loop3A_1154 step %parallel_loop3A_1155  : i32 {
        %parallel_loop3A_1196 = vector.broadcast %parallel_loop3A_1195 : i32 to vector<16xi32>
        %parallel_loop3A_1197 = arith.index_cast %parallel_loop3A_1195 : i32 to index
        %parallel_loop3A_1198 = arith.constant 0 : index
        %parallel_loop3A_1199 = tpu.vector_load %arg13[%parallel_loop3A_1197, %parallel_loop3A_1198] {strides = array<i32>} : memref<128x64xf32, #tpu.memory_space<vmem>>, vector<16xf32>,
        %parallel_loop3A_1200 = arith.addf %parallel_loop3A_1199, %get3A_1095 : vector<16xf32>
        tpu.vector_store_idx %arg18[%get3A_1110, %get3A_1134, %parallel_loop3A_1196], %parallel_loop3A_1200 : memref<8x8x137xf32, #tpu.memory_space<vmem>>[vector<16xi32>, vector<16xi32>, vector<16xi32>], vector<16xf32>,
        %parallel_loop3A_1201 = arith.index_cast %parallel_loop3A_1195 : i32 to index
        %parallel_loop3A_1202 = arith.constant 16 : index
        %parallel_loop3A_1203 = tpu.vector_load %arg13[%parallel_loop3A_1201, %parallel_loop3A_1202] {strides = array<i32>} : memref<128x64xf32, #tpu.memory_space<vmem>>, vector<16xf32>,
        %parallel_loop3A_1204 = arith.addf %parallel_loop3A_1203, %get3A_1098 : vector<16xf32>
        tpu.vector_store_idx %arg18[%get3A_1116, %get3A_1140, %parallel_loop3A_1196], %parallel_loop3A_1204 : memref<8x8x137xf32, #tpu.memory_space<vmem>>[vector<16xi32>, vector<16xi32>, vector<16xi32>], vector<16xf32>,
        %parallel_loop3A_1205 = arith.index_cast %parallel_loop3A_1195 : i32 to index
        %parallel_loop3A_1206 = arith.constant 32 : index
        %parallel_loop3A_1207 = tpu.vector_load %arg13[%parallel_loop3A_1205, %parallel_loop3A_1206] {strides = array<i32>} : memref<128x64xf32, #tpu.memory_space<vmem>>, vector<16xf32>,
        %parallel_loop3A_1208 = arith.addf %parallel_loop3A_1207, %get3A_1101 : vector<16xf32>
        tpu.vector_store_idx %arg18[%get3A_1122, %get3A_1146, %parallel_loop3A_1196], %parallel_loop3A_1208 : memref<8x8x137xf32, #tpu.memory_space<vmem>>[vector<16xi32>, vector<16xi32>, vector<16xi32>], vector<16xf32>,
        %parallel_loop3A_1209 = arith.index_cast %parallel_loop3A_1195 : i32 to index
        %parallel_loop3A_1210 = arith.constant 48 : index
        %parallel_loop3A_1211 = tpu.vector_load %arg13[%parallel_loop3A_1209, %parallel_loop3A_1210] {strides = array<i32>} : memref<128x64xf32, #tpu.memory_space<vmem>>, vector<16xf32>,
        %parallel_loop3A_1212 = arith.addf %parallel_loop3A_1211, %get3A_1104 : vector<16xf32>
        tpu.vector_store_idx %arg18[%get3A_1128, %get3A_1152, %parallel_loop3A_1196], %parallel_loop3A_1212 : memref<8x8x137xf32, #tpu.memory_space<vmem>>[vector<16xi32>, vector<16xi32>, vector<16xi32>], vector<16xf32>,
      } {sc.loop_unroll_factor = 4 : i64, sc.parallel_access}
      %dma_start3A_1156 = arith.constant 0 : i32
      %dma_start3A_1157 = arith.constant 0 : i32
      %dma_start3A_1158 = arith.constant 0 : i32
      %dma_start3A_1159 = tpu.memref_slice %arg18[%dma_start3A_1156, %dma_start3A_1157, %dma_start3A_1158] : memref<8x8x137xf32, #tpu.memory_space<vmem>> -> memref<8x8x128xf32, #tpu.memory_space<vmem>>
      %dma_start3A_1160 = arith.constant 0 : i32
      %dma_start3A_1161 = arith.constant 0 : i32
      %dma_start3A_1162 = arith.constant 0 : i32
      %dma_start3A_1163 = tpu.memref_slice %arg5[%add3A_1010, %dma_start3A_1160, %add3A, %dma_start3A_1161, %dma_start3A_1162] : memref<200x8x32x8x128xf32, #tpu.memory_space<hbm>> -> memref<1x8x1x8x128xf32, #tpu.memory_space<hbm>>
      %dma_start3A_1164 = tpu.memref_squeeze %dma_start3A_1163 : memref<1x8x1x8x128xf32, #tpu.memory_space<hbm>> -> memref<8x8x128xf32, #tpu.memory_space<hbm>>
      %dma_start3A_1165 = arith.constant 0 : i32
      %dma_start3A_1166 = arith.constant 0 : i32
      %dma_start3A_1167 = arith.constant 0 : i32
      %dma_start3A_1168 = tpu.memref_slice %arg5[%add3A_1010, %dma_start3A_1165, %add3A, %dma_start3A_1166, %dma_start3A_1167] : memref<200x8x32x8x128xf32, #tpu.memory_space<hbm>> -> memref<1x8x1x8x128xf32, #tpu.memory_space<hbm>>
      %dma_start3A_1169 = tpu.memref_squeeze %dma_start3A_1168 : memref<1x8x1x8x128xf32, #tpu.memory_space<hbm>> -> memref<8x8x128xf32, #tpu.memory_space<hbm>>
      %dma_start3A_1170 = arith.constant 0 : i32
      %dma_start3A_1171 = arith.constant 0 : i32
      %dma_start3A_1172 = arith.constant 0 : i32
      %dma_start3A_1173 = tpu.memref_slice %arg18[%dma_start3A_1170, %dma_start3A_1171, %dma_start3A_1172] : memref<8x8x137xf32, #tpu.memory_space<vmem>> -> memref<8x8x128xf32, #tpu.memory_space<vmem>>
      tpu.enqueue_dma source(%dma_start3A_1173 : memref<8x8x128xf32, #tpu.memory_space<vmem>>) target(%dma_start3A_1169 : memref<8x8x128xf32, #tpu.memory_space<hbm>>) target_semaphore(%arg29 : memref<!tpu.dma_semaphore, #tpu.memory_space<semaphore_mem>>)
      %add3A_1174 = arith.constant 4 : i32
      %add3A_1175 = arith.addi %add3A_1010, %add3A_1174 : i32
      %lt3A_1176 = arith.constant 200 : i32
      %lt3A_1177 = arith.cmpi slt, %add3A_1175, %lt3A_1176 : i32
      %add3A_1178 = arith.constant 4 : i32
      %add3A_1179 = arith.addi %add3A_1010, %add3A_1178 : i32
      %and3A_1180 = arith.constant 7 : i32
      %and3A_1181 = arith.andi %add3A_1179, %and3A_1180 : i32
      %eq3A_1182 = arith.constant 0 : i32
      %eq3A_1183 = arith.cmpi eq, %and3A_1181, %eq3A_1182 : i32
      %and3A_1184 = arith.andi %lt3A_1177, %eq3A_1183 : i1
      %convert_element_type3A_1185 = arith.extui %and3A_1184 : i1 to i32
      %cond3A_1186 = arith.constant 0 : i32
      %cond3A_1187 = arith.cmpi ne, %convert_element_type3A_1185, %cond3A_1186 : i32
      scf.if %cond3A_1187 {
        %add3A_1195 = arith.constant 4 : i32
        %add3A_1196 = arith.addi %add3A_1010, %add3A_1195 : i32
        %shift_right_arithmetic3A_1197 = arith.constant 3 : i32
        %shift_right_arithmetic3A_1198 = arith.shrsi %add3A_1196, %shift_right_arithmetic3A_1197 : i32
        %add3A_1199 = arith.constant 4 : i32
        %add3A_1200 = arith.addi %add3A_1010, %add3A_1199 : i32
        %shift_right_arithmetic3A_1201 = arith.constant 3 : i32
        %shift_right_arithmetic3A_1202 = arith.shrsi %add3A_1200, %shift_right_arithmetic3A_1201 : i32
        %and3A_1203 = arith.constant 1 : i32
        %and3A_1204 = arith.andi %shift_right_arithmetic3A_1202, %and3A_1203 : i32
        %dma_wait3A_1205 = arith.constant 0 : i32
        %dma_wait3A_1206 = arith.constant 0 : i32
        %dma_wait3A_1207 = tpu.memref_slice %arg8[%and3A_1204, %dma_wait3A_1205, %dma_wait3A_1206] : memref<2x8x128xi32, #tpu.memory_space<vmem>> -> memref<1x8x128xi32, #tpu.memory_space<vmem>>
        %dma_wait3A_1208 = tpu.memref_squeeze %dma_wait3A_1207 : memref<1x8x128xi32, #tpu.memory_space<vmem>> -> memref<8x128xi32, #tpu.memory_space<vmem>>
        %dma_wait3A_1209 = arith.constant 0 : i32
        %dma_wait3A_1210 = arith.constant 0 : i32
        %dma_wait3A_1211 = tpu.memref_slice %arg2[%shift_right_arithmetic3A_1198, %add3A, %dma_wait3A_1209, %dma_wait3A_1210] : memref<25x32x8x128xi32, #tpu.memory_space<hbm>> -> memref<1x1x8x128xi32, #tpu.memory_space<hbm>>
        %dma_wait3A_1212 = tpu.memref_squeeze %dma_wait3A_1211 : memref<1x1x8x128xi32, #tpu.memory_space<hbm>> -> memref<8x128xi32, #tpu.memory_space<hbm>>
        %dma_wait3A_1213 = arith.constant 0 : i32
        %dma_wait3A_1214 = arith.constant 0 : i32
        %dma_wait3A_1215 = tpu.memref_slice %arg8[%and3A_1204, %dma_wait3A_1213, %dma_wait3A_1214] : memref<2x8x128xi32, #tpu.memory_space<vmem>> -> memref<1x8x128xi32, #tpu.memory_space<vmem>>
        %dma_wait3A_1216 = tpu.memref_squeeze %dma_wait3A_1215 : memref<1x8x128xi32, #tpu.memory_space<vmem>> -> memref<8x128xi32, #tpu.memory_space<vmem>>
        %dma_wait3A_1217 = arith.constant 0 : i32
        %dma_wait3A_1218 = arith.constant 0 : i32
        %dma_wait3A_1219 = tpu.memref_slice %arg2[%shift_right_arithmetic3A_1198, %add3A, %dma_wait3A_1217, %dma_wait3A_1218] : memref<25x32x8x128xi32, #tpu.memory_space<hbm>> -> memref<1x1x8x128xi32, #tpu.memory_space<hbm>>
        %dma_wait3A_1220 = tpu.memref_squeeze %dma_wait3A_1219 : memref<1x1x8x128xi32, #tpu.memory_space<hbm>> -> memref<8x128xi32, #tpu.memory_space<hbm>>
        tpu.wait_dma2 semaphore(%arg19 : memref<!tpu.dma_semaphore, #tpu.memory_space<semaphore_mem>>) src(%dma_wait3A_1220 : memref<8x128xi32, #tpu.memory_space<hbm>>) dst(%dma_wait3A_1216 : memref<8x128xi32, #tpu.memory_space<vmem>>)
      } else {
      }
      %add3A_1188 = arith.constant 4 : i32
      %add3A_1189 = arith.addi %add3A_1010, %add3A_1188 : i32
      %lt3A_1190 = arith.constant 200 : i32
      %lt3A_1191 = arith.cmpi slt, %add3A_1189, %lt3A_1190 : i32
      %convert_element_type3A_1192 = arith.extui %lt3A_1191 : i1 to i32
      %cond3A_1193 = arith.constant 0 : i32
      %cond3A_1194 = arith.cmpi ne, %convert_element_type3A_1192, %cond3A_1193 : i32
      scf.if %cond3A_1194 {
        %add3A_1195 = arith.constant 4 : i32
        %add3A_1196 = arith.addi %add3A_1010, %add3A_1195 : i32
        %jit3A_1197 = arith.constant 8 : i32
        %div3A_1198 = arith.divsi %add3A_1196, %jit3A_1197 : i32
        %sign3A_1199 = arith.constant 0 : i32
        %sign3A_1200 = arith.cmpi sgt, %add3A_1196, %sign3A_1199 : i32
        %sign3A_1201 = arith.extui %sign3A_1200 : i1 to i32
        %sign3A_1202 = arith.constant 0 : i32
        %sign3A_1203 = arith.cmpi slt, %add3A_1196, %sign3A_1202 : i32
        %sign3A_1204 = arith.extui %sign3A_1203 : i1 to i32
        %sign3A_1205 = arith.subi %sign3A_1201, %sign3A_1204 : i32
        %sign3A_1206 = arith.constant 0 : i32
        %sign3A_1207 = arith.cmpi sgt, %jit3A_1197, %sign3A_1206 : i32
        %sign3A_1208 = arith.extui %sign3A_1207 : i1 to i32
        %sign3A_1209 = arith.constant 0 : i32
        %sign3A_1210 = arith.cmpi slt, %jit3A_1197, %sign3A_1209 : i32
        %sign3A_1211 = arith.extui %sign3A_1210 : i1 to i32
        %sign3A_1212 = arith.subi %sign3A_1208, %sign3A_1211 : i32
        %ne3A_1213 = arith.cmpi ne, %sign3A_1205, %sign3A_1212 : i32
        %rem3A_1214 = arith.remsi %add3A_1196, %jit3A_1197 : i32
        %ne3A_1215 = arith.constant 0 : i32
        %ne3A_1216 = arith.cmpi ne, %rem3A_1214, %ne3A_1215 : i32
        %and3A_1217 = arith.andi %ne3A_1213, %ne3A_1216 : i1
        %sub3A_1218 = arith.constant 1 : i32
        %sub3A_1219 = arith.subi %div3A_1198, %sub3A_1218 : i32
        %select_n3A_1220 = arith.select %and3A_1217, %sub3A_1219, %div3A_1198 : i32
        %jit3A_1221 = arith.constant 2 : i32
        %eq3A_1222 = arith.constant 0 : i32
        %eq3A_1223 = arith.cmpi eq, %jit3A_1221, %eq3A_1222 : i32
        %jit3A_1224 = arith.constant 1 : i32
        %select_n3A_1225 = arith.select %eq3A_1223, %jit3A_1224, %jit3A_1221 : i32
        %rem3A_1226 = arith.remsi %select_n3A_1220, %select_n3A_1225 : i32
        %ne3A_1227 = arith.constant 0 : i32
        %ne3A_1228 = arith.cmpi ne, %rem3A_1226, %ne3A_1227 : i32
        %lt3A_1229 = arith.constant 0 : i32
        %lt3A_1230 = arith.cmpi slt, %rem3A_1226, %lt3A_1229 : i32
        %lt3A_1231 = arith.constant 0 : i32
        %lt3A_1232 = arith.cmpi slt, %select_n3A_1225, %lt3A_1231 : i32
        %ne3A_1233 = arith.xori %lt3A_1230, %lt3A_1232 : i1
        %and3A_1234 = arith.andi %ne3A_1233, %ne3A_1228 : i1
        %add3A_1235 = arith.addi %rem3A_1226, %select_n3A_1225 : i32
        %select_n3A_1236 = arith.select %and3A_1234, %add3A_1235, %rem3A_1226 : i32
        %jit3A_1237 = arith.constant 8 : i32
        %eq3A_1238 = arith.constant 0 : i32
        %eq3A_1239 = arith.cmpi eq, %jit3A_1237, %eq3A_1238 : i32
        %jit3A_1240 = arith.constant 1 : i32
        %select_n3A_1241 = arith.select %eq3A_1239, %jit3A_1240, %jit3A_1237 : i32
        %rem3A_1242 = arith.remsi %add3A_1196, %select_n3A_1241 : i32
        %ne3A_1243 = arith.constant 0 : i32
        %ne3A_1244 = arith.cmpi ne, %rem3A_1242, %ne3A_1243 : i32
        %lt3A_1245 = arith.constant 0 : i32
        %lt3A_1246 = arith.cmpi slt, %rem3A_1242, %lt3A_1245 : i32
        %lt3A_1247 = arith.constant 0 : i32
        %lt3A_1248 = arith.cmpi slt, %select_n3A_1241, %lt3A_1247 : i32
        %ne3A_1249 = arith.xori %lt3A_1246, %lt3A_1248 : i1
        %and3A_1250 = arith.andi %ne3A_1249, %ne3A_1244 : i1
        %add3A_1251 = arith.addi %rem3A_1242, %select_n3A_1241 : i32
        %select_n3A_1252 = arith.select %and3A_1250, %add3A_1251, %rem3A_1242 : i32
        %dma_start3A_1253 = arith.constant 0 : i32
        %dma_start3A_1254 = tpu.memref_slice %arg8[%select_n3A_1236, %select_n3A_1252, %dma_start3A_1253] : memref<2x8x128xi32, #tpu.memory_space<vmem>> -> memref<1x1x128xi32, #tpu.memory_space<vmem>>
        %dma_start3A_1255 = tpu.memref_squeeze %dma_start3A_1254 : memref<1x1x128xi32, #tpu.memory_space<vmem>> -> memref<128xi32, #tpu.memory_space<vmem>>
        %dma_start3A_1256 = arith.constant 0 : i32
        %dma_start3A_1257 = arith.constant 0 : i32
        %dma_start3A_1258 = tpu.memref_slice %arg3[%dma_start3A_1256, %dma_start3A_1257] : memref<100000x64xf32, #tpu.memory_space<hbm>> -> memref<100000x64xf32, #tpu.memory_space<hbm>>
        tpu.enqueue_indirect_dma source(%dma_start3A_1258 : memref<100000x64xf32, #tpu.memory_space<hbm>>) target(%arg12 : memref<128x64xf32, #tpu.memory_space<vmem>>) offsets(%dma_start3A_1255 : memref<128xi32, #tpu.memory_space<vmem>>) semaphore(%arg23 : memref<!tpu.dma_semaphore, #tpu.memory_space<semaphore_mem>>)
      } else {
      }
    }
    %scan3A_173 = arith.constant 40 : i32
    %dma_wait3A_174 = arith.constant 195 : i32
    %dma_wait3A_175 = arith.constant 0 : i32
    %dma_wait3A_176 = arith.constant 0 : i32
    %dma_wait3A_177 = arith.constant 0 : i32
    %dma_wait3A_178 = tpu.memref_slice %arg14[%dma_wait3A_175, %dma_wait3A_176, %dma_wait3A_177] : memref<8x8x137xf32, #tpu.memory_space<vmem>> -> memref<8x8x128xf32, #tpu.memory_space<vmem>>
    %dma_wait3A_179 = arith.constant 0 : i32
    %dma_wait3A_180 = arith.constant 0 : i32
    %dma_wait3A_181 = arith.constant 0 : i32
    %dma_wait3A_182 = tpu.memref_slice %arg5[%dma_wait3A_174, %dma_wait3A_179, %add3A, %dma_wait3A_180, %dma_wait3A_181] : memref<200x8x32x8x128xf32, #tpu.memory_space<hbm>> -> memref<1x8x1x8x128xf32, #tpu.memory_space<hbm>>
    %dma_wait3A_183 = tpu.memref_squeeze %dma_wait3A_182 : memref<1x8x1x8x128xf32, #tpu.memory_space<hbm>> -> memref<8x8x128xf32, #tpu.memory_space<hbm>>
    %dma_wait3A_184 = arith.constant 0 : i32
    %dma_wait3A_185 = arith.constant 0 : i32
    %dma_wait3A_186 = arith.constant 0 : i32
    %dma_wait3A_187 = tpu.memref_slice %arg5[%dma_wait3A_174, %dma_wait3A_184, %add3A, %dma_wait3A_185, %dma_wait3A_186] : memref<200x8x32x8x128xf32, #tpu.memory_space<hbm>> -> memref<1x8x1x8x128xf32, #tpu.memory_space<hbm>>
    %dma_wait3A_188 = tpu.memref_squeeze %dma_wait3A_187 : memref<1x8x1x8x128xf32, #tpu.memory_space<hbm>> -> memref<8x8x128xf32, #tpu.memory_space<hbm>>
    %dma_wait3A_189 = arith.constant 0 : i32
    %dma_wait3A_190 = arith.constant 0 : i32
    %dma_wait3A_191 = arith.constant 0 : i32
    %dma_wait3A_192 = tpu.memref_slice %arg14[%dma_wait3A_189, %dma_wait3A_190, %dma_wait3A_191] : memref<8x8x137xf32, #tpu.memory_space<vmem>> -> memref<8x8x128xf32, #tpu.memory_space<vmem>>
    tpu.wait_dma2 semaphore(%arg25 : memref<!tpu.dma_semaphore, #tpu.memory_space<semaphore_mem>>) src(%dma_wait3A_192 : memref<8x8x128xf32, #tpu.memory_space<vmem>>) dst(%dma_wait3A_188 : memref<8x8x128xf32, #tpu.memory_space<hbm>>)
    %dma_wait3A_193 = arith.constant 196 : i32
    %dma_wait3A_194 = arith.constant 0 : i32
    %dma_wait3A_195 = arith.constant 0 : i32
    %dma_wait3A_196 = arith.constant 0 : i32
    %dma_wait3A_197 = tpu.memref_slice %arg15[%dma_wait3A_194, %dma_wait3A_195, %dma_wait3A_196] : memref<8x8x137xf32, #tpu.memory_space<vmem>> -> memref<8x8x128xf32, #tpu.memory_space<vmem>>
    %dma_wait3A_198 = arith.constant 0 : i32
    %dma_wait3A_199 = arith.constant 0 : i32
    %dma_wait3A_200 = arith.constant 0 : i32
    %dma_wait3A_201 = tpu.memref_slice %arg5[%dma_wait3A_193, %dma_wait3A_198, %add3A, %dma_wait3A_199, %dma_wait3A_200] : memref<200x8x32x8x128xf32, #tpu.memory_space<hbm>> -> memref<1x8x1x8x128xf32, #tpu.memory_space<hbm>>
    %dma_wait3A_202 = tpu.memref_squeeze %dma_wait3A_201 : memref<1x8x1x8x128xf32, #tpu.memory_space<hbm>> -> memref<8x8x128xf32, #tpu.memory_space<hbm>>
    %dma_wait3A_203 = arith.constant 0 : i32
    %dma_wait3A_204 = arith.constant 0 : i32
    %dma_wait3A_205 = arith.constant 0 : i32
    %dma_wait3A_206 = tpu.memref_slice %arg5[%dma_wait3A_193, %dma_wait3A_203, %add3A, %dma_wait3A_204, %dma_wait3A_205] : memref<200x8x32x8x128xf32, #tpu.memory_space<hbm>> -> memref<1x8x1x8x128xf32, #tpu.memory_space<hbm>>
    %dma_wait3A_207 = tpu.memref_squeeze %dma_wait3A_206 : memref<1x8x1x8x128xf32, #tpu.memory_space<hbm>> -> memref<8x8x128xf32, #tpu.memory_space<hbm>>
    %dma_wait3A_208 = arith.constant 0 : i32
    %dma_wait3A_209 = arith.constant 0 : i32
    %dma_wait3A_210 = arith.constant 0 : i32
    %dma_wait3A_211 = tpu.memref_slice %arg15[%dma_wait3A_208, %dma_wait3A_209, %dma_wait3A_210] : memref<8x8x137xf32, #tpu.memory_space<vmem>> -> memref<8x8x128xf32, #tpu.memory_space<vmem>>
    tpu.wait_dma2 semaphore(%arg26 : memref<!tpu.dma_semaphore, #tpu.memory_space<semaphore_mem>>) src(%dma_wait3A_211 : memref<8x8x128xf32, #tpu.memory_space<vmem>>) dst(%dma_wait3A_207 : memref<8x8x128xf32, #tpu.memory_space<hbm>>)
    %dma_wait3A_212 = arith.constant 197 : i32
    %dma_wait3A_213 = arith.constant 0 : i32
    %dma_wait3A_214 = arith.constant 0 : i32
    %dma_wait3A_215 = arith.constant 0 : i32
    %dma_wait3A_216 = tpu.memref_slice %arg16[%dma_wait3A_213, %dma_wait3A_214, %dma_wait3A_215] : memref<8x8x137xf32, #tpu.memory_space<vmem>> -> memref<8x8x128xf32, #tpu.memory_space<vmem>>
    %dma_wait3A_217 = arith.constant 0 : i32
    %dma_wait3A_218 = arith.constant 0 : i32
    %dma_wait3A_219 = arith.constant 0 : i32
    %dma_wait3A_220 = tpu.memref_slice %arg5[%dma_wait3A_212, %dma_wait3A_217, %add3A, %dma_wait3A_218, %dma_wait3A_219] : memref<200x8x32x8x128xf32, #tpu.memory_space<hbm>> -> memref<1x8x1x8x128xf32, #tpu.memory_space<hbm>>
    %dma_wait3A_221 = tpu.memref_squeeze %dma_wait3A_220 : memref<1x8x1x8x128xf32, #tpu.memory_space<hbm>> -> memref<8x8x128xf32, #tpu.memory_space<hbm>>
    %dma_wait3A_222 = arith.constant 0 : i32
    %dma_wait3A_223 = arith.constant 0 : i32
    %dma_wait3A_224 = arith.constant 0 : i32
    %dma_wait3A_225 = tpu.memref_slice %arg5[%dma_wait3A_212, %dma_wait3A_222, %add3A, %dma_wait3A_223, %dma_wait3A_224] : memref<200x8x32x8x128xf32, #tpu.memory_space<hbm>> -> memref<1x8x1x8x128xf32, #tpu.memory_space<hbm>>
    %dma_wait3A_226 = tpu.memref_squeeze %dma_wait3A_225 : memref<1x8x1x8x128xf32, #tpu.memory_space<hbm>> -> memref<8x8x128xf32, #tpu.memory_space<hbm>>
    %dma_wait3A_227 = arith.constant 0 : i32
    %dma_wait3A_228 = arith.constant 0 : i32
    %dma_wait3A_229 = arith.constant 0 : i32
    %dma_wait3A_230 = tpu.memref_slice %arg16[%dma_wait3A_227, %dma_wait3A_228, %dma_wait3A_229] : memref<8x8x137xf32, #tpu.memory_space<vmem>> -> memref<8x8x128xf32, #tpu.memory_space<vmem>>
    tpu.wait_dma2 semaphore(%arg27 : memref<!tpu.dma_semaphore, #tpu.memory_space<semaphore_mem>>) src(%dma_wait3A_230 : memref<8x8x128xf32, #tpu.memory_space<vmem>>) dst(%dma_wait3A_226 : memref<8x8x128xf32, #tpu.memory_space<hbm>>)
    %dma_wait3A_231 = arith.constant 198 : i32
    %dma_wait3A_232 = arith.constant 0 : i32
    %dma_wait3A_233 = arith.constant 0 : i32
    %dma_wait3A_234 = arith.constant 0 : i32
    %dma_wait3A_235 = tpu.memref_slice %arg17[%dma_wait3A_232, %dma_wait3A_233, %dma_wait3A_234] : memref<8x8x137xf32, #tpu.memory_space<vmem>> -> memref<8x8x128xf32, #tpu.memory_space<vmem>>
    %dma_wait3A_236 = arith.constant 0 : i32
    %dma_wait3A_237 = arith.constant 0 : i32
    %dma_wait3A_238 = arith.constant 0 : i32
    %dma_wait3A_239 = tpu.memref_slice %arg5[%dma_wait3A_231, %dma_wait3A_236, %add3A, %dma_wait3A_237, %dma_wait3A_238] : memref<200x8x32x8x128xf32, #tpu.memory_space<hbm>> -> memref<1x8x1x8x128xf32, #tpu.memory_space<hbm>>
    %dma_wait3A_240 = tpu.memref_squeeze %dma_wait3A_239 : memref<1x8x1x8x128xf32, #tpu.memory_space<hbm>> -> memref<8x8x128xf32, #tpu.memory_space<hbm>>
    %dma_wait3A_241 = arith.constant 0 : i32
    %dma_wait3A_242 = arith.constant 0 : i32
    %dma_wait3A_243 = arith.constant 0 : i32
    %dma_wait3A_244 = tpu.memref_slice %arg5[%dma_wait3A_231, %dma_wait3A_241, %add3A, %dma_wait3A_242, %dma_wait3A_243] : memref<200x8x32x8x128xf32, #tpu.memory_space<hbm>> -> memref<1x8x1x8x128xf32, #tpu.memory_space<hbm>>
    %dma_wait3A_245 = tpu.memref_squeeze %dma_wait3A_244 : memref<1x8x1x8x128xf32, #tpu.memory_space<hbm>> -> memref<8x8x128xf32, #tpu.memory_space<hbm>>
    %dma_wait3A_246 = arith.constant 0 : i32
    %dma_wait3A_247 = arith.constant 0 : i32
    %dma_wait3A_248 = arith.constant 0 : i32
    %dma_wait3A_249 = tpu.memref_slice %arg17[%dma_wait3A_246, %dma_wait3A_247, %dma_wait3A_248] : memref<8x8x137xf32, #tpu.memory_space<vmem>> -> memref<8x8x128xf32, #tpu.memory_space<vmem>>
    tpu.wait_dma2 semaphore(%arg28 : memref<!tpu.dma_semaphore, #tpu.memory_space<semaphore_mem>>) src(%dma_wait3A_249 : memref<8x8x128xf32, #tpu.memory_space<vmem>>) dst(%dma_wait3A_245 : memref<8x8x128xf32, #tpu.memory_space<hbm>>)
    %dma_wait3A_250 = arith.constant 199 : i32
    %dma_wait3A_251 = arith.constant 0 : i32
    %dma_wait3A_252 = arith.constant 0 : i32
    %dma_wait3A_253 = arith.constant 0 : i32
    %dma_wait3A_254 = tpu.memref_slice %arg18[%dma_wait3A_251, %dma_wait3A_252, %dma_wait3A_253] : memref<8x8x137xf32, #tpu.memory_space<vmem>> -> memref<8x8x128xf32, #tpu.memory_space<vmem>>
    %dma_wait3A_255 = arith.constant 0 : i32
    %dma_wait3A_256 = arith.constant 0 : i32
    %dma_wait3A_257 = arith.constant 0 : i32
    %dma_wait3A_258 = tpu.memref_slice %arg5[%dma_wait3A_250, %dma_wait3A_255, %add3A, %dma_wait3A_256, %dma_wait3A_257] : memref<200x8x32x8x128xf32, #tpu.memory_space<hbm>> -> memref<1x8x1x8x128xf32, #tpu.memory_space<hbm>>
    %dma_wait3A_259 = tpu.memref_squeeze %dma_wait3A_258 : memref<1x8x1x8x128xf32, #tpu.memory_space<hbm>> -> memref<8x8x128xf32, #tpu.memory_space<hbm>>
    %dma_wait3A_260 = arith.constant 0 : i32
    %dma_wait3A_261 = arith.constant 0 : i32
    %dma_wait3A_262 = arith.constant 0 : i32
    %dma_wait3A_263 = tpu.memref_slice %arg5[%dma_wait3A_250, %dma_wait3A_260, %add3A, %dma_wait3A_261, %dma_wait3A_262] : memref<200x8x32x8x128xf32, #tpu.memory_space<hbm>> -> memref<1x8x1x8x128xf32, #tpu.memory_space<hbm>>
    %dma_wait3A_264 = tpu.memref_squeeze %dma_wait3A_263 : memref<1x8x1x8x128xf32, #tpu.memory_space<hbm>> -> memref<8x8x128xf32, #tpu.memory_space<hbm>>
    %dma_wait3A_265 = arith.constant 0 : i32
    %dma_wait3A_266 = arith.constant 0 : i32
    %dma_wait3A_267 = arith.constant 0 : i32
    %dma_wait3A_268 = tpu.memref_slice %arg18[%dma_wait3A_265, %dma_wait3A_266, %dma_wait3A_267] : memref<8x8x137xf32, #tpu.memory_space<vmem>> -> memref<8x8x128xf32, #tpu.memory_space<vmem>>
    tpu.wait_dma2 semaphore(%arg29 : memref<!tpu.dma_semaphore, #tpu.memory_space<semaphore_mem>>) src(%dma_wait3A_268 : memref<8x8x128xf32, #tpu.memory_space<vmem>>) dst(%dma_wait3A_264 : memref<8x8x128xf32, #tpu.memory_space<hbm>>)
    return
  }
}

</mosaic_0001>

<sc_bundles>
// kernel: _emb.3.cloned.1.call-start
scs
__scs_entry_jumppad:
0x0: {  	(pc) =	sbr.rel $0x88, $3  }
0x1: {  	(tag) =	ssettag $0x0;
	lr =	simm.s32 $0x1  }
0x2: {  	[smem:$0x3F9E] =	sst lr;
	_ =	strace $0xD0000000  }
0x3: {  	_ = 	snop  }
0x4: {  	_ = 	snop  }
0x5: {  	_ = 	snop  }
0x6: {  	_ = 	snop  }
0x7: {  	_ = 	snop  }
__scs_overlays_trampoline_lowered:
0x8: {  	[smem:$0x3FAD] =	sst s0  }
0x9: {  	[smem:$0x3FAE] =	sst s1  }
0xa: {  	[smem:$0x3FAF] =	sst s2  }
0xb: {  	[smem:$0x3FB0] =	sst s3  }
0xc: {  	[smem:$0x3FB1] =	sst s4  }
0xd: {  	[smem:$0x3FB2] =	sst s5  }
0xe: {  	[smem:$0x3FB3] =	sst s6  }
0xf: {  	[smem:$0x3FB4] =	sst s7  }
0x10: {  	[smem:$0x3FB5] =	sst s8  }
0x11: {  	[smem:$0x3FB6] =	sst s9;
	s0 =	simm.s32 @!p0 $0x0  }
0x12: {  	s1 =	sld [smem:$0x3F9C];
	s0 =	simm.s32 @p0 $0x1  }
0x13: {  	[smem:$0x3FB7] =	sst s0;
	s0 =	simm.s32 @!p1 $0x0  }
0x14: {  	s2 =	sld [smem:$0x3F9B];
	s0 =	simm.s32 @p1 $0x1  }
0x15: {  	[smem:$0x3FB8] =	sst s0;
	s0 =	simm.s32 @!p2 $0x0  }
0x16: {  	s3 =	sld [smem:$0x3FDB];
	s0 =	simm.s32 @p2 $0x1  }
0x17: {  	s4 =	simm.s32 $0x1BF5;
	[smem:$0x3FBA] =	sst s0  }
0x18: {  	s0 =	sld [smem:$0x3F9D];
	_ =	swait.ge [sflag:s4], $0x0  }
0x19: {  	s7 =	sld [smem:$0x3F9E]  }
0x1a: {  	s8 =	sadd.s32 $0xFFFFE003, lr  }
0x1b: {  	s9 =	sadd.s32 $0xFFFFFEF7, lr;
	s5 =	simm.s32 $0xFFFFFFFF;
	p2 =	slt.u32 s8, $0xFFFFF086  }
0x1c: {  	p1 =	slt.u32 s9, $0xF7A;
	s5 =	simm.s32 @!p2 $0x0  }
0x1d: {  	s5 =	simm.s32 @p1 $0x1;
	p0 =	seq.s32 s7, s2  }
0x1e: {  	s7 =	smul.u32 @!p0 $0xF7A, s2;
	p2 =	seq.s32 @!p0 s5, $0x0  }
0x1f: {  	s9 =	smul.u32 $0xF7A, s1;
	s8 =	simm.s32 @!p0 $0x1BF5;
	p2 =	por !p2, p0  }
0x20: {  	[sflag:s8] =	ssyncset.s32 @!p0 $0xFFFFF086;
	s6 =	sadd.s32 @!p0 s3, s7;
	s7 =	simm.s32 @!p0 $0x108  }
0x21: {  	s3 =	sadd.s32 s3, s9;
	s6 =	sadd.s32 @!p0 $0x88, s6;
	s7 =	simm.s32 @p2 $0x1082  }
0x22: {  	[simem:s7], [sflag:s8] =	dma.local @!p0 [hbm:s6], $0xF7A  }
0x23: {  	s9 =	sor.u32 $0xD0000000, s2;
	s6 =	simm.s32 $0x108;
	_ =	swait.ge @!p0 [sflag:s8], $0x0  }
0x24: {  	s3 =	sadd.s32 $0x88, s3;
	s6 =	simm.s32 @!p1 $0x1082;
	[sflag:s4] =	ssyncset.s32 $0xFFFFF086  }
0x25: {  	[simem:s6], [sflag:s4] =	dma.local [hbm:s3], $0xF7A  }
0x26: {  	[smem:$0x3F9E] =	sst s1;
	(tag) =	ssettag s2;
	_ =	strace s9  }
0x27: {  	s1 =	sld [smem:$0x3FAE]  }
0x28: {  	s2 =	sld [smem:$0x3FAF]  }
0x29: {  	s4 =	sld [smem:$0x3FB1]  }
0x2a: {  	p0 =	seq.s32 s5, $0x0;
	s5 =	sld [smem:$0x3FB2]  }
0x2b: {  	s6 =	sld [smem:$0x3FB3]  }
0x2c: {  	s7 =	sld [smem:$0x3FB4]  }
0x2d: {  	s3 =	simm.s32 $0x108;
	s8 =	sld [smem:$0x3FB5]  }
0x2e: {  	s3 =	simm.s32 @!p0 $0x1082;
	s9 =	sld [smem:$0x3FB6]  }
0x2f: {  	lr =	sadd.s32 s0, s3;
	s0 =	sld [smem:$0x3FAD]  }
0x30: {  	s3 =	sld [smem:$0x3FB0]  }
0x31: {  	[smem:$0x3FB9] =	sst s10  }
0x32: {  	s10 =	sld [smem:$0x3FB7];
	_ =	sdelay $0x3  }
0x33: {  	p0 =	seq.s32 s10, $0x1;
	s10 =	sld [smem:$0x3FB9];
	_ =	sdelay $0x3  }
0x34: {  	[smem:$0x3FB9] =	sst s10  }
0x35: {  	s10 =	sld [smem:$0x3FB8];
	_ =	sdelay $0x3  }
0x36: {  	p1 =	seq.s32 s10, $0x1;
	s10 =	sld [smem:$0x3FB9];
	_ =	sdelay $0x3  }
0x37: {  	[smem:$0x3FB9] =	sst s10  }
0x38: {  	s10 =	sld [smem:$0x3FBA]  }
0x39: {  	_ = 	snop;
	(pc) =	sbr.ind lr, $3  }
0x3a: {  	_ = 	snop  }
0x3b: {  	_ = 	snop  }
0x3c: {  	p2 =	seq.s32 s10, $0x1;
	s10 =	sld [smem:$0x3FB9]  }
0x3d: {  	_ =	shalt  }
0x3e: {  	_ =	shalt  }
0x3f: {  	_ =	shalt  }
0x40: {  	_ =	shalt  }
0x41: {  	_ =	shalt  }
0x42: {  	_ =	shalt  }
0x43: {  	_ =	shalt  }
0x44: {  	_ =	shalt  }
0x45: {  	_ =	shalt  }
0x46: {  	_ =	shalt  }
0x47: {  	_ =	shalt  }
0x48: {  	_ =	shalt  }
0x49: {  	_ =	shalt  }
0x4a: {  	_ =	shalt  }
0x4b: {  	_ =	shalt  }
0x4c: {  	_ =	shalt  }
0x4d: {  	_ =	shalt  }
0x4e: {  	_ =	shalt  }
0x4f: {  	_ =	shalt  }
0x50: {  	_ =	shalt  }
0x51: {  	_ =	shalt  }
0x52: {  	_ =	shalt  }
0x53: {  	_ =	shalt  }
0x54: {  	_ =	shalt  }
0x55: {  	_ =	shalt  }
0x56: {  	_ =	shalt  }
0x57: {  	_ =	shalt  }
0x58: {  	_ =	shalt  }
0x59: {  	_ =	shalt  }
0x5a: {  	_ =	shalt  }
0x5b: {  	_ =	shalt  }
0x5c: {  	_ =	shalt  }
0x5d: {  	_ =	shalt  }
0x5e: {  	_ =	shalt  }
0x5f: {  	_ =	shalt  }
0x60: {  	_ =	shalt  }
0x61: {  	_ =	shalt  }
0x62: {  	_ =	shalt  }
0x63: {  	_ =	shalt  }
0x64: {  	_ =	shalt  }
0x65: {  	_ =	shalt  }
0x66: {  	_ =	shalt  }
0x67: {  	_ =	shalt  }
0x68: {  	_ =	shalt  }
0x69: {  	_ =	shalt  }
0x6a: {  	_ =	shalt  }
0x6b: {  	_ =	shalt  }
0x6c: {  	_ =	shalt  }
0x6d: {  	_ =	shalt  }
0x6e: {  	_ =	shalt  }
0x6f: {  	_ =	shalt  }
0x70: {  	_ =	shalt  }
0x71: {  	_ =	shalt  }
0x72: {  	_ =	shalt  }
0x73: {  	_ =	shalt  }
0x74: {  	_ =	shalt  }
0x75: {  	_ =	shalt  }
0x76: {  	_ =	shalt  }
0x77: {  	_ =	shalt  }
0x78: {  	_ =	shalt  }
0x79: {  	_ =	shalt  }
0x7a: {  	_ =	shalt  }
0x7b: {  	_ =	shalt  }
0x7c: {  	_ =	shalt  }
0x7d: {  	_ =	shalt  }
0x7e: {  	_ =	shalt  }
0x7f: {  	_ =	shalt  }
0x80: {  	_ =	shalt  }
0x81: {  	_ =	shalt  }
0x82: {  	_ =	shalt  }
0x83: {  	_ =	shalt  }
0x84: {  	_ =	shalt  }
0x85: {  	_ =	shalt  }
0x86: {  	_ =	shalt  }
0x87: {  	_ =	shalt  }
.Lfunc_end0:
.L_simem_size_0:
called_computation_lowered:
.L_overlay_start_0:
0x88: {  	s2 =	sld [smem:$0x3FD9]  }
0x89: {  	s3 =	sld [smem:$0x3FFE];
	_ =	sdelay $0x1  }
0x8a: {  	s1 =	srdreg.scid  }
0x8b: {  	s0 =	sand.u32 $0x1, s1  }
0x8c: {  	s17 =	sshll.u32 s0, $0xA;
	s2 =	sadd.s32 s3, s2  }
0x8d: {  	s2 =	sadd.s32 s2, s17  }
0x8e: {  	[smem:$0x3FC5] =	sst s2  }
0x8f: {  	_ = 	snop  }
0x90: {  	s2 =	sld [smem:$0x3FC9]  }
0x91: {  	s18 =	sld [smem:$0x3FD0];
	(tm) =	ssettm $0x1  }
0x92: {  	s4 =	sld [smem:$0x3FFB];
	_ =	sdelay $0x3  }
0x93: {  	_ =	strace s4  }
0x94: {  	s4 =	sld [smem:$0x3FFC];
	_ =	sdelay $0x3  }
0x95: {  	_ =	strace s4  }
0x96: {  	s4 =	sld [smem:$0x3FFD];
	_ =	sdelay $0x3  }
0x97: {  	_ =	strace s4  }
0x98: {  	_ =	strace $0x8FFFFFFF  }
0x99: {  	s19 =	sld [smem:$0x3FDB];
	_ =	sdelay $0x1  }
0x9a: {  	s5 =	simm.s32 $_scs_section_size  }
0x9b: {  	s6 =	simm.s32 $_size__tile_overlayer_lowered;
	s7 =	simm.s32 $_tile_overlayer_lowered  }
0x9c: {  	s22 =	simm.s32 $0x1BFF;
	s21 =	sshll.u32 s7, $0x1;
	s4 =	sadd.s32 s5, s19  }
0x9d: {  	s8 =	simm.s32 $0x0;
	s20 =	sshll.u32 s6, $0x1;
	s6 =	sadd.s32 s21, s4  }
0x9e: {  	[timem:s8], [sflag:s22] =	dma.local [hbm:s6], s20  }
0x9f: {  	_ =	swait.ge [sflag:s22], s20  }
0xa0: {  	s5 =	ssub.s32 $0x0, s20;
	[sflag:s22] =	ssyncset.done $0x0  }
0xa1: {  	[sflag:s22] =	ssyncadd.s32 s5;
	_ =	sdelay $0x1  }
0xa2: {  	s23 =	simm.s32 $0x1B8B  }
0xa3: {  	_ =	swait.ge [sflag:s23], $0x1  }
0xa4: {  	[sflag:s23] =	ssyncset.done $0x0  }
0xa5: {  	s25 =	simm.s32 $0x1B8E;
	s24 =	sld [smem:$0x3FFE];
	[sflag:s23] =	ssyncadd.s32 $0xFFFFFFFF  }
0xa6: {  	s26 =	simm.s32 $execute0_lowered;
	[smem:$0x3FD2] =	sst s25  }
0xa7: {  	s6 =	sshll.u32 s26, $0x1;
	_ =	strace $0x80000046;
	[dreg:$0x1] =	wrdreg $0xFFFFFFFF  }
0xa8: {  	s28 =	simm.s32 $_size_execute0_lowered;
	s4 =	sadd.s32 s4, s6;
	[dreg:$0x0] =	wrdreg $0x0  }
0xa9: {  	s6 =	sshll.u32 s28, $0x1;
	[dreg:$0x2] =	wrdreg s4  }
0xaa: {  	[dreg:$0x3] =	wrdreg s6  }
0xab: {  	[dreg:$0x4] =	wrdreg $0xC0  }
0xac: {  	_ =	task [dreg:s8], $0x5FFFF  }
0xad: {  	[dreg:$0x1] =	wrdreg $0xFFFFFFFF  }
0xae: {  	[dreg:$0x0] =	wrdreg $0x60  }
0xaf: {  	[dreg:$0x2] =	wrdreg s2  }
0xb0: {  	[dreg:$0x3] =	wrdreg s24  }
0xb1: {  	[dreg:$0x4] =	wrdreg s18  }
0xb2: {  	[dreg:$0x5] =	wrdreg $0x9  }
0xb3: {  	_ =	task.clear_ibuf [dreg:s8], $0x6FFFF;
	_ =	strace $0x90000046  }
0xb4: {  	s29 =	simm.s32 $0x9;
	_ =	strace $0x80000048  }
0xb5: {  	_ =	swait.ge [sflag:s29], $0x1  }
0xb6: {  	[sflag:s29] =	ssyncadd.s32 $0xFFFFFFFF  }
0xb7: {  	_ =	strace $0x90000048  }
0xb8: {  	_ =	sfence  }
0xb9: {  	s30 =	sld [smem:$0x0];
	_ =	sdelay $0x2  }
0xba: {  	s31 =	sshll.u32 s1, $0xD;
	s1 =	sshrl.u32 s1, $0x2  }
0xbb: {  	s3 =	sand.u32 $0x4000, s31;
	s1 =	sadd.s32 s1, s30  }
0xbc: {  	s0 =	sor.u32 s3, s0;
	s1 =	sshll.u32 s1, $0x11  }
0xbd: {  	s0 =	sor.u32 s1, s0  }
0xbe: {  	s0 =	sadd.s32 $0x8F2B, s0  }
0xbf: {  	[sflag:s0] =	ssyncadd.remote.s32 $0x1  }
0xc0: {  	_ =	sfence.sel $0xFFFF  }
0xc1: {  	[dreg:$0x0] =	wrdreg $0xFFFFFFFF;
	(pc) =	sbr.abs _section_cstart, $3  }
0xc2: {  	[dreg:$0x1] =	wrdreg $0xFFFFFFFF  }
0xc3: {  	_ =	task.clear_ibuf [dreg:s8], $0x2FFFF;
	_ =	strace $0x9FFFFFFF  }
0xc4: {  	(tm) =	ssettm $0x7FFFFFFF  }
0xc5: {  	_ =	shalt  }
tec
execute0_lowered:
.L_overlay_start_1:
0x0: {  	(tag) =	ssettag $0x1  }
0x1: {  	s1 =	rddreg [dreg:$0x0]  }
0x2: {  	s0 =	rddreg [dreg:$0x1]  }
0x3: {  	s3 =	rddreg [dreg:$0x2]  }
0x4: {  	s2 =	srdreg.scid;
	s5 =	stileid.u32;
	s4 =	simm.s32 $0x0  }
0x5: {  	s13 =	simm.s32 $0x1;
	s15 =	simm.s32 $0x80;
	s22 =	simm.s32 $0x9A80  }
0x6: {  	s23 =	simm.s32 $0x2;
	s24 =	simm.s32 $0x7;
	s28 =	simm.s32 $0x3  }
0x7: {  	s29 =	simm.s32 $0xFE80;
	s30 =	simm.s32 $0x4;
	s31 =	simm.s32 $0x12280  }
0x8: {  	s14 =	simm.s32 $0x6;
	s17 =	simm.s32 $0x16A80;
	s9 =	simm.s32 $0x0  }
0x9: {  	s2 =	sand.u32 $0x1, s2;
	s5 =	sshll.u32 s5, $0xB;
	[smem:$0x7FF] =	sst s4  }
0xa: {  	s6 =	sshll.u32 s2, $0xA;
	_ =	strace $0x80000047;
	s2 =	ssub.s32 $0x2, s2  }
0xb: {  	s5 =	sor.u32 s6, s5;
	s6 =	sadd.s32 $0xC00, s0;
	s8 =	sshrl.u32 s2, $0x1  }
.Ltmp0:
0xc: {  	s0 =	sadd.s32 $0x400, s0;
	s7 =	sshrl.u32 s5, $0x3;
	(pc) =	sbr.rel .LBB2_1-.Ltmp0, $4  }
0xd: {  	[dreg:$0x5] =	wrdreg s0;
	s25 =	ssub.s32 s2, s8;
	s7 =	sadd.s32 s1, s7  }
0xe: {  	v1 =	vlaneseq.u32;
	s2 =	simm.s32 $0x14680;
	s0 =	smax.u32 s25, $0x1;
	[dreg:$0x4] =	wrdreg s7  }
0xf: {  	v0 =	vshrl.u32 v1, $0x3;
	v1 =	vand.u32 $0x7, v1;
	s25 =	simm.s32 $0xDA80;
	s26 =	sadd.s32 $0x1000, s7;
	[dreg:$0x7] =	wrdreg s0  }
0x10: {  	v2 =	vor.u32 $0x2, v0;
	v3 =	vor.u32 $0x4, v0;
	v4 =	vor.u32 $0x6, v0;
	s0 =	simm.s32 $0x5;
	[dreg:$0x6] =	wrdreg s26;
	s26 =	simm.s32 $0xBA80  }
.LBB2_41:
0x11: {  	_ =	swait.ge [sflag:s24], $0x2000  }
0x12: {  	[sflag:s24] =	ssyncset.done $0x0  }
0x13: {  	s7 =	simm.s32 $0x8;
	[sflag:s24] =	ssyncadd.s32 $0xFFFFE000  }
0x14: {  	_ =	swait.ge [sflag:s7], $0x2000  }
0x15: {  	[sflag:s7] =	ssyncset.done $0x0  }
0x16: {  	s19 =	simm.s32 $0x9;
	[sflag:s7] =	ssyncadd.s32 $0xFFFFE000  }
0x17: {  	_ =	swait.ge [sflag:s19], $0x2000  }
0x18: {  	[sflag:s19] =	ssyncset.done $0x0  }
0x19: {  	s20 =	simm.s32 $0xA;
	[sflag:s19] =	ssyncadd.s32 $0xFFFFE000  }
0x1a: {  	_ =	swait.ge [sflag:s20], $0x2000  }
0x1b: {  	[sflag:s20] =	ssyncset.done $0x0  }
0x1c: {  	s8 =	simm.s32 $0xB;
	[sflag:s20] =	ssyncadd.s32 $0xFFFFE000  }
0x1d: {  	_ =	swait.ge [sflag:s8], $0x2000  }
0x1e: {  	s9 =	rddreg [dreg:$0x8]  }
0x1f: {  	s21 =	rddreg [dreg:$0x7];
	s9 =	sadd.s32 $0x1, s9  }
0x20: {  	p0 =	sne.s32 s9, s21  }
.Ltmp1:
0x21: {  	_ = 	snop;
	(pc) =	sbr.rel @!p0 .LBB2_42-.Ltmp1, $3  }
0x22: {  	_ =	sdelay $0x1  }
0x23: {  	[sflag:s8] =	ssyncset.done $0x0  }
0x24: {  	[sflag:s8] =	ssyncadd.s32 $0xFFFFE000  }
.LBB2_1:
0x25: {  	[dreg:$0x8] =	wrdreg s9  }
0x26: {  	s7 =	rddreg [dreg:$0x5];
	s8 =	simm.s32 $0xC  }
0x27: {  	[tilespmem:s4], [sflag:$0xC] =	stream.linear.gather [hbm4b:s7+s4], $0x3200, $0x38;
	[tilespmem:$0x18E80] =	vst v63  }
0x28: {  	_ =	swait.ge [sflag:s8], $0x3200  }
0x29: {  	[sflag:s8] =	ssyncset.done $0x0  }
0x2a: {  	[sflag:s8] =	ssyncadd.s32 $0xFFFFCE00  }
0x2b: {  	[tilespmem:$0x3200] =	vst v0  }
0x2c: {  	[tilespmem:$0x3240] =	vst v1  }
0x2d: {  	[tilespmem:$0x3210] =	vst v2  }
0x2e: {  	[tilespmem:$0x3250] =	vst v1  }
0x2f: {  	[tilespmem:$0x3220] =	vst v3  }
0x30: {  	[tilespmem:$0x3260] =	vst v1  }
0x31: {  	[tilespmem:$0x3230] =	vst v4  }
0x32: {  	s9 =	rddreg [dreg:$0x4];
	s8 =	simm.s32 $0x3280;
	[tilespmem:$0x3270] =	vst v1  }
0x33: {  	[tilespmem:s8], [sflag:$0x1] =	stream.linear.gather [hbm4b:s9+s4], $0x400, $0x38;
	[tilespmem:$0x18E80] =	vst v63  }
0x34: {  	_ =	swait.ge [sflag:s13], $0x400  }
0x35: {  	[sflag:s13] =	ssyncset.done $0x0  }
0x36: {  	s11 =	simm.s32 $0x3680;
	s10 =	rddreg [dreg:$0x6];
	[sflag:s13] =	ssyncadd.s32 $0xFFFFFC00  }
0x37: {  	[tilespmem:s11], [sflag:$0x1] =	stream.linear.gather [hbm4b:s10+s4], $0x400, $0x38;
	[tilespmem:$0x18E80] =	vst v63  }
0x38: {  	s12 =	simm.s32 $0x3A80  }
0x39: {  	[tilespmem:s12], [sflag:$0x2] =	stream.indirect.gather [hbm4b:s6+s15], $0x40, s8, s15, $0xb8;
	[tilespmem:$0x18E80] =	vst v63  }
0x3a: {  	s16 =	simm.s32 $0x3300;
	s18 =	simm.s32 $0x5A80  }
0x3b: {  	[tilespmem:s18], [sflag:$0x3] =	stream.indirect.gather [hbm4b:s6+s15], $0x40, s16, s15, $0xb8;
	[tilespmem:$0x18E80] =	vst v63  }
0x3c: {  	s19 =	simm.s32 $0x3380;
	s20 =	simm.s32 $0x7A80  }
0x3d: {  	[tilespmem:s20], [sflag:$0x4] =	stream.indirect.gather [hbm4b:s6+s15], $0x40, s19, s15, $0xb8;
	[tilespmem:$0x18E80] =	vst v63  }
0x3e: {  	s21 =	simm.s32 $0x3400;
	s10 =	simm.s32 $0x0  }
0x3f: {  	[tilespmem:s22], [sflag:$0x5] =	stream.indirect.gather [hbm4b:s6+s15], $0x40, s21, s15, $0xb8;
	[tilespmem:$0x18E80] =	vst v63  }
.LBB2_2:
0x40: {  	s11 =	smul.u32 $0x5, s10;
	_ =	sdelay $0x1  }
0x41: {  	p0 =	seq.s32 s10, $0x0;
	s7 =	sand.u32 $0x7, s11  }
0x42: {  	p1 =	sne.s32 @!p0 s7, $0x0  }
0x43: {  	p1 =	por p0, p1  }
.Ltmp2:
0x44: {  	_ = 	snop;
	(pc) =	sbr.rel @p1 .LBB2_5-.Ltmp2, $4  }
0x45: {  	_ = 	snop  }
0x46: {  	_ =	swait.ge [sflag:s23], $0x2000  }
0x47: {  	[sflag:s23] =	ssyncset.done $0x0  }
0x48: {  	[sflag:s23] =	ssyncadd.s32 $0xFFFFE000  }
0x49: {  	s8 =	sshrl.u32 s11, $0x3  }
0x4a: {  	s8 =	sadd.s32 $0x1, s8  }
.Ltmp3:
0x4b: {  	s9 =	sshll.u32 s8, $0xF;
	(pc) =	sbr.rel .LBB2_4-.Ltmp3, $4  }
0x4c: {  	s8 =	sshll.u32 s8, $0xA;
	s9 =	sor.u32 s5, s9  }
0x4d: {  	s8 =	sand.u32 $0x400, s8;
	s9 =	sshrl.u32 s9, $0x3  }
0x4e: {  	s8 =	sor.u32 $0x3280, s8;
	s9 =	sadd.s32 s1, s9  }
0x4f: {  	[tilespmem:s8], [sflag:$0x1] =	stream.linear.gather [hbm4b:s9+s4], $0x400, $0x38;
	[tilespmem:$0x18E80] =	vst v63  }
.LBB2_5:
.Ltmp4:
0x50: {  	(pc) =	sbr.rel @p0 .LBB2_6-.Ltmp4, $1  }
0x51: {  	_ =	sdelay $0x3  }
.LBB2_4:
0x52: {  	_ =	swait.ge [sflag:s24], $0x2000  }
0x53: {  	[sflag:s24] =	ssyncset.done $0x0  }
0x54: {  	p0 =	por $0x0, $0x0;
	[sflag:s24] =	ssyncadd.s32 $0xFFFFE000  }
.LBB2_7:
0x55: {  	v5 =	vld [tilespmem:$0x3200]  }
0x56: {  	v6 =	vld [tilespmem:$0x3240];
	_ =	sdelay $0x2  }
0x57: {  	v8 =	vld [tilespmem:$0x3210]  }
0x58: {  	v9 =	vld [tilespmem:$0x3250]  }
0x59: {  	s8 =	smul.u32 $0x500, s10;
	v12 =	vld [tilespmem:$0x3220];
	v10 =	vmul.u32 $0x480, v5;
	v6 =	vmul.u32 $0x90, v6  }
0x5a: {  	v15 =	vld [tilespmem:$0x3230];
	s18 =	simm.s32 $0x2  }
0x5b: {  	s9 =	simm.s32 $0x0;
	s16 =	simm.s32 $0x3;
	v21 =	vld [tilespmem:$0x3260];
	v23 =	vmov s18;
	s8 =	sshra.s32 s8, $0x2;
	v17 =	vadd.s32 v10, v6  }
0x5c: {  	s12 =	simm.s32 $0x3B00;
	v13 =	vld [tilespmem:s8+$0x0];
	v10 =	vmul.u32 $0x480, v8;
	v6 =	vmov s9;
	v8 =	vmov s16  }
0x5d: {  	v20 =	vand.u32 $0x4, v6;
	v18 =	vand.u32 $0x78, v6;
	v6 =	vld [tilespmem:s12+$0x40];
	v11 =	vand.u32 $0x78, v8  }
0x5e: {  	v19 =	vld [tilespmem:s12+$0xFFFFFF80];
	v16 =	vmul.u32 $0x90, v9;
	s16 =	simm.s32 $0x1;
	v14 =	vand.u32 $0x7, v8;
	v8 =	vadd.s32 v17, v11  }
0x5f: {  	v29 =	vld [tilespmem:$0x3270];
	v9 =	vmov s16;
	v22 =	vadd.s32 v17, v18;
	v24 =	vor.u32 v14, v8  }
0x60: {  	v25 =	vld [tilespmem:s12+$0xFFFFFFC0];
	v35 =	vand.u32 $0x78, v23;
	v30 =	vand.u32 $0x78, v9;
	v22 =	vor.u32 v20, v22  }
0x61: {  	v27 =	vld [tilespmem:s12+$0x0];
	v28 =	vadd.s32 v17, v35;
	v26 =	vadd.s32 v17, v30;
	v8 =	vand.u32 $0x5, v9  }
0x62: {  	v7 =	vld [tilespmem:s8+$0x10];
	v9 =	vand.u32 $0x6, v23;
	v26 =	vor.u32 v8, v26;
	v23 =	vadd.f32 v6, v13  }
0x63: {  	v5 =	vld [tilespmem:s8+$0x20];
	v31 =	vadd.f32 v19, v13;
	v28 =	vor.u32 v9, v28  }
0x64: {  	v19 =	vadd.s32 v10, v16;
	v6 =	vld [tilespmem:s8+$0x30];
	[tilespmem:v24+s25+$0x0] =	vst.idx.msk $0xffff, v23  }
0x65: {  	v10 =	vmul.u32 $0x480, v12;
	v12 =	vmul.u32 $0x90, v21;
	v16 =	vadd.f32 v25, v13;
	[tilespmem:v22+s25+$0x0] =	vst.idx.msk $0xffff, v31;
	v21 =	vld [tilespmem:s12+$0x50]  }
0x66: {  	v15 =	vmul.u32 $0x480, v15;
	v23 =	vadd.f32 v27, v13;
	v24 =	vadd.s32 v19, v11;
	v22 =	vld [tilespmem:s12+$0xFFFFFF90]  }
0x67: {  	v25 =	vmul.u32 $0x90, v29;
	v27 =	vadd.s32 v19, v18;
	[tilespmem:v26+s25+$0x0] =	vst.idx.msk $0xffff, v16;
	v24 =	vor.u32 v14, v24  }
0x68: {  	v16 =	vadd.s32 v10, v12;
	v26 =	vor.u32 v20, v27;
	v27 =	vld [tilespmem:s12+$0xFFFFFFD0];
	[tilespmem:v28+s25+$0x0] =	vst.idx.msk $0xffff, v23  }
0x69: {  	s19 =	simm.s32 $0x4;
	v10 =	vadd.s32 v15, v25;
	v12 =	vadd.s32 v19, v30;
	v25 =	vadd.s32 v19, v35;
	v23 =	vld [tilespmem:s12+$0x10]  }
0x6a: {  	v28 =	vmov s19;
	v29 =	vor.u32 v8, v12;
	v21 =	vadd.f32 v21, v7  }
0x6b: {  	s20 =	simm.s32 $0x5;
	v33 =	vor.u32 v9, v25;
	v31 =	vadd.s32 v16, v18;
	v22 =	vadd.f32 v22, v7  }
0x6c: {  	v18 =	vadd.s32 v10, v18;
	v25 =	vmov s20;
	v15 =	vand.u32 $0x4, v28;
	[tilespmem:v24+s25+$0x0] =	vst.idx.msk $0xffff, v21  }
0x6d: {  	v12 =	vand.u32 $0x78, v28;
	v18 =	vor.u32 v20, v18;
	[tilespmem:v26+s25+$0x0] =	vst.idx.msk $0xffff, v22;
	v22 =	vadd.f32 v27, v7;
	v28 =	vld [tilespmem:s12+$0x60]  }
0x6e: {  	s21 =	simm.s32 $0x6;
	v32 =	vadd.s32 v17, v12;
	v34 =	vadd.f32 v23, v7;
	v23 =	vadd.s32 v16, v11;
	v27 =	vld [tilespmem:s12+$0xFFFFFFA0]  }
0x6f: {  	v21 =	vadd.s32 v19, v12;
	v26 =	vmov s21;
	[tilespmem:v29+s25+$0x0] =	vst.idx.msk $0xffff, v22;
	v29 =	vor.u32 v14, v23  }
0x70: {  	v24 =	vor.u32 v20, v31;
	v20 =	vadd.s32 v10, v30;
	v23 =	vand.u32 $0x78, v25;
	[tilespmem:v33+s25+$0x0] =	vst.idx.msk $0xffff, v34;
	v31 =	vld [tilespmem:s12+$0xFFFFFFE0]  }
0x71: {  	s9 =	simm.s32 $0x8;
	s16 =	simm.s32 $0x7;
	s8 =	simm.s32 $0x3B00;
	v34 =	vadd.s32 v16, v30;
	v33 =	vadd.s32 v16, v35;
	v22 =	vadd.s32 v10, v35;
	v30 =	vld [tilespmem:s12+$0x20]  }
.LBB2_8:
0x72: {  	p1 =	slt.u32 s9, $0x7C;
	v35 =	vmov s16;
	v34 =	vor.u32 v8, v34;
	v28 =	vadd.f32 v28, v5;
	s12 =	sadd.s32 $0x100, s12;
	v36 =	vmovc v23  }
0x73: {  	v33 =	vor.u32 v9, v33;
	v23 =	vld [tilespmem:s12+$0x40];
	v37 =	vand.u32 $0x78, v35;
	v27 =	vadd.f32 v27, v5  }
0x74: {  	v32 =	vor.u32 v15, v32;
	v35 =	vand.u32 $0x7, v35;
	v38 =	vld [tilespmem:s12+$0xFFFFFF80];
	v39 =	vadd.s32 v17, v37;
	[tilespmem:v29+s25+$0x0] =	vst.idx.msk $0xffff, v28  }
0x75: {  	v40 =	vand.u32 $0x78, v26;
	v28 =	vor.u32 v35, v39;
	[tilespmem:v24+s25+$0x0] =	vst.idx.msk $0xffff, v27;
	v24 =	vadd.f32 v31, v5;
	v27 =	vld [tilespmem:s8+$0x70]  }
0x76: {  	v31 =	vadd.s32 v17, v36;
	v39 =	vadd.s32 v10, v11;
	v11 =	vmovc v37;
	v29 =	vld [tilespmem:s12+$0xFFFFFFC0];
	v30 =	vadd.f32 v30, v5  }
0x77: {  	v25 =	vand.u32 $0x5, v25;
	v41 =	vadd.s32 v17, v40;
	v37 =	vld [tilespmem:s12+$0x0];
	[tilespmem:v34+s25+$0x0] =	vst.idx.msk $0xffff, v24;
	v24 =	vor.u32 v14, v39  }
0x78: {  	v26 =	vand.u32 $0x6, v26;
	v31 =	vor.u32 v25, v31;
	v23 =	vadd.f32 v23, v13;
	v34 =	vld [tilespmem:s8+$0xFFFFFFF0];
	[tilespmem:v33+s25+$0x0] =	vst.idx.msk $0xffff, v30  }
0x79: {  	v14 =	vmovc v35;
	v33 =	vor.u32 v15, v21;
	v21 =	vor.u32 v26, v41;
	v30 =	vadd.f32 v38, v13;
	v38 =	vld [tilespmem:s8+$0x30]  }
0x7a: {  	v20 =	vor.u32 v8, v20;
	v8 =	vmov v25;
	[tilespmem:v28+s25+$0x0] =	vst.idx.msk $0xffff, v23;
	v23 =	vld [tilespmem:s8+$0xFFFFFFB0];
	v27 =	vadd.f32 v27, v6;
	s8 =	smov.u32 s12  }
0x7b: {  	v22 =	vor.u32 v9, v22;
	v9 =	vmov v26;
	[tilespmem:v32+s25+$0x0] =	vst.idx.msk $0xffff, v30;
	v25 =	vadd.f32 v29, v13;
	v28 =	vld [tilespmem:s12+$0x50]  }
0x7c: {  	v30 =	vadd.s32 v19, v11;
	v26 =	vld [tilespmem:s12+$0xFFFFFF90];
	v29 =	vadd.f32 v37, v13;
	[tilespmem:v24+s25+$0x0] =	vst.idx.msk $0xffff, v27  }
0x7d: {  	v24 =	vor.u32 v14, v30;
	[tilespmem:v31+s25+$0x0] =	vst.idx.msk $0xffff, v25;
	v25 =	vadd.f32 v34, v6  }
0x7e: {  	v30 =	vadd.s32 v19, v36;
	v27 =	vld [tilespmem:s12+$0xFFFFFFD0];
	[tilespmem:v21+s25+$0x0] =	vst.idx.msk $0xffff, v29;
	v21 =	vadd.f32 v38, v6  }
0x7f: {  	v31 =	vadd.s32 v19, v40;
	v29 =	vld [tilespmem:s12+$0x10];
	v23 =	vadd.f32 v23, v6;
	[tilespmem:v20+s25+$0x0] =	vst.idx.msk $0xffff, v25  }
0x80: {  	v30 =	vor.u32 v8, v30;
	v20 =	vmov s9;
	v25 =	vadd.f32 v28, v7;
	[tilespmem:v22+s25+$0x0] =	vst.idx.msk $0xffff, v21  }
0x81: {  	v34 =	vor.u32 v9, v31;
	v35 =	vand.u32 $0x4, v20;
	v22 =	vadd.f32 v26, v7;
	[tilespmem:v18+s25+$0x0] =	vst.idx.msk $0xffff, v23  }
0x82: {  	s16 =	sadd.s32 $0x1, s9;
	v31 =	vadd.s32 v16, v12;
	v18 =	vadd.s32 v10, v12;
	v12 =	vand.u32 $0x78, v20;
	[tilespmem:v24+s25+$0x0] =	vst.idx.msk $0xffff, v25  }
.Ltmp5:
0x83: {  	v21 =	vadd.s32 v19, v12;
	v25 =	vmov s16;
	[tilespmem:v33+s25+$0x0] =	vst.idx.msk $0xffff, v22;
	v20 =	vadd.f32 v27, v7;
	v28 =	vld [tilespmem:s12+$0x60];
	(pc) =	sbr.rel @p1 .LBB2_8-.Ltmp5, $4  }
0x84: {  	v23 =	vadd.s32 v16, v11;
	v32 =	vadd.s32 v17, v12;
	s16 =	sadd.s32 $0x2, s9;
	v27 =	vld [tilespmem:s12+$0xFFFFFFA0];
	v22 =	vadd.f32 v29, v7  }
0x85: {  	v18 =	vor.u32 v15, v18;
	v26 =	vmov s16;
	v29 =	vor.u32 v14, v23;
	[tilespmem:v30+s25+$0x0] =	vst.idx.msk $0xffff, v20  }
0x86: {  	v24 =	vor.u32 v15, v31;
	v23 =	vand.u32 $0x78, v25;
	v20 =	vadd.s32 v10, v36;
	v31 =	vld [tilespmem:s12+$0xFFFFFFE0];
	[tilespmem:v34+s25+$0x0] =	vst.idx.msk $0xffff, v22  }
0x87: {  	v15 =	vmovc v35;
	s16 =	sadd.s32 $0x3, s9;
	s9 =	sadd.s32 $0x4, s9;
	v33 =	vadd.s32 v16, v40;
	v34 =	vadd.s32 v16, v36;
	v22 =	vadd.s32 v10, v40;
	v30 =	vld [tilespmem:s12+$0x20]  }
0x88: {  	v35 =	vmov s16;
	s9 =	sadd.s32 $0x100, s12  }
0x89: {  	v36 =	vld [tilespmem:s9+$0x40];
	v37 =	vand.u32 $0x78, v35  }
0x8a: {  	v39 =	vand.u32 $0x78, v26;
	v35 =	vand.u32 $0x7, v35;
	v40 =	vld [tilespmem:s9+$0xFFFFFFC0];
	v38 =	vadd.s32 v17, v37  }
0x8b: {  	v41 =	vadd.s32 v17, v23;
	v25 =	vand.u32 $0x5, v25;
	v42 =	vld [tilespmem:s9+$0x0];
	v38 =	vor.u32 v35, v38  }
0x8c: {  	v26 =	vand.u32 $0x6, v26;
	v43 =	vld [tilespmem:s9+$0xFFFFFF80];
	v52 =	vadd.s32 v17, v39;
	v41 =	vor.u32 v25, v41  }
0x8d: {  	v17 =	vor.u32 v26, v52  }
0x8e: {  	v32 =	vor.u32 v15, v32;
	v36 =	vadd.f32 v36, v13  }
0x8f: {  	v40 =	vadd.f32 v40, v13  }
0x90: {  	v53 =	vadd.f32 v42, v13;
	[tilespmem:v38+s25+$0x0] =	vst.idx.msk $0xffff, v36  }
0x91: {  	v54 =	vadd.f32 v43, v13;
	[tilespmem:v41+s25+$0x0] =	vst.idx.msk $0xffff, v40;
	v38 =	vld [tilespmem:s9+$0x50]  }
0x92: {  	v34 =	vor.u32 v8, v34;
	v55 =	vadd.s32 v19, v37;
	[tilespmem:v17+s25+$0x0] =	vst.idx.msk $0xffff, v53;
	v56 =	vld [tilespmem:s9+$0xFFFFFFD0]  }
0x93: {  	v58 =	vadd.s32 v19, v23;
	v57 =	vor.u32 v35, v55;
	[tilespmem:v32+s25+$0x0] =	vst.idx.msk $0xffff, v54;
	v36 =	vld [tilespmem:s9+$0x10]  }
0x94: {  	v28 =	vadd.f32 v28, v5;
	v60 =	vadd.s32 v19, v39;
	v32 =	vor.u32 v25, v58;
	v59 =	vld [tilespmem:s9+$0xFFFFFF90]  }
0x95: {  	v21 =	vor.u32 v15, v21;
	v62 =	vor.u32 v9, v33;
	v19 =	vor.u32 v26, v60  }
0x96: {  	v11 =	vadd.s32 v10, v11;
	v46 =	vadd.s32 v16, v12;
	v61 =	vadd.f32 v38, v7  }
0x97: {  	v48 =	vor.u32 v8, v20;
	[tilespmem:v29+s25+$0x0] =	vst.idx.msk $0xffff, v28;
	v17 =	vadd.f32 v56, v7  }
0x98: {  	v50 =	vor.u32 v9, v22;
	v63 =	vld [tilespmem:s8+$0x70];
	v38 =	vadd.f32 v36, v7;
	[tilespmem:v57+s25+$0x0] =	vst.idx.msk $0xffff, v61  }
0x99: {  	v44 =	vadd.s32 v16, v39;
	v7 =	vadd.f32 v59, v7;
	[tilespmem:v32+s25+$0x0] =	vst.idx.msk $0xffff, v17;
	v28 =	vld [tilespmem:s9+$0x60]  }
0x9a: {  	v31 =	vadd.f32 v31, v5;
	v40 =	vadd.s32 v16, v37;
	[tilespmem:v19+s25+$0x0] =	vst.idx.msk $0xffff, v38;
	v17 =	vld [tilespmem:s9+$0xFFFFFFE0]  }
0x9b: {  	v41 =	vadd.s32 v16, v23;
	[tilespmem:v21+s25+$0x0] =	vst.idx.msk $0xffff, v7;
	v7 =	vor.u32 v35, v40;
	v42 =	vld [tilespmem:s9+$0x20]  }
0x9c: {  	v30 =	vadd.f32 v30, v5;
	[tilespmem:v34+s25+$0x0] =	vst.idx.msk $0xffff, v31;
	v13 =	vor.u32 v25, v41;
	v43 =	vld [tilespmem:s9+$0xFFFFFFA0]  }
0x9d: {  	v27 =	vadd.f32 v27, v5;
	v11 =	vor.u32 v14, v11;
	v31 =	vld [tilespmem:s8+$0xFFFFFFF0];
	v21 =	vor.u32 v26, v44  }
0x9e: {  	[tilespmem:v62+s25+$0x0] =	vst.idx.msk $0xffff, v30;
	v16 =	vor.u32 v15, v46;
	v47 =	vadd.f32 v28, v5  }
0x9f: {  	v60 =	vadd.s32 v10, v12;
	[tilespmem:v24+s25+$0x0] =	vst.idx.msk $0xffff, v27;
	v29 =	vld [tilespmem:s8+$0x30];
	v49 =	vadd.f32 v17, v5  }
0xa0: {  	v27 =	vld [tilespmem:s8+$0xFFFFFFB0];
	v45 =	vadd.f32 v63, v6;
	[tilespmem:v7+s25+$0x0] =	vst.idx.msk $0xffff, v47;
	v7 =	vadd.f32 v42, v5  }
0xa1: {  	v54 =	vadd.s32 v10, v37;
	v5 =	vadd.f32 v43, v5;
	[tilespmem:v13+s25+$0x0] =	vst.idx.msk $0xffff, v49;
	v52 =	vld [tilespmem:s9+$0x70]  }
0xa2: {  	v58 =	vadd.s32 v10, v39;
	v51 =	vadd.f32 v31, v6;
	v55 =	vld [tilespmem:s9+$0xFFFFFFF0];
	[tilespmem:v21+s25+$0x0] =	vst.idx.msk $0xffff, v7  }
0xa3: {  	v7 =	vadd.s32 v10, v23;
	[tilespmem:v16+s25+$0x0] =	vst.idx.msk $0xffff, v5;
	v5 =	vor.u32 v35, v54;
	v56 =	vld [tilespmem:s9+$0x30]  }
0xa4: {  	[tilespmem:v11+s25+$0x0] =	vst.idx.msk $0xffff, v45;
	v53 =	vadd.f32 v29, v6;
	v59 =	vld [tilespmem:s9+$0xFFFFFFB0];
	v7 =	vor.u32 v25, v7  }
0xa5: {  	[tilespmem:v48+s25+$0x0] =	vst.idx.msk $0xffff, v51;
	v57 =	vadd.f32 v27, v6;
	v61 =	vor.u32 v26, v58  }
0xa6: {  	v8 =	vor.u32 v15, v60;
	[tilespmem:v50+s25+$0x0] =	vst.idx.msk $0xffff, v53;
	v62 =	vadd.f32 v52, v6  }
0xa7: {  	s20 =	smul.u32 $0x140000, s10;
	[tilespmem:v18+s25+$0x0] =	vst.idx.msk $0xffff, v57;
	v63 =	vadd.f32 v55, v6  }
0xa8: {  	[tilespmem:v5+s25+$0x0] =	vst.idx.msk $0xffff, v62;
	v5 =	vadd.f32 v56, v6  }
0xa9: {  	s8 =	sor.u32 s5, s20;
	v6 =	vadd.f32 v59, v6;
	[tilespmem:v7+s25+$0x0] =	vst.idx.msk $0xffff, v63  }
0xaa: {  	s8 =	sshrl.u32 s8, $0x3;
	[tilespmem:v61+s25+$0x0] =	vst.idx.msk $0xffff, v5  }
0xab: {  	s21 =	simm.s32 $0xDA80;
	s9 =	sadd.s32 s3, s8;
	[tilespmem:v8+s25+$0x0] =	vst.idx.msk $0xffff, v6  }
0xac: {  	[hbm4b:s9+s4] =	stream.linear.scatter [tilespmem:s21], [sflag:$0x7], $0x80, $0x38;
	[tilespmem:$0x18E80] =	vst v63  }
0xad: {  	s12 =	simm.s32 $0xDB10;
	s16 =	sadd.s32 $0x10, s9  }
0xae: {  	[hbm4b:s16+s4] =	stream.linear.scatter [tilespmem:s12], [sflag:$0x7], $0x80, $0x38;
	[tilespmem:$0x18E80] =	vst v63  }
0xaf: {  	s18 =	simm.s32 $0xDBA0;
	s20 =	simm.s32 $0xDC30;
	s19 =	sadd.s32 $0x20, s9  }
0xb0: {  	[hbm4b:s19+s4] =	stream.linear.scatter [tilespmem:s18], [sflag:$0x7], $0x80, $0x38;
	[tilespmem:$0x18E80] =	vst v63  }
0xb1: {  	s8 =	simm.s32 $0x480;
	s21 =	sadd.s32 $0x30, s9;
	s12 =	simm.s32 $0xDCC0  }
0xb2: {  	[hbm4b:s21+s4] =	stream.linear.scatter [tilespmem:s20], [sflag:$0x7], $0x80, $0x38;
	[tilespmem:$0x18E80] =	vst v63  }
0xb3: {  	s16 =	sadd.s32 $0x40, s9;
	s18 =	simm.s32 $0xDD50;
	s19 =	sadd.s32 $0x50, s9  }
0xb4: {  	[hbm4b:s16+s4] =	stream.linear.scatter [tilespmem:s12], [sflag:$0x7], $0x80, $0x38;
	[tilespmem:$0x18E80] =	vst v63  }
0xb5: {  	s20 =	simm.s32 $0xDDE0;
	s21 =	sadd.s32 $0x60, s9;
	s12 =	simm.s32 $0x2400  }
0xb6: {  	[hbm4b:s19+s4] =	stream.linear.scatter [tilespmem:s18], [sflag:$0x7], $0x80, $0x38;
	[tilespmem:$0x18E80] =	vst v63  }
0xb7: {  	s16 =	simm.s32 $0xDE70;
	s18 =	sadd.s32 $0x70, s9;
	s9 =	sadd.s32 $0x1000, s9  }
0xb8: {  	[hbm4b:s21+s4] =	stream.linear.scatter [tilespmem:s20], [sflag:$0x7], $0x80, $0x38;
	[tilespmem:$0x18E80] =	vst v63  }
.LBB2_10:
0xb9: {  	[hbm4b:s18+s4] =	stream.linear.scatter [tilespmem:s16], [sflag:$0x7], $0x80, $0x38;
	[tilespmem:$0x18E80] =	vst v63  }
0xba: {  	s16 =	smov.u32 s8;
	s8 =	smov.u32 s12  }
0xbb: {  	s19 =	sadd.s32 $0x1200, s12;
	s8 =	sshra.s32 s8, $0x2;
	s18 =	sadd.s32 $0xDA80, s16  }
0xbc: {  	[hbm4b:s9+s4] =	stream.linear.scatter [tilespmem:s18], [sflag:$0x7], $0x80, $0x38;
	[tilespmem:$0x18E80] =	vst v63  }
0xbd: {  	p1 =	sne.s32 s12, $0x7E00;
	s12 =	sadd.s32 $0xDB10, s16;
	s18 =	sadd.s32 $0x10, s9  }
0xbe: {  	[hbm4b:s18+s4] =	stream.linear.scatter [tilespmem:s12], [sflag:$0x7], $0x80, $0x38;
	[tilespmem:$0x18E80] =	vst v63  }
0xbf: {  	s12 =	sadd.s32 $0xDBA0, s16;
	s18 =	sadd.s32 $0x20, s9  }
0xc0: {  	[hbm4b:s18+s4] =	stream.linear.scatter [tilespmem:s12], [sflag:$0x7], $0x80, $0x38;
	[tilespmem:$0x18E80] =	vst v63  }
0xc1: {  	s12 =	sadd.s32 $0xDC30, s16;
	s18 =	sadd.s32 $0x30, s9  }
0xc2: {  	[hbm4b:s18+s4] =	stream.linear.scatter [tilespmem:s12], [sflag:$0x7], $0x80, $0x38;
	[tilespmem:$0x18E80] =	vst v63  }
0xc3: {  	s12 =	sadd.s32 $0xDCC0, s16;
	s18 =	sadd.s32 $0x40, s9  }
0xc4: {  	[hbm4b:s18+s4] =	stream.linear.scatter [tilespmem:s12], [sflag:$0x7], $0x80, $0x38;
	[tilespmem:$0x18E80] =	vst v63  }
.Ltmp6:
0xc5: {  	s12 =	sadd.s32 $0xDD50, s16;
	s18 =	sadd.s32 $0x50, s9;
	(pc) =	sbr.rel @p1 .LBB2_10-.Ltmp6, $4  }
0xc6: {  	[hbm4b:s18+s4] =	stream.linear.scatter [tilespmem:s12], [sflag:$0x7], $0x80, $0x38;
	[tilespmem:$0x18E80] =	vst v63  }
0xc7: {  	s12 =	sadd.s32 $0xDDE0, s16;
	s18 =	sadd.s32 $0x60, s9;
	s16 =	sadd.s32 $0xDE70, s16  }
0xc8: {  	[hbm4b:s18+s4] =	stream.linear.scatter [tilespmem:s12], [sflag:$0x7], $0x80, $0x38;
	[tilespmem:$0x18E80] =	vst v63  }
0xc9: {  	s18 =	sadd.s32 $0x70, s9;
	s9 =	sadd.s32 $0x1000, s9;
	s12 =	smov.u32 s19  }
0xca: {  	[hbm4b:s18+s4] =	stream.linear.scatter [tilespmem:s16], [sflag:$0x7], $0x80, $0x38;
	[tilespmem:$0x18E80] =	vst v63  }
0xcb: {  	s12 =	sadd.s32 $0xDA80, s8  }
0xcc: {  	[hbm4b:s9+s4] =	stream.linear.scatter [tilespmem:s12], [sflag:$0x7], $0x80, $0x38;
	[tilespmem:$0x18E80] =	vst v63  }
0xcd: {  	s18 =	sadd.s32 $0xDB10, s8;
	s19 =	sadd.s32 $0x10, s9  }
0xce: {  	[hbm4b:s19+s4] =	stream.linear.scatter [tilespmem:s18], [sflag:$0x7], $0x80, $0x38;
	[tilespmem:$0x18E80] =	vst v63  }
0xcf: {  	s20 =	sadd.s32 $0xDBA0, s8;
	s21 =	sadd.s32 $0x20, s9  }
0xd0: {  	[hbm4b:s21+s4] =	stream.linear.scatter [tilespmem:s20], [sflag:$0x7], $0x80, $0x38;
	[tilespmem:$0x18E80] =	vst v63  }
0xd1: {  	s18 =	sadd.s32 $0xDC30, s8;
	s19 =	sadd.s32 $0x30, s9  }
0xd2: {  	[hbm4b:s19+s4] =	stream.linear.scatter [tilespmem:s18], [sflag:$0x7], $0x80, $0x38;
	[tilespmem:$0x18E80] =	vst v63  }
0xd3: {  	s20 =	sadd.s32 $0xDCC0, s8;
	s21 =	sadd.s32 $0x40, s9  }
0xd4: {  	[hbm4b:s21+s4] =	stream.linear.scatter [tilespmem:s20], [sflag:$0x7], $0x80, $0x38;
	[tilespmem:$0x18E80] =	vst v63  }
0xd5: {  	s18 =	sadd.s32 $0xDD50, s8;
	s19 =	sadd.s32 $0x50, s9  }
0xd6: {  	[hbm4b:s19+s4] =	stream.linear.scatter [tilespmem:s18], [sflag:$0x7], $0x80, $0x38;
	[tilespmem:$0x18E80] =	vst v63  }
0xd7: {  	s20 =	sadd.s32 $0xDDE0, s8;
	s21 =	sadd.s32 $0x60, s9  }
0xd8: {  	[hbm4b:s21+s4] =	stream.linear.scatter [tilespmem:s20], [sflag:$0x7], $0x80, $0x38;
	[tilespmem:$0x18E80] =	vst v63  }
0xd9: {  	s18 =	sadd.s32 $0xDE70, s8;
	s19 =	sadd.s32 $0x70, s9  }
0xda: {  	[hbm4b:s19+s4] =	stream.linear.scatter [tilespmem:s18], [sflag:$0x7], $0x80, $0x38;
	[tilespmem:$0x18E80] =	vst v63  }
0xdb: {  	s19 =	sadd.s32 $0x4, s11  }
0xdc: {  	s21 =	sand.u32 $0x7, s19  }
0xdd: {  	p1 =	sne.s32 s21, $0x0  }
0xde: {  	s8 =	simm.s32 @!p1 $0x1  }
0xdf: {  	s20 =	sshll.u32 s19, $0x7;
	_ =	swait.ge @!p1 [sflag:s8], $0x400  }
0xe0: {  	s9 =	sand.u32 $0x780, s20;
	[sflag:s8] =	ssyncset.done @!p1 $0x0  }
0xe1: {  	s12 =	sadd.s32 $0x3280, s9;
	[sflag:s8] =	ssyncadd.s32 @!p1 $0xFFFFFC00  }
0xe2: {  	[tilespmem:s26], [sflag:$0x6] =	stream.indirect.gather [hbm4b:s6+s15], $0x40, s12, s15, $0xb8;
	[tilespmem:$0x18E80] =	vst v63  }
0xe3: {  	s12 =	sadd.s32 $0x1, s11  }
0xe4: {  	p1 =	seq.s32 s10, $0x27;
	s8 =	sand.u32 $0x7, s12  }
0xe5: {  	p2 =	sne.s32 @!p1 s8, $0x0  }
0xe6: {  	p2 =	por p2, p1  }
0xe7: {  	s8 =	sshrl.u32 @!p2 s12, $0x3  }
0xe8: {  	s8 =	sadd.s32 @!p2 $0x1, s8  }
0xe9: {  	_ =	swait.ge [sflag:s28], $0x2000;
	s9 =	sshll.u32 @!p2 s8, $0xF  }
0xea: {  	[sflag:s28] =	ssyncset.done $0x0;
	s8 =	sshll.u32 @!p2 s8, $0xA;
	s9 =	sor.u32 @!p2 s5, s9  }
0xeb: {  	[sflag:s28] =	ssyncadd.s32 $0xFFFFE000;
	s8 =	sand.u32 @!p2 $0x400, s8;
	s9 =	sshrl.u32 @!p2 s9, $0x3  }
0xec: {  	s16 =	simm.s32 @!p2 $0x0;
	s8 =	sor.u32 @!p2 $0x3280, s8;
	s9 =	sadd.s32 @!p2 s1, s9  }
0xed: {  	[tilespmem:s8], [sflag:$0x1] =	stream.linear.gather @!p2 [hbm4b:s9+s16], $0x400, $0x38;
	[tilespmem:$0x18E80] =	vst v63  }
0xee: {  	s8 =	simm.s32 @!p0 $0x8  }
0xef: {  	_ =	swait.ge @!p0 [sflag:s8], $0x2000  }
0xf0: {  	[sflag:s8] =	ssyncset.done @!p0 $0x0  }
0xf1: {  	[sflag:s8] =	ssyncadd.s32 @!p0 $0xFFFFE000  }
0xf2: {  	v5 =	vld [tilespmem:$0x3200]  }
0xf3: {  	v6 =	vld [tilespmem:$0x3240];
	_ =	sdelay $0x1  }
0xf4: {  	v9 =	vld [tilespmem:$0x3250]  }
0xf5: {  	s16 =	sshll.u32 s12, $0x6;
	v8 =	vld [tilespmem:$0x3210]  }
0xf6: {  	s9 =	sand.u32 $0x3FFFFFC0, s16  }
0xf7: {  	v13 =	vld [tilespmem:s9+$0x0];
	v10 =	vmul.u32 $0x480, v5;
	v6 =	vmul.u32 $0x90, v6  }
0xf8: {  	v7 =	vld [tilespmem:s9+$0x10]  }
0xf9: {  	s18 =	simm.s32 $0x0;
	s20 =	simm.s32 $0x3;
	v12 =	vld [tilespmem:$0x3220];
	v16 =	vmul.u32 $0x90, v9;
	v17 =	vadd.s32 v10, v6  }
0xfa: {  	s8 =	simm.s32 $0x5B00;
	v15 =	vld [tilespmem:$0x3230];
	v10 =	vmul.u32 $0x480, v8;
	v6 =	vmov s18;
	v8 =	vmov s20  }
0xfb: {  	s18 =	simm.s32 $0x1;
	v20 =	vand.u32 $0x4, v6;
	v18 =	vand.u32 $0x78, v6;
	v6 =	vld [tilespmem:s8+$0x40];
	v11 =	vand.u32 $0x78, v8  }
0xfc: {  	v19 =	vld [tilespmem:s8+$0xFFFFFF80];
	s20 =	simm.s32 $0x2;
	v9 =	vmov s18;
	v14 =	vand.u32 $0x7, v8;
	v8 =	vadd.s32 v17, v11  }
0xfd: {  	v21 =	vld [tilespmem:$0x3260];
	v23 =	vmov s20;
	v22 =	vadd.s32 v17, v18;
	v24 =	vor.u32 v14, v8  }
0xfe: {  	v25 =	vld [tilespmem:s8+$0xFFFFFFC0];
	v30 =	vand.u32 $0x78, v9;
	v35 =	vand.u32 $0x78, v23;
	v22 =	vor.u32 v20, v22  }
0xff: {  	v27 =	vld [tilespmem:s8+$0x0];
	v26 =	vadd.s32 v17, v30;
	v8 =	vand.u32 $0x5, v9;
	v28 =	vadd.s32 v17, v35  }
0x100: {  	v29 =	vld [tilespmem:$0x3270];
	v9 =	vand.u32 $0x6, v23;
	v26 =	vor.u32 v8, v26;
	v23 =	vadd.f32 v6, v13  }
0x101: {  	v5 =	vld [tilespmem:s9+$0x20];
	v31 =	vadd.f32 v19, v13;
	v28 =	vor.u32 v9, v28  }
0x102: {  	v19 =	vadd.s32 v10, v16;
	v6 =	vld [tilespmem:s9+$0x30];
	[tilespmem:v24+s29+$0x0] =	vst.idx.msk $0xffff, v23  }
0x103: {  	v10 =	vmul.u32 $0x480, v12;
	v12 =	vmul.u32 $0x90, v21;
	v16 =	vadd.f32 v25, v13;
	[tilespmem:v22+s29+$0x0] =	vst.idx.msk $0xffff, v31;
	v21 =	vld [tilespmem:s8+$0x50]  }
0x104: {  	v15 =	vmul.u32 $0x480, v15;
	v23 =	vadd.f32 v27, v13;
	v24 =	vadd.s32 v19, v11;
	v22 =	vld [tilespmem:s8+$0xFFFFFF90]  }
0x105: {  	v25 =	vmul.u32 $0x90, v29;
	v27 =	vadd.s32 v19, v18;
	[tilespmem:v26+s29+$0x0] =	vst.idx.msk $0xffff, v16;
	v24 =	vor.u32 v14, v24  }
0x106: {  	v16 =	vadd.s32 v10, v12;
	v26 =	vor.u32 v20, v27;
	v27 =	vld [tilespmem:s8+$0xFFFFFFD0];
	[tilespmem:v28+s29+$0x0] =	vst.idx.msk $0xffff, v23  }
0x107: {  	s16 =	simm.s32 $0x4;
	v10 =	vadd.s32 v15, v25;
	v12 =	vadd.s32 v19, v30;
	v25 =	vadd.s32 v19, v35;
	v23 =	vld [tilespmem:s8+$0x10]  }
0x108: {  	v28 =	vmov s16;
	v29 =	vor.u32 v8, v12;
	v21 =	vadd.f32 v21, v7  }
0x109: {  	s18 =	simm.s32 $0x5;
	v33 =	vor.u32 v9, v25;
	v31 =	vadd.s32 v16, v18;
	v22 =	vadd.f32 v22, v7  }
0x10a: {  	v18 =	vadd.s32 v10, v18;
	v25 =	vmov s18;
	v15 =	vand.u32 $0x4, v28;
	[tilespmem:v24+s29+$0x0] =	vst.idx.msk $0xffff, v21  }
0x10b: {  	v12 =	vand.u32 $0x78, v28;
	v18 =	vor.u32 v20, v18;
	[tilespmem:v26+s29+$0x0] =	vst.idx.msk $0xffff, v22;
	v22 =	vadd.f32 v27, v7;
	v28 =	vld [tilespmem:s8+$0x60]  }
0x10c: {  	s20 =	simm.s32 $0x6;
	v32 =	vadd.s32 v17, v12;
	v34 =	vadd.f32 v23, v7;
	v23 =	vadd.s32 v16, v11;
	v27 =	vld [tilespmem:s8+$0xFFFFFFA0]  }
0x10d: {  	v21 =	vadd.s32 v19, v12;
	v26 =	vmov s20;
	[tilespmem:v29+s29+$0x0] =	vst.idx.msk $0xffff, v22;
	v29 =	vor.u32 v14, v23  }
0x10e: {  	v24 =	vor.u32 v20, v31;
	v20 =	vadd.s32 v10, v30;
	v23 =	vand.u32 $0x78, v25;
	[tilespmem:v33+s29+$0x0] =	vst.idx.msk $0xffff, v34;
	v31 =	vld [tilespmem:s8+$0xFFFFFFE0]  }
0x10f: {  	s9 =	simm.s32 $0x5B00;
	s18 =	simm.s32 $0x7;
	s16 =	simm.s32 $0x8;
	v34 =	vadd.s32 v16, v30;
	v33 =	vadd.s32 v16, v35;
	v22 =	vadd.s32 v10, v35;
	v30 =	vld [tilespmem:s8+$0x20]  }
.LBB2_12:
0x110: {  	p2 =	slt.u32 s16, $0x7C;
	v35 =	vmov s18;
	v34 =	vor.u32 v8, v34;
	v28 =	vadd.f32 v28, v5;
	s8 =	sadd.s32 $0x100, s8;
	v36 =	vmovc v23  }
0x111: {  	v33 =	vor.u32 v9, v33;
	v23 =	vld [tilespmem:s8+$0x40];
	v37 =	vand.u32 $0x78, v35;
	v27 =	vadd.f32 v27, v5  }
0x112: {  	v32 =	vor.u32 v15, v32;
	v35 =	vand.u32 $0x7, v35;
	v38 =	vld [tilespmem:s8+$0xFFFFFF80];
	v39 =	vadd.s32 v17, v37;
	[tilespmem:v29+s29+$0x0] =	vst.idx.msk $0xffff, v28  }
0x113: {  	v40 =	vand.u32 $0x78, v26;
	v28 =	vor.u32 v35, v39;
	[tilespmem:v24+s29+$0x0] =	vst.idx.msk $0xffff, v27;
	v24 =	vadd.f32 v31, v5;
	v27 =	vld [tilespmem:s9+$0x70]  }
0x114: {  	v31 =	vadd.s32 v17, v36;
	v39 =	vadd.s32 v10, v11;
	v11 =	vmovc v37;
	v29 =	vld [tilespmem:s8+$0xFFFFFFC0];
	v30 =	vadd.f32 v30, v5  }
0x115: {  	v25 =	vand.u32 $0x5, v25;
	v41 =	vadd.s32 v17, v40;
	v37 =	vld [tilespmem:s8+$0x0];
	[tilespmem:v34+s29+$0x0] =	vst.idx.msk $0xffff, v24;
	v24 =	vor.u32 v14, v39  }
0x116: {  	v26 =	vand.u32 $0x6, v26;
	v31 =	vor.u32 v25, v31;
	v23 =	vadd.f32 v23, v13;
	v34 =	vld [tilespmem:s9+$0xFFFFFFF0];
	[tilespmem:v33+s29+$0x0] =	vst.idx.msk $0xffff, v30  }
0x117: {  	v14 =	vmovc v35;
	v33 =	vor.u32 v15, v21;
	v21 =	vor.u32 v26, v41;
	v30 =	vadd.f32 v38, v13;
	v38 =	vld [tilespmem:s9+$0x30]  }
0x118: {  	v20 =	vor.u32 v8, v20;
	v8 =	vmov v25;
	[tilespmem:v28+s29+$0x0] =	vst.idx.msk $0xffff, v23;
	v23 =	vld [tilespmem:s9+$0xFFFFFFB0];
	v27 =	vadd.f32 v27, v6;
	s9 =	smov.u32 s8  }
0x119: {  	v22 =	vor.u32 v9, v22;
	v9 =	vmov v26;
	[tilespmem:v32+s29+$0x0] =	vst.idx.msk $0xffff, v30;
	v25 =	vadd.f32 v29, v13;
	v28 =	vld [tilespmem:s8+$0x50]  }
0x11a: {  	v30 =	vadd.s32 v19, v11;
	v26 =	vld [tilespmem:s8+$0xFFFFFF90];
	v29 =	vadd.f32 v37, v13;
	[tilespmem:v24+s29+$0x0] =	vst.idx.msk $0xffff, v27  }
0x11b: {  	v24 =	vor.u32 v14, v30;
	[tilespmem:v31+s29+$0x0] =	vst.idx.msk $0xffff, v25;
	v25 =	vadd.f32 v34, v6  }
0x11c: {  	v30 =	vadd.s32 v19, v36;
	v27 =	vld [tilespmem:s8+$0xFFFFFFD0];
	[tilespmem:v21+s29+$0x0] =	vst.idx.msk $0xffff, v29;
	v21 =	vadd.f32 v38, v6  }
0x11d: {  	v31 =	vadd.s32 v19, v40;
	v29 =	vld [tilespmem:s8+$0x10];
	v23 =	vadd.f32 v23, v6;
	[tilespmem:v20+s29+$0x0] =	vst.idx.msk $0xffff, v25  }
0x11e: {  	v30 =	vor.u32 v8, v30;
	v20 =	vmov s16;
	v25 =	vadd.f32 v28, v7;
	[tilespmem:v22+s29+$0x0] =	vst.idx.msk $0xffff, v21  }
0x11f: {  	v34 =	vor.u32 v9, v31;
	v35 =	vand.u32 $0x4, v20;
	v22 =	vadd.f32 v26, v7;
	[tilespmem:v18+s29+$0x0] =	vst.idx.msk $0xffff, v23  }
0x120: {  	s18 =	sadd.s32 $0x1, s16;
	v31 =	vadd.s32 v16, v12;
	v18 =	vadd.s32 v10, v12;
	v12 =	vand.u32 $0x78, v20;
	[tilespmem:v24+s29+$0x0] =	vst.idx.msk $0xffff, v25  }
.Ltmp7:
0x121: {  	v21 =	vadd.s32 v19, v12;
	v25 =	vmov s18;
	[tilespmem:v33+s29+$0x0] =	vst.idx.msk $0xffff, v22;
	v20 =	vadd.f32 v27, v7;
	v28 =	vld [tilespmem:s8+$0x60];
	(pc) =	sbr.rel @p2 .LBB2_12-.Ltmp7, $4  }
0x122: {  	v23 =	vadd.s32 v16, v11;
	v32 =	vadd.s32 v17, v12;
	s18 =	sadd.s32 $0x2, s16;
	v27 =	vld [tilespmem:s8+$0xFFFFFFA0];
	v22 =	vadd.f32 v29, v7  }
0x123: {  	v18 =	vor.u32 v15, v18;
	v26 =	vmov s18;
	v29 =	vor.u32 v14, v23;
	[tilespmem:v30+s29+$0x0] =	vst.idx.msk $0xffff, v20  }
0x124: {  	v24 =	vor.u32 v15, v31;
	v23 =	vand.u32 $0x78, v25;
	v20 =	vadd.s32 v10, v36;
	v31 =	vld [tilespmem:s8+$0xFFFFFFE0];
	[tilespmem:v34+s29+$0x0] =	vst.idx.msk $0xffff, v22  }
0x125: {  	v15 =	vmovc v35;
	s18 =	sadd.s32 $0x3, s16;
	s16 =	sadd.s32 $0x4, s16;
	v33 =	vadd.s32 v16, v40;
	v34 =	vadd.s32 v16, v36;
	v22 =	vadd.s32 v10, v40;
	v30 =	vld [tilespmem:s8+$0x20]  }
0x126: {  	v35 =	vmov s18;
	s8 =	sadd.s32 $0x100, s8  }
0x127: {  	v36 =	vld [tilespmem:s8+$0x40];
	v37 =	vand.u32 $0x78, v35  }
0x128: {  	v39 =	vand.u32 $0x78, v26;
	v35 =	vand.u32 $0x7, v35;
	v40 =	vld [tilespmem:s8+$0xFFFFFFC0];
	v38 =	vadd.s32 v17, v37  }
0x129: {  	v41 =	vadd.s32 v17, v23;
	v25 =	vand.u32 $0x5, v25;
	v42 =	vld [tilespmem:s8+$0x0];
	v38 =	vor.u32 v35, v38  }
0x12a: {  	v26 =	vand.u32 $0x6, v26;
	v43 =	vld [tilespmem:s8+$0xFFFFFF80];
	v52 =	vadd.s32 v17, v39;
	v41 =	vor.u32 v25, v41  }
0x12b: {  	v17 =	vor.u32 v26, v52  }
0x12c: {  	v32 =	vor.u32 v15, v32;
	v36 =	vadd.f32 v36, v13  }
0x12d: {  	v40 =	vadd.f32 v40, v13  }
0x12e: {  	v53 =	vadd.f32 v42, v13;
	[tilespmem:v38+s29+$0x0] =	vst.idx.msk $0xffff, v36  }
0x12f: {  	v54 =	vadd.f32 v43, v13;
	[tilespmem:v41+s29+$0x0] =	vst.idx.msk $0xffff, v40;
	v38 =	vld [tilespmem:s8+$0x50]  }
0x130: {  	v34 =	vor.u32 v8, v34;
	v55 =	vadd.s32 v19, v37;
	[tilespmem:v17+s29+$0x0] =	vst.idx.msk $0xffff, v53;
	v56 =	vld [tilespmem:s8+$0xFFFFFFD0]  }
0x131: {  	v58 =	vadd.s32 v19, v23;
	v57 =	vor.u32 v35, v55;
	[tilespmem:v32+s29+$0x0] =	vst.idx.msk $0xffff, v54;
	v36 =	vld [tilespmem:s8+$0x10]  }
0x132: {  	v28 =	vadd.f32 v28, v5;
	v60 =	vadd.s32 v19, v39;
	v32 =	vor.u32 v25, v58;
	v59 =	vld [tilespmem:s8+$0xFFFFFF90]  }
0x133: {  	v21 =	vor.u32 v15, v21;
	v62 =	vor.u32 v9, v33;
	v19 =	vor.u32 v26, v60  }
0x134: {  	v11 =	vadd.s32 v10, v11;
	v46 =	vadd.s32 v16, v12;
	v61 =	vadd.f32 v38, v7  }
0x135: {  	v48 =	vor.u32 v8, v20;
	[tilespmem:v29+s29+$0x0] =	vst.idx.msk $0xffff, v28;
	v17 =	vadd.f32 v56, v7  }
0x136: {  	v50 =	vor.u32 v9, v22;
	v63 =	vld [tilespmem:s9+$0x70];
	v38 =	vadd.f32 v36, v7;
	[tilespmem:v57+s29+$0x0] =	vst.idx.msk $0xffff, v61  }
0x137: {  	v44 =	vadd.s32 v16, v39;
	v7 =	vadd.f32 v59, v7;
	[tilespmem:v32+s29+$0x0] =	vst.idx.msk $0xffff, v17;
	v28 =	vld [tilespmem:s8+$0x60]  }
0x138: {  	v31 =	vadd.f32 v31, v5;
	v40 =	vadd.s32 v16, v37;
	[tilespmem:v19+s29+$0x0] =	vst.idx.msk $0xffff, v38;
	v17 =	vld [tilespmem:s8+$0xFFFFFFE0]  }
0x139: {  	v41 =	vadd.s32 v16, v23;
	[tilespmem:v21+s29+$0x0] =	vst.idx.msk $0xffff, v7;
	v7 =	vor.u32 v35, v40;
	v42 =	vld [tilespmem:s8+$0x20]  }
0x13a: {  	v30 =	vadd.f32 v30, v5;
	[tilespmem:v34+s29+$0x0] =	vst.idx.msk $0xffff, v31;
	v13 =	vor.u32 v25, v41;
	v43 =	vld [tilespmem:s8+$0xFFFFFFA0]  }
0x13b: {  	v27 =	vadd.f32 v27, v5;
	v11 =	vor.u32 v14, v11;
	v31 =	vld [tilespmem:s9+$0xFFFFFFF0];
	v21 =	vor.u32 v26, v44  }
0x13c: {  	[tilespmem:v62+s29+$0x0] =	vst.idx.msk $0xffff, v30;
	v16 =	vor.u32 v15, v46;
	v47 =	vadd.f32 v28, v5  }
0x13d: {  	v60 =	vadd.s32 v10, v12;
	[tilespmem:v24+s29+$0x0] =	vst.idx.msk $0xffff, v27;
	v29 =	vld [tilespmem:s9+$0x30];
	v49 =	vadd.f32 v17, v5  }
0x13e: {  	v27 =	vld [tilespmem:s9+$0xFFFFFFB0];
	v45 =	vadd.f32 v63, v6;
	[tilespmem:v7+s29+$0x0] =	vst.idx.msk $0xffff, v47;
	v7 =	vadd.f32 v42, v5  }
0x13f: {  	v54 =	vadd.s32 v10, v37;
	v5 =	vadd.f32 v43, v5;
	[tilespmem:v13+s29+$0x0] =	vst.idx.msk $0xffff, v49;
	v52 =	vld [tilespmem:s8+$0x70]  }
0x140: {  	v58 =	vadd.s32 v10, v39;
	v51 =	vadd.f32 v31, v6;
	v55 =	vld [tilespmem:s8+$0xFFFFFFF0];
	[tilespmem:v21+s29+$0x0] =	vst.idx.msk $0xffff, v7  }
0x141: {  	v7 =	vadd.s32 v10, v23;
	[tilespmem:v16+s29+$0x0] =	vst.idx.msk $0xffff, v5;
	v5 =	vor.u32 v35, v54;
	v56 =	vld [tilespmem:s8+$0x30]  }
0x142: {  	[tilespmem:v11+s29+$0x0] =	vst.idx.msk $0xffff, v45;
	v53 =	vadd.f32 v29, v6;
	v59 =	vld [tilespmem:s8+$0xFFFFFFB0];
	v7 =	vor.u32 v25, v7  }
0x143: {  	[tilespmem:v48+s29+$0x0] =	vst.idx.msk $0xffff, v51;
	v57 =	vadd.f32 v27, v6;
	v61 =	vor.u32 v26, v58  }
0x144: {  	v8 =	vor.u32 v15, v60;
	[tilespmem:v50+s29+$0x0] =	vst.idx.msk $0xffff, v53;
	v62 =	vadd.f32 v52, v6  }
0x145: {  	[tilespmem:v18+s29+$0x0] =	vst.idx.msk $0xffff, v57;
	v63 =	vadd.f32 v55, v6  }
0x146: {  	s18 =	sshll.u32 s12, $0x12;
	[tilespmem:v5+s29+$0x0] =	vst.idx.msk $0xffff, v62;
	v5 =	vadd.f32 v56, v6  }
0x147: {  	s8 =	sor.u32 s5, s18;
	v6 =	vadd.f32 v59, v6;
	[tilespmem:v7+s29+$0x0] =	vst.idx.msk $0xffff, v63  }
0x148: {  	s8 =	sshrl.u32 s8, $0x3;
	[tilespmem:v61+s29+$0x0] =	vst.idx.msk $0xffff, v5  }
0x149: {  	s20 =	simm.s32 $0xFE80;
	s9 =	sadd.s32 s3, s8;
	[tilespmem:v8+s29+$0x0] =	vst.idx.msk $0xffff, v6  }
0x14a: {  	[hbm4b:s9+s4] =	stream.linear.scatter [tilespmem:s20], [sflag:$0x8], $0x80, $0x38;
	[tilespmem:$0x18E80] =	vst v63  }
0x14b: {  	s12 =	simm.s32 $0xFF10;
	s16 =	sadd.s32 $0x10, s9  }
0x14c: {  	[hbm4b:s16+s4] =	stream.linear.scatter [tilespmem:s12], [sflag:$0x8], $0x80, $0x38;
	[tilespmem:$0x18E80] =	vst v63  }
0x14d: {  	s18 =	simm.s32 $0xFFA0;
	s20 =	sadd.s32 $0x20, s9  }
0x14e: {  	[hbm4b:s20+s4] =	stream.linear.scatter [tilespmem:s18], [sflag:$0x8], $0x80, $0x38;
	[tilespmem:$0x18E80] =	vst v63  }
0x14f: {  	s12 =	simm.s32 $0x10030;
	s16 =	sadd.s32 $0x30, s9  }
0x150: {  	[hbm4b:s16+s4] =	stream.linear.scatter [tilespmem:s12], [sflag:$0x8], $0x80, $0x38;
	[tilespmem:$0x18E80] =	vst v63  }
0x151: {  	s18 =	simm.s32 $0x100C0;
	s20 =	sadd.s32 $0x40, s9  }
0x152: {  	[hbm4b:s20+s4] =	stream.linear.scatter [tilespmem:s18], [sflag:$0x8], $0x80, $0x38;
	[tilespmem:$0x18E80] =	vst v63  }
0x153: {  	s8 =	simm.s32 $0x480;
	s12 =	simm.s32 $0x10150;
	s16 =	sadd.s32 $0x50, s9  }
0x154: {  	[hbm4b:s16+s4] =	stream.linear.scatter [tilespmem:s12], [sflag:$0x8], $0x80, $0x38;
	[tilespmem:$0x18E80] =	vst v63  }
0x155: {  	s18 =	simm.s32 $0x101E0;
	s20 =	sadd.s32 $0x60, s9;
	s12 =	simm.s32 $0x2400  }
0x156: {  	[hbm4b:s20+s4] =	stream.linear.scatter [tilespmem:s18], [sflag:$0x8], $0x80, $0x38;
	[tilespmem:$0x18E80] =	vst v63  }
0x157: {  	s16 =	simm.s32 $0x10270;
	s18 =	sadd.s32 $0x70, s9;
	s9 =	sadd.s32 $0x1000, s9  }
.LBB2_14:
0x158: {  	[hbm4b:s18+s4] =	stream.linear.scatter [tilespmem:s16], [sflag:$0x8], $0x80, $0x38;
	[tilespmem:$0x18E80] =	vst v63  }
0x159: {  	s16 =	smov.u32 s8;
	s8 =	smov.u32 s12  }
0x15a: {  	s20 =	sadd.s32 $0x1200, s12;
	s8 =	sshra.s32 s8, $0x2;
	s18 =	sadd.s32 $0xFE80, s16  }
0x15b: {  	[hbm4b:s9+s4] =	stream.linear.scatter [tilespmem:s18], [sflag:$0x8], $0x80, $0x38;
	[tilespmem:$0x18E80] =	vst v63  }
0x15c: {  	p2 =	sne.s32 s12, $0x7E00;
	s12 =	sadd.s32 $0xFF10, s16;
	s18 =	sadd.s32 $0x10, s9  }
0x15d: {  	[hbm4b:s18+s4] =	stream.linear.scatter [tilespmem:s12], [sflag:$0x8], $0x80, $0x38;
	[tilespmem:$0x18E80] =	vst v63  }
0x15e: {  	s12 =	sadd.s32 $0xFFA0, s16;
	s18 =	sadd.s32 $0x20, s9  }
0x15f: {  	[hbm4b:s18+s4] =	stream.linear.scatter [tilespmem:s12], [sflag:$0x8], $0x80, $0x38;
	[tilespmem:$0x18E80] =	vst v63  }
0x160: {  	s12 =	sadd.s32 $0x10030, s16;
	s18 =	sadd.s32 $0x30, s9  }
0x161: {  	[hbm4b:s18+s4] =	stream.linear.scatter [tilespmem:s12], [sflag:$0x8], $0x80, $0x38;
	[tilespmem:$0x18E80] =	vst v63  }
0x162: {  	s12 =	sadd.s32 $0x100C0, s16;
	s18 =	sadd.s32 $0x40, s9  }
0x163: {  	[hbm4b:s18+s4] =	stream.linear.scatter [tilespmem:s12], [sflag:$0x8], $0x80, $0x38;
	[tilespmem:$0x18E80] =	vst v63  }
.Ltmp8:
0x164: {  	s12 =	sadd.s32 $0x10150, s16;
	s18 =	sadd.s32 $0x50, s9;
	(pc) =	sbr.rel @p2 .LBB2_14-.Ltmp8, $4  }
0x165: {  	[hbm4b:s18+s4] =	stream.linear.scatter [tilespmem:s12], [sflag:$0x8], $0x80, $0x38;
	[tilespmem:$0x18E80] =	vst v63  }
0x166: {  	s12 =	sadd.s32 $0x101E0, s16;
	s18 =	sadd.s32 $0x60, s9;
	s16 =	sadd.s32 $0x10270, s16  }
0x167: {  	[hbm4b:s18+s4] =	stream.linear.scatter [tilespmem:s12], [sflag:$0x8], $0x80, $0x38;
	[tilespmem:$0x18E80] =	vst v63  }
0x168: {  	s18 =	sadd.s32 $0x70, s9;
	s9 =	sadd.s32 $0x1000, s9;
	s12 =	smov.u32 s20  }
0x169: {  	[hbm4b:s18+s4] =	stream.linear.scatter [tilespmem:s16], [sflag:$0x8], $0x80, $0x38;
	[tilespmem:$0x18E80] =	vst v63  }
0x16a: {  	s12 =	sadd.s32 $0xFE80, s8  }
0x16b: {  	[hbm4b:s9+s4] =	stream.linear.scatter [tilespmem:s12], [sflag:$0x8], $0x80, $0x38;
	[tilespmem:$0x18E80] =	vst v63  }
0x16c: {  	s18 =	sadd.s32 $0xFF10, s8;
	s20 =	sadd.s32 $0x10, s9  }
0x16d: {  	[hbm4b:s20+s4] =	stream.linear.scatter [tilespmem:s18], [sflag:$0x8], $0x80, $0x38;
	[tilespmem:$0x18E80] =	vst v63  }
0x16e: {  	s18 =	sadd.s32 $0xFFA0, s8;
	s20 =	sadd.s32 $0x20, s9  }
0x16f: {  	[hbm4b:s20+s4] =	stream.linear.scatter [tilespmem:s18], [sflag:$0x8], $0x80, $0x38;
	[tilespmem:$0x18E80] =	vst v63  }
0x170: {  	s18 =	sadd.s32 $0x10030, s8;
	s20 =	sadd.s32 $0x30, s9  }
0x171: {  	[hbm4b:s20+s4] =	stream.linear.scatter [tilespmem:s18], [sflag:$0x8], $0x80, $0x38;
	[tilespmem:$0x18E80] =	vst v63  }
0x172: {  	s18 =	sadd.s32 $0x100C0, s8;
	s20 =	sadd.s32 $0x40, s9  }
0x173: {  	[hbm4b:s20+s4] =	stream.linear.scatter [tilespmem:s18], [sflag:$0x8], $0x80, $0x38;
	[tilespmem:$0x18E80] =	vst v63  }
0x174: {  	s18 =	sadd.s32 $0x10150, s8;
	s20 =	sadd.s32 $0x50, s9  }
0x175: {  	[hbm4b:s20+s4] =	stream.linear.scatter [tilespmem:s18], [sflag:$0x8], $0x80, $0x38;
	[tilespmem:$0x18E80] =	vst v63  }
0x176: {  	s18 =	sadd.s32 $0x101E0, s8;
	s20 =	sadd.s32 $0x60, s9  }
0x177: {  	[hbm4b:s20+s4] =	stream.linear.scatter [tilespmem:s18], [sflag:$0x8], $0x80, $0x38;
	[tilespmem:$0x18E80] =	vst v63  }
0x178: {  	s18 =	sadd.s32 $0x10270, s8;
	s8 =	sadd.s32 $0x5, s11  }
0x179: {  	s20 =	sadd.s32 $0x70, s9;
	s9 =	sand.u32 $0x7, s8  }
0x17a: {  	p2 =	sne.s32 @!p1 s9, $0x0  }
0x17b: {  	p2 =	por p1, p2  }
.Ltmp9:
0x17c: {  	_ = 	snop;
	(pc) =	sbr.rel @p2 .LBB2_17-.Ltmp9, $2  }
0x17d: {  	_ =	sdelay $0x2  }
0x17e: {  	[hbm4b:s20+s4] =	stream.linear.scatter [tilespmem:s18], [sflag:$0x8], $0x80, $0x38;
	[tilespmem:$0x18E80] =	vst v63  }
0x17f: {  	_ =	swait.ge [sflag:s13], $0x400  }
0x180: {  	[sflag:s13] =	ssyncset.done $0x0  }
0x181: {  	[sflag:s13] =	ssyncadd.s32 $0xFFFFFC00  }
.LBB2_18:
0x182: {  	s8 =	sshll.u32 s8, $0x7  }
0x183: {  	s8 =	sand.u32 $0x780, s8  }
0x184: {  	s9 =	simm.s32 $0x3A80;
	s8 =	sadd.s32 $0x3280, s8  }
0x185: {  	[tilespmem:s9], [sflag:$0x2] =	stream.indirect.gather [hbm4b:s6+s15], $0x40, s8, s15, $0xb8;
	[tilespmem:$0x18E80] =	vst v63  }
.LBB2_19:
0x186: {  	s12 =	sadd.s32 $0x2, s11  }
0x187: {  	p2 =	sgt.u32 s10, $0x25;
	s8 =	sand.u32 $0x7, s12  }
0x188: {  	p3 =	sne.s32 @!p2 s8, $0x0  }
0x189: {  	p3 =	por p3, p2  }
0x18a: {  	s8 =	sshrl.u32 @!p3 s12, $0x3  }
0x18b: {  	s8 =	sadd.s32 @!p3 $0x1, s8  }
0x18c: {  	_ =	swait.ge [sflag:s30], $0x2000;
	s9 =	sshll.u32 @!p3 s8, $0xF  }
0x18d: {  	[sflag:s30] =	ssyncset.done $0x0;
	s8 =	sshll.u32 @!p3 s8, $0xA;
	s9 =	sor.u32 @!p3 s5, s9  }
0x18e: {  	[sflag:s30] =	ssyncadd.s32 $0xFFFFE000;
	s8 =	sand.u32 @!p3 $0x400, s8;
	s9 =	sshrl.u32 @!p3 s9, $0x3  }
0x18f: {  	s16 =	simm.s32 @!p3 $0x0;
	s8 =	sor.u32 @!p3 $0x3280, s8;
	s9 =	sadd.s32 @!p3 s1, s9  }
0x190: {  	[tilespmem:s8], [sflag:$0x1] =	stream.linear.gather @!p3 [hbm4b:s9+s16], $0x400, $0x38;
	[tilespmem:$0x18E80] =	vst v63  }
0x191: {  	s8 =	simm.s32 @!p0 $0x9  }
0x192: {  	_ =	swait.ge @!p0 [sflag:s8], $0x2000  }
0x193: {  	[sflag:s8] =	ssyncset.done @!p0 $0x0  }
0x194: {  	[sflag:s8] =	ssyncadd.s32 @!p0 $0xFFFFE000  }
0x195: {  	v5 =	vld [tilespmem:$0x3200]  }
0x196: {  	v6 =	vld [tilespmem:$0x3240];
	_ =	sdelay $0x1  }
0x197: {  	v9 =	vld [tilespmem:$0x3250]  }
0x198: {  	s18 =	sshll.u32 s12, $0x6;
	v8 =	vld [tilespmem:$0x3210]  }
0x199: {  	s9 =	sand.u32 $0x3FFFFFC0, s18  }
0x19a: {  	v13 =	vld [tilespmem:s9+$0x0];
	v10 =	vmul.u32 $0x480, v5;
	v6 =	vmul.u32 $0x90, v6  }
0x19b: {  	v7 =	vld [tilespmem:s9+$0x10]  }
0x19c: {  	s20 =	simm.s32 $0x0;
	s18 =	simm.s32 $0x3;
	v12 =	vld [tilespmem:$0x3220];
	v16 =	vmul.u32 $0x90, v9;
	v17 =	vadd.s32 v10, v6  }
0x19d: {  	s8 =	simm.s32 $0x7B00;
	v15 =	vld [tilespmem:$0x3230];
	v10 =	vmul.u32 $0x480, v8;
	v6 =	vmov s20;
	v8 =	vmov s18  }
0x19e: {  	s18 =	simm.s32 $0x1;
	v20 =	vand.u32 $0x4, v6;
	v18 =	vand.u32 $0x78, v6;
	v6 =	vld [tilespmem:s8+$0x40];
	v11 =	vand.u32 $0x78, v8  }
0x19f: {  	v19 =	vld [tilespmem:s8+$0xFFFFFF80];
	s20 =	simm.s32 $0x2;
	v9 =	vmov s18;
	v14 =	vand.u32 $0x7, v8;
	v8 =	vadd.s32 v17, v11  }
0x1a0: {  	v21 =	vld [tilespmem:$0x3260];
	v23 =	vmov s20;
	v22 =	vadd.s32 v17, v18;
	v24 =	vor.u32 v14, v8  }
0x1a1: {  	v25 =	vld [tilespmem:s8+$0xFFFFFFC0];
	v30 =	vand.u32 $0x78, v9;
	v35 =	vand.u32 $0x78, v23;
	v22 =	vor.u32 v20, v22  }
0x1a2: {  	v27 =	vld [tilespmem:s8+$0x0];
	v26 =	vadd.s32 v17, v30;
	v8 =	vand.u32 $0x5, v9;
	v28 =	vadd.s32 v17, v35  }
0x1a3: {  	v29 =	vld [tilespmem:$0x3270];
	v9 =	vand.u32 $0x6, v23;
	v26 =	vor.u32 v8, v26;
	v23 =	vadd.f32 v6, v13  }
0x1a4: {  	v5 =	vld [tilespmem:s9+$0x20];
	v31 =	vadd.f32 v19, v13;
	v28 =	vor.u32 v9, v28  }
0x1a5: {  	v19 =	vadd.s32 v10, v16;
	v6 =	vld [tilespmem:s9+$0x30];
	[tilespmem:v24+s31+$0x0] =	vst.idx.msk $0xffff, v23  }
0x1a6: {  	v10 =	vmul.u32 $0x480, v12;
	v12 =	vmul.u32 $0x90, v21;
	v16 =	vadd.f32 v25, v13;
	[tilespmem:v22+s31+$0x0] =	vst.idx.msk $0xffff, v31;
	v21 =	vld [tilespmem:s8+$0x50]  }
0x1a7: {  	v15 =	vmul.u32 $0x480, v15;
	v23 =	vadd.f32 v27, v13;
	v24 =	vadd.s32 v19, v11;
	v22 =	vld [tilespmem:s8+$0xFFFFFF90]  }
0x1a8: {  	v25 =	vmul.u32 $0x90, v29;
	v27 =	vadd.s32 v19, v18;
	[tilespmem:v26+s31+$0x0] =	vst.idx.msk $0xffff, v16;
	v24 =	vor.u32 v14, v24  }
0x1a9: {  	v16 =	vadd.s32 v10, v12;
	v26 =	vor.u32 v20, v27;
	v27 =	vld [tilespmem:s8+$0xFFFFFFD0];
	[tilespmem:v28+s31+$0x0] =	vst.idx.msk $0xffff, v23  }
0x1aa: {  	s16 =	simm.s32 $0x4;
	v10 =	vadd.s32 v15, v25;
	v12 =	vadd.s32 v19, v30;
	v25 =	vadd.s32 v19, v35;
	v23 =	vld [tilespmem:s8+$0x10]  }
0x1ab: {  	v28 =	vmov s16;
	v29 =	vor.u32 v8, v12;
	v21 =	vadd.f32 v21, v7  }
0x1ac: {  	s18 =	simm.s32 $0x5;
	v33 =	vor.u32 v9, v25;
	v31 =	vadd.s32 v16, v18;
	v22 =	vadd.f32 v22, v7  }
0x1ad: {  	v18 =	vadd.s32 v10, v18;
	v25 =	vmov s18;
	v15 =	vand.u32 $0x4, v28;
	[tilespmem:v24+s31+$0x0] =	vst.idx.msk $0xffff, v21  }
0x1ae: {  	v12 =	vand.u32 $0x78, v28;
	v18 =	vor.u32 v20, v18;
	[tilespmem:v26+s31+$0x0] =	vst.idx.msk $0xffff, v22;
	v22 =	vadd.f32 v27, v7;
	v28 =	vld [tilespmem:s8+$0x60]  }
0x1af: {  	s20 =	simm.s32 $0x6;
	v32 =	vadd.s32 v17, v12;
	v34 =	vadd.f32 v23, v7;
	v23 =	vadd.s32 v16, v11;
	v27 =	vld [tilespmem:s8+$0xFFFFFFA0]  }
0x1b0: {  	v21 =	vadd.s32 v19, v12;
	v26 =	vmov s20;
	[tilespmem:v29+s31+$0x0] =	vst.idx.msk $0xffff, v22;
	v29 =	vor.u32 v14, v23  }
0x1b1: {  	v24 =	vor.u32 v20, v31;
	v20 =	vadd.s32 v10, v30;
	v23 =	vand.u32 $0x78, v25;
	[tilespmem:v33+s31+$0x0] =	vst.idx.msk $0xffff, v34;
	v31 =	vld [tilespmem:s8+$0xFFFFFFE0]  }
0x1b2: {  	s9 =	simm.s32 $0x7B00;
	s18 =	simm.s32 $0x7;
	s16 =	simm.s32 $0x8;
	v34 =	vadd.s32 v16, v30;
	v33 =	vadd.s32 v16, v35;
	v22 =	vadd.s32 v10, v35;
	v30 =	vld [tilespmem:s8+$0x20]  }
.LBB2_20:
0x1b3: {  	p3 =	slt.u32 s16, $0x7C;
	v35 =	vmov s18;
	v34 =	vor.u32 v8, v34;
	v28 =	vadd.f32 v28, v5;
	s8 =	sadd.s32 $0x100, s8;
	v36 =	vmovc v23  }
0x1b4: {  	v33 =	vor.u32 v9, v33;
	v23 =	vld [tilespmem:s8+$0x40];
	v37 =	vand.u32 $0x78, v35;
	v27 =	vadd.f32 v27, v5  }
0x1b5: {  	v32 =	vor.u32 v15, v32;
	v35 =	vand.u32 $0x7, v35;
	v38 =	vld [tilespmem:s8+$0xFFFFFF80];
	v39 =	vadd.s32 v17, v37;
	[tilespmem:v29+s31+$0x0] =	vst.idx.msk $0xffff, v28  }
0x1b6: {  	v40 =	vand.u32 $0x78, v26;
	v28 =	vor.u32 v35, v39;
	[tilespmem:v24+s31+$0x0] =	vst.idx.msk $0xffff, v27;
	v24 =	vadd.f32 v31, v5;
	v27 =	vld [tilespmem:s9+$0x70]  }
0x1b7: {  	v31 =	vadd.s32 v17, v36;
	v39 =	vadd.s32 v10, v11;
	v11 =	vmovc v37;
	v29 =	vld [tilespmem:s8+$0xFFFFFFC0];
	v30 =	vadd.f32 v30, v5  }
0x1b8: {  	v25 =	vand.u32 $0x5, v25;
	v41 =	vadd.s32 v17, v40;
	v37 =	vld [tilespmem:s8+$0x0];
	[tilespmem:v34+s31+$0x0] =	vst.idx.msk $0xffff, v24;
	v24 =	vor.u32 v14, v39  }
0x1b9: {  	v26 =	vand.u32 $0x6, v26;
	v31 =	vor.u32 v25, v31;
	v23 =	vadd.f32 v23, v13;
	v34 =	vld [tilespmem:s9+$0xFFFFFFF0];
	[tilespmem:v33+s31+$0x0] =	vst.idx.msk $0xffff, v30  }
0x1ba: {  	v14 =	vmovc v35;
	v33 =	vor.u32 v15, v21;
	v21 =	vor.u32 v26, v41;
	v30 =	vadd.f32 v38, v13;
	v38 =	vld [tilespmem:s9+$0x30]  }
0x1bb: {  	v20 =	vor.u32 v8, v20;
	v8 =	vmov v25;
	[tilespmem:v28+s31+$0x0] =	vst.idx.msk $0xffff, v23;
	v23 =	vld [tilespmem:s9+$0xFFFFFFB0];
	v27 =	vadd.f32 v27, v6;
	s9 =	smov.u32 s8  }
0x1bc: {  	v22 =	vor.u32 v9, v22;
	v9 =	vmov v26;
	[tilespmem:v32+s31+$0x0] =	vst.idx.msk $0xffff, v30;
	v25 =	vadd.f32 v29, v13;
	v28 =	vld [tilespmem:s8+$0x50]  }
0x1bd: {  	v30 =	vadd.s32 v19, v11;
	v26 =	vld [tilespmem:s8+$0xFFFFFF90];
	v29 =	vadd.f32 v37, v13;
	[tilespmem:v24+s31+$0x0] =	vst.idx.msk $0xffff, v27  }
0x1be: {  	v24 =	vor.u32 v14, v30;
	[tilespmem:v31+s31+$0x0] =	vst.idx.msk $0xffff, v25;
	v25 =	vadd.f32 v34, v6  }
0x1bf: {  	v30 =	vadd.s32 v19, v36;
	v27 =	vld [tilespmem:s8+$0xFFFFFFD0];
	[tilespmem:v21+s31+$0x0] =	vst.idx.msk $0xffff, v29;
	v21 =	vadd.f32 v38, v6  }
0x1c0: {  	v31 =	vadd.s32 v19, v40;
	v29 =	vld [tilespmem:s8+$0x10];
	v23 =	vadd.f32 v23, v6;
	[tilespmem:v20+s31+$0x0] =	vst.idx.msk $0xffff, v25  }
0x1c1: {  	v30 =	vor.u32 v8, v30;
	v20 =	vmov s16;
	v25 =	vadd.f32 v28, v7;
	[tilespmem:v22+s31+$0x0] =	vst.idx.msk $0xffff, v21  }
0x1c2: {  	v34 =	vor.u32 v9, v31;
	v35 =	vand.u32 $0x4, v20;
	v22 =	vadd.f32 v26, v7;
	[tilespmem:v18+s31+$0x0] =	vst.idx.msk $0xffff, v23  }
0x1c3: {  	s18 =	sadd.s32 $0x1, s16;
	v31 =	vadd.s32 v16, v12;
	v18 =	vadd.s32 v10, v12;
	v12 =	vand.u32 $0x78, v20;
	[tilespmem:v24+s31+$0x0] =	vst.idx.msk $0xffff, v25  }
.Ltmp10:
0x1c4: {  	v21 =	vadd.s32 v19, v12;
	v25 =	vmov s18;
	[tilespmem:v33+s31+$0x0] =	vst.idx.msk $0xffff, v22;
	v20 =	vadd.f32 v27, v7;
	v28 =	vld [tilespmem:s8+$0x60];
	(pc) =	sbr.rel @p3 .LBB2_20-.Ltmp10, $4  }
0x1c5: {  	v23 =	vadd.s32 v16, v11;
	v32 =	vadd.s32 v17, v12;
	s18 =	sadd.s32 $0x2, s16;
	v27 =	vld [tilespmem:s8+$0xFFFFFFA0];
	v22 =	vadd.f32 v29, v7  }
0x1c6: {  	v18 =	vor.u32 v15, v18;
	v26 =	vmov s18;
	v29 =	vor.u32 v14, v23;
	[tilespmem:v30+s31+$0x0] =	vst.idx.msk $0xffff, v20  }
0x1c7: {  	v24 =	vor.u32 v15, v31;
	v23 =	vand.u32 $0x78, v25;
	v20 =	vadd.s32 v10, v36;
	v31 =	vld [tilespmem:s8+$0xFFFFFFE0];
	[tilespmem:v34+s31+$0x0] =	vst.idx.msk $0xffff, v22  }
0x1c8: {  	v15 =	vmovc v35;
	s18 =	sadd.s32 $0x3, s16;
	s16 =	sadd.s32 $0x4, s16;
	v33 =	vadd.s32 v16, v40;
	v34 =	vadd.s32 v16, v36;
	v22 =	vadd.s32 v10, v40;
	v30 =	vld [tilespmem:s8+$0x20]  }
0x1c9: {  	v35 =	vmov s18;
	s8 =	sadd.s32 $0x100, s8  }
0x1ca: {  	v36 =	vld [tilespmem:s8+$0x40];
	v37 =	vand.u32 $0x78, v35  }
0x1cb: {  	v39 =	vand.u32 $0x78, v26;
	v35 =	vand.u32 $0x7, v35;
	v40 =	vld [tilespmem:s8+$0xFFFFFFC0];
	v38 =	vadd.s32 v17, v37  }
0x1cc: {  	v41 =	vadd.s32 v17, v23;
	v25 =	vand.u32 $0x5, v25;
	v42 =	vld [tilespmem:s8+$0x0];
	v38 =	vor.u32 v35, v38  }
0x1cd: {  	v26 =	vand.u32 $0x6, v26;
	v43 =	vld [tilespmem:s8+$0xFFFFFF80];
	v52 =	vadd.s32 v17, v39;
	v41 =	vor.u32 v25, v41  }
0x1ce: {  	v17 =	vor.u32 v26, v52  }
0x1cf: {  	v32 =	vor.u32 v15, v32;
	v36 =	vadd.f32 v36, v13  }
0x1d0: {  	v40 =	vadd.f32 v40, v13  }
0x1d1: {  	v53 =	vadd.f32 v42, v13;
	[tilespmem:v38+s31+$0x0] =	vst.idx.msk $0xffff, v36  }
0x1d2: {  	v54 =	vadd.f32 v43, v13;
	[tilespmem:v41+s31+$0x0] =	vst.idx.msk $0xffff, v40;
	v38 =	vld [tilespmem:s8+$0x50]  }
0x1d3: {  	v34 =	vor.u32 v8, v34;
	v55 =	vadd.s32 v19, v37;
	[tilespmem:v17+s31+$0x0] =	vst.idx.msk $0xffff, v53;
	v56 =	vld [tilespmem:s8+$0xFFFFFFD0]  }
0x1d4: {  	v58 =	vadd.s32 v19, v23;
	v57 =	vor.u32 v35, v55;
	[tilespmem:v32+s31+$0x0] =	vst.idx.msk $0xffff, v54;
	v36 =	vld [tilespmem:s8+$0x10]  }
0x1d5: {  	v28 =	vadd.f32 v28, v5;
	v60 =	vadd.s32 v19, v39;
	v32 =	vor.u32 v25, v58;
	v59 =	vld [tilespmem:s8+$0xFFFFFF90]  }
0x1d6: {  	v21 =	vor.u32 v15, v21;
	v62 =	vor.u32 v9, v33;
	v19 =	vor.u32 v26, v60  }
0x1d7: {  	v11 =	vadd.s32 v10, v11;
	v46 =	vadd.s32 v16, v12;
	v61 =	vadd.f32 v38, v7  }
0x1d8: {  	v48 =	vor.u32 v8, v20;
	[tilespmem:v29+s31+$0x0] =	vst.idx.msk $0xffff, v28;
	v17 =	vadd.f32 v56, v7  }
0x1d9: {  	v50 =	vor.u32 v9, v22;
	v63 =	vld [tilespmem:s9+$0x70];
	v38 =	vadd.f32 v36, v7;
	[tilespmem:v57+s31+$0x0] =	vst.idx.msk $0xffff, v61  }
0x1da: {  	v44 =	vadd.s32 v16, v39;
	v7 =	vadd.f32 v59, v7;
	[tilespmem:v32+s31+$0x0] =	vst.idx.msk $0xffff, v17;
	v28 =	vld [tilespmem:s8+$0x60]  }
0x1db: {  	v31 =	vadd.f32 v31, v5;
	v40 =	vadd.s32 v16, v37;
	[tilespmem:v19+s31+$0x0] =	vst.idx.msk $0xffff, v38;
	v17 =	vld [tilespmem:s8+$0xFFFFFFE0]  }
0x1dc: {  	v41 =	vadd.s32 v16, v23;
	[tilespmem:v21+s31+$0x0] =	vst.idx.msk $0xffff, v7;
	v7 =	vor.u32 v35, v40;
	v42 =	vld [tilespmem:s8+$0x20]  }
0x1dd: {  	v30 =	vadd.f32 v30, v5;
	[tilespmem:v34+s31+$0x0] =	vst.idx.msk $0xffff, v31;
	v13 =	vor.u32 v25, v41;
	v43 =	vld [tilespmem:s8+$0xFFFFFFA0]  }
0x1de: {  	v27 =	vadd.f32 v27, v5;
	v11 =	vor.u32 v14, v11;
	v31 =	vld [tilespmem:s9+$0xFFFFFFF0];
	v21 =	vor.u32 v26, v44  }
0x1df: {  	[tilespmem:v62+s31+$0x0] =	vst.idx.msk $0xffff, v30;
	v16 =	vor.u32 v15, v46;
	v47 =	vadd.f32 v28, v5  }
0x1e0: {  	v60 =	vadd.s32 v10, v12;
	[tilespmem:v24+s31+$0x0] =	vst.idx.msk $0xffff, v27;
	v29 =	vld [tilespmem:s9+$0x30];
	v49 =	vadd.f32 v17, v5  }
0x1e1: {  	v27 =	vld [tilespmem:s9+$0xFFFFFFB0];
	v45 =	vadd.f32 v63, v6;
	[tilespmem:v7+s31+$0x0] =	vst.idx.msk $0xffff, v47;
	v7 =	vadd.f32 v42, v5  }
0x1e2: {  	v54 =	vadd.s32 v10, v37;
	v5 =	vadd.f32 v43, v5;
	[tilespmem:v13+s31+$0x0] =	vst.idx.msk $0xffff, v49;
	v52 =	vld [tilespmem:s8+$0x70]  }
0x1e3: {  	v58 =	vadd.s32 v10, v39;
	v51 =	vadd.f32 v31, v6;
	v55 =	vld [tilespmem:s8+$0xFFFFFFF0];
	[tilespmem:v21+s31+$0x0] =	vst.idx.msk $0xffff, v7  }
0x1e4: {  	v7 =	vadd.s32 v10, v23;
	[tilespmem:v16+s31+$0x0] =	vst.idx.msk $0xffff, v5;
	v5 =	vor.u32 v35, v54;
	v56 =	vld [tilespmem:s8+$0x30]  }
0x1e5: {  	[tilespmem:v11+s31+$0x0] =	vst.idx.msk $0xffff, v45;
	v53 =	vadd.f32 v29, v6;
	v59 =	vld [tilespmem:s8+$0xFFFFFFB0];
	v7 =	vor.u32 v25, v7  }
0x1e6: {  	[tilespmem:v48+s31+$0x0] =	vst.idx.msk $0xffff, v51;
	v57 =	vadd.f32 v27, v6;
	v61 =	vor.u32 v26, v58  }
0x1e7: {  	v8 =	vor.u32 v15, v60;
	[tilespmem:v50+s31+$0x0] =	vst.idx.msk $0xffff, v53;
	v62 =	vadd.f32 v52, v6  }
0x1e8: {  	[tilespmem:v18+s31+$0x0] =	vst.idx.msk $0xffff, v57;
	v63 =	vadd.f32 v55, v6  }
0x1e9: {  	s18 =	sshll.u32 s12, $0x12;
	[tilespmem:v5+s31+$0x0] =	vst.idx.msk $0xffff, v62;
	v5 =	vadd.f32 v56, v6  }
0x1ea: {  	s8 =	sor.u32 s5, s18;
	v6 =	vadd.f32 v59, v6;
	[tilespmem:v7+s31+$0x0] =	vst.idx.msk $0xffff, v63  }
0x1eb: {  	s8 =	sshrl.u32 s8, $0x3;
	[tilespmem:v61+s31+$0x0] =	vst.idx.msk $0xffff, v5  }
0x1ec: {  	s20 =	simm.s32 $0x12280;
	s9 =	sadd.s32 s3, s8;
	[tilespmem:v8+s31+$0x0] =	vst.idx.msk $0xffff, v6  }
0x1ed: {  	[hbm4b:s9+s4] =	stream.linear.scatter [tilespmem:s20], [sflag:$0x9], $0x80, $0x38;
	[tilespmem:$0x18E80] =	vst v63  }
0x1ee: {  	s12 =	simm.s32 $0x12310;
	s16 =	sadd.s32 $0x10, s9  }
0x1ef: {  	[hbm4b:s16+s4] =	stream.linear.scatter [tilespmem:s12], [sflag:$0x9], $0x80, $0x38;
	[tilespmem:$0x18E80] =	vst v63  }
0x1f0: {  	s18 =	simm.s32 $0x123A0;
	s20 =	sadd.s32 $0x20, s9  }
0x1f1: {  	[hbm4b:s20+s4] =	stream.linear.scatter [tilespmem:s18], [sflag:$0x9], $0x80, $0x38;
	[tilespmem:$0x18E80] =	vst v63  }
0x1f2: {  	s12 =	simm.s32 $0x12430;
	s16 =	sadd.s32 $0x30, s9  }
0x1f3: {  	[hbm4b:s16+s4] =	stream.linear.scatter [tilespmem:s12], [sflag:$0x9], $0x80, $0x38;
	[tilespmem:$0x18E80] =	vst v63  }
0x1f4: {  	s18 =	simm.s32 $0x124C0;
	s20 =	sadd.s32 $0x40, s9  }
0x1f5: {  	[hbm4b:s20+s4] =	stream.linear.scatter [tilespmem:s18], [sflag:$0x9], $0x80, $0x38;
	[tilespmem:$0x18E80] =	vst v63  }
0x1f6: {  	s8 =	simm.s32 $0x480;
	s12 =	simm.s32 $0x12550;
	s16 =	sadd.s32 $0x50, s9  }
0x1f7: {  	[hbm4b:s16+s4] =	stream.linear.scatter [tilespmem:s12], [sflag:$0x9], $0x80, $0x38;
	[tilespmem:$0x18E80] =	vst v63  }
0x1f8: {  	s18 =	simm.s32 $0x125E0;
	s20 =	sadd.s32 $0x60, s9;
	s12 =	simm.s32 $0x2400  }
0x1f9: {  	[hbm4b:s20+s4] =	stream.linear.scatter [tilespmem:s18], [sflag:$0x9], $0x80, $0x38;
	[tilespmem:$0x18E80] =	vst v63  }
0x1fa: {  	s16 =	simm.s32 $0x12670;
	s18 =	sadd.s32 $0x70, s9;
	s9 =	sadd.s32 $0x1000, s9  }
.LBB2_22:
0x1fb: {  	[hbm4b:s18+s4] =	stream.linear.scatter [tilespmem:s16], [sflag:$0x9], $0x80, $0x38;
	[tilespmem:$0x18E80] =	vst v63  }
0x1fc: {  	s16 =	smov.u32 s8;
	s8 =	smov.u32 s12  }
0x1fd: {  	s20 =	sadd.s32 $0x1200, s12;
	s8 =	sshra.s32 s8, $0x2;
	s18 =	sadd.s32 $0x12280, s16  }
0x1fe: {  	[hbm4b:s9+s4] =	stream.linear.scatter [tilespmem:s18], [sflag:$0x9], $0x80, $0x38;
	[tilespmem:$0x18E80] =	vst v63  }
0x1ff: {  	p3 =	sne.s32 s12, $0x7E00;
	s12 =	sadd.s32 $0x12310, s16;
	s18 =	sadd.s32 $0x10, s9  }
0x200: {  	[hbm4b:s18+s4] =	stream.linear.scatter [tilespmem:s12], [sflag:$0x9], $0x80, $0x38;
	[tilespmem:$0x18E80] =	vst v63  }
0x201: {  	s12 =	sadd.s32 $0x123A0, s16;
	s18 =	sadd.s32 $0x20, s9  }
0x202: {  	[hbm4b:s18+s4] =	stream.linear.scatter [tilespmem:s12], [sflag:$0x9], $0x80, $0x38;
	[tilespmem:$0x18E80] =	vst v63  }
0x203: {  	s12 =	sadd.s32 $0x12430, s16;
	s18 =	sadd.s32 $0x30, s9  }
0x204: {  	[hbm4b:s18+s4] =	stream.linear.scatter [tilespmem:s12], [sflag:$0x9], $0x80, $0x38;
	[tilespmem:$0x18E80] =	vst v63  }
0x205: {  	s12 =	sadd.s32 $0x124C0, s16;
	s18 =	sadd.s32 $0x40, s9  }
0x206: {  	[hbm4b:s18+s4] =	stream.linear.scatter [tilespmem:s12], [sflag:$0x9], $0x80, $0x38;
	[tilespmem:$0x18E80] =	vst v63  }
.Ltmp11:
0x207: {  	s12 =	sadd.s32 $0x12550, s16;
	s18 =	sadd.s32 $0x50, s9;
	(pc) =	sbr.rel @p3 .LBB2_22-.Ltmp11, $4  }
0x208: {  	[hbm4b:s18+s4] =	stream.linear.scatter [tilespmem:s12], [sflag:$0x9], $0x80, $0x38;
	[tilespmem:$0x18E80] =	vst v63  }
0x209: {  	s12 =	sadd.s32 $0x125E0, s16;
	s18 =	sadd.s32 $0x60, s9;
	s16 =	sadd.s32 $0x12670, s16  }
0x20a: {  	[hbm4b:s18+s4] =	stream.linear.scatter [tilespmem:s12], [sflag:$0x9], $0x80, $0x38;
	[tilespmem:$0x18E80] =	vst v63  }
0x20b: {  	s18 =	sadd.s32 $0x70, s9;
	s9 =	sadd.s32 $0x1000, s9;
	s12 =	smov.u32 s20  }
0x20c: {  	[hbm4b:s18+s4] =	stream.linear.scatter [tilespmem:s16], [sflag:$0x9], $0x80, $0x38;
	[tilespmem:$0x18E80] =	vst v63  }
0x20d: {  	s12 =	sadd.s32 $0x12280, s8  }
0x20e: {  	[hbm4b:s9+s4] =	stream.linear.scatter [tilespmem:s12], [sflag:$0x9], $0x80, $0x38;
	[tilespmem:$0x18E80] =	vst v63  }
0x20f: {  	s18 =	sadd.s32 $0x12310, s8;
	s20 =	sadd.s32 $0x10, s9  }
0x210: {  	[hbm4b:s20+s4] =	stream.linear.scatter [tilespmem:s18], [sflag:$0x9], $0x80, $0x38;
	[tilespmem:$0x18E80] =	vst v63  }
0x211: {  	s18 =	sadd.s32 $0x123A0, s8;
	s20 =	sadd.s32 $0x20, s9  }
0x212: {  	[hbm4b:s20+s4] =	stream.linear.scatter [tilespmem:s18], [sflag:$0x9], $0x80, $0x38;
	[tilespmem:$0x18E80] =	vst v63  }
0x213: {  	s18 =	sadd.s32 $0x12430, s8;
	s20 =	sadd.s32 $0x30, s9  }
0x214: {  	[hbm4b:s20+s4] =	stream.linear.scatter [tilespmem:s18], [sflag:$0x9], $0x80, $0x38;
	[tilespmem:$0x18E80] =	vst v63  }
0x215: {  	s18 =	sadd.s32 $0x124C0, s8;
	s20 =	sadd.s32 $0x40, s9  }
0x216: {  	[hbm4b:s20+s4] =	stream.linear.scatter [tilespmem:s18], [sflag:$0x9], $0x80, $0x38;
	[tilespmem:$0x18E80] =	vst v63  }
0x217: {  	s18 =	sadd.s32 $0x12550, s8;
	s20 =	sadd.s32 $0x50, s9  }
0x218: {  	[hbm4b:s20+s4] =	stream.linear.scatter [tilespmem:s18], [sflag:$0x9], $0x80, $0x38;
	[tilespmem:$0x18E80] =	vst v63  }
0x219: {  	s18 =	sadd.s32 $0x125E0, s8;
	s20 =	sadd.s32 $0x60, s9  }
0x21a: {  	[hbm4b:s20+s4] =	stream.linear.scatter [tilespmem:s18], [sflag:$0x9], $0x80, $0x38;
	[tilespmem:$0x18E80] =	vst v63  }
0x21b: {  	s18 =	sadd.s32 $0x12670, s8;
	s8 =	sadd.s32 $0x6, s11  }
0x21c: {  	s20 =	sadd.s32 $0x70, s9;
	s9 =	sand.u32 $0x7, s8  }
0x21d: {  	p3 =	sne.s32 @!p1 s9, $0x0  }
0x21e: {  	p3 =	por p1, p3  }
.Ltmp12:
0x21f: {  	_ = 	snop;
	(pc) =	sbr.rel @p3 .LBB2_25-.Ltmp12, $2  }
0x220: {  	_ =	sdelay $0x2  }
0x221: {  	[hbm4b:s20+s4] =	stream.linear.scatter [tilespmem:s18], [sflag:$0x9], $0x80, $0x38;
	[tilespmem:$0x18E80] =	vst v63  }
0x222: {  	_ =	swait.ge [sflag:s13], $0x400  }
0x223: {  	[sflag:s13] =	ssyncset.done $0x0  }
0x224: {  	[sflag:s13] =	ssyncadd.s32 $0xFFFFFC00  }
.LBB2_26:
0x225: {  	s8 =	sshll.u32 s8, $0x7  }
0x226: {  	s8 =	sand.u32 $0x780, s8  }
0x227: {  	s9 =	simm.s32 $0x5A80;
	s8 =	sadd.s32 $0x3280, s8  }
0x228: {  	[tilespmem:s9], [sflag:$0x3] =	stream.indirect.gather [hbm4b:s6+s15], $0x40, s8, s15, $0xb8;
	[tilespmem:$0x18E80] =	vst v63  }
.LBB2_27:
0x229: {  	s12 =	sadd.s32 $0x3, s11  }
0x22a: {  	s8 =	sand.u32 $0x7, s12  }
0x22b: {  	p3 =	sne.s32 @!p2 s8, $0x0  }
0x22c: {  	p3 =	por p3, p2  }
0x22d: {  	s8 =	sshrl.u32 @!p3 s12, $0x3  }
0x22e: {  	s8 =	sadd.s32 @!p3 $0x1, s8  }
0x22f: {  	_ =	swait.ge [sflag:s0], $0x2000;
	s9 =	sshll.u32 @!p3 s8, $0xF  }
0x230: {  	[sflag:s0] =	ssyncset.done $0x0;
	s8 =	sshll.u32 @!p3 s8, $0xA;
	s9 =	sor.u32 @!p3 s5, s9  }
0x231: {  	[sflag:s0] =	ssyncadd.s32 $0xFFFFE000;
	s8 =	sand.u32 @!p3 $0x400, s8;
	s9 =	sshrl.u32 @!p3 s9, $0x3  }
0x232: {  	s16 =	simm.s32 @!p3 $0x0;
	s8 =	sor.u32 @!p3 $0x3280, s8;
	s9 =	sadd.s32 @!p3 s1, s9  }
0x233: {  	[tilespmem:s8], [sflag:$0x1] =	stream.linear.gather @!p3 [hbm4b:s9+s16], $0x400, $0x38;
	[tilespmem:$0x18E80] =	vst v63  }
0x234: {  	s8 =	simm.s32 @!p0 $0xA  }
0x235: {  	_ =	swait.ge @!p0 [sflag:s8], $0x2000  }
0x236: {  	[sflag:s8] =	ssyncset.done @!p0 $0x0  }
0x237: {  	[sflag:s8] =	ssyncadd.s32 @!p0 $0xFFFFE000  }
0x238: {  	v5 =	vld [tilespmem:$0x3200]  }
0x239: {  	v6 =	vld [tilespmem:$0x3240];
	_ =	sdelay $0x1  }
0x23a: {  	v9 =	vld [tilespmem:$0x3250]  }
0x23b: {  	s18 =	sshll.u32 s12, $0x6;
	v8 =	vld [tilespmem:$0x3210]  }
0x23c: {  	s9 =	sand.u32 $0x3FFFFFC0, s18  }
0x23d: {  	v13 =	vld [tilespmem:s9+$0x0];
	v10 =	vmul.u32 $0x480, v5;
	v6 =	vmul.u32 $0x90, v6  }
0x23e: {  	v7 =	vld [tilespmem:s9+$0x10]  }
0x23f: {  	s20 =	simm.s32 $0x0;
	s18 =	simm.s32 $0x3;
	v12 =	vld [tilespmem:$0x3220];
	v16 =	vmul.u32 $0x90, v9;
	v17 =	vadd.s32 v10, v6  }
0x240: {  	s8 =	simm.s32 $0x9B00;
	v15 =	vld [tilespmem:$0x3230];
	v10 =	vmul.u32 $0x480, v8;
	v6 =	vmov s20;
	v8 =	vmov s18  }
0x241: {  	s18 =	simm.s32 $0x1;
	v20 =	vand.u32 $0x4, v6;
	v18 =	vand.u32 $0x78, v6;
	v6 =	vld [tilespmem:s8+$0x40];
	v11 =	vand.u32 $0x78, v8  }
0x242: {  	v19 =	vld [tilespmem:s8+$0xFFFFFF80];
	s20 =	simm.s32 $0x2;
	v9 =	vmov s18;
	v14 =	vand.u32 $0x7, v8;
	v8 =	vadd.s32 v17, v11  }
0x243: {  	v21 =	vld [tilespmem:$0x3260];
	v23 =	vmov s20;
	v22 =	vadd.s32 v17, v18;
	v24 =	vor.u32 v14, v8  }
0x244: {  	v25 =	vld [tilespmem:s8+$0xFFFFFFC0];
	v30 =	vand.u32 $0x78, v9;
	v35 =	vand.u32 $0x78, v23;
	v22 =	vor.u32 v20, v22  }
0x245: {  	v27 =	vld [tilespmem:s8+$0x0];
	v26 =	vadd.s32 v17, v30;
	v8 =	vand.u32 $0x5, v9;
	v28 =	vadd.s32 v17, v35  }
0x246: {  	v29 =	vld [tilespmem:$0x3270];
	v9 =	vand.u32 $0x6, v23;
	v26 =	vor.u32 v8, v26;
	v23 =	vadd.f32 v6, v13  }
0x247: {  	v5 =	vld [tilespmem:s9+$0x20];
	v31 =	vadd.f32 v19, v13;
	v28 =	vor.u32 v9, v28  }
0x248: {  	v19 =	vadd.s32 v10, v16;
	v6 =	vld [tilespmem:s9+$0x30];
	[tilespmem:v24+s2+$0x0] =	vst.idx.msk $0xffff, v23  }
0x249: {  	v10 =	vmul.u32 $0x480, v12;
	v12 =	vmul.u32 $0x90, v21;
	v16 =	vadd.f32 v25, v13;
	[tilespmem:v22+s2+$0x0] =	vst.idx.msk $0xffff, v31;
	v21 =	vld [tilespmem:s8+$0x50]  }
0x24a: {  	v15 =	vmul.u32 $0x480, v15;
	v23 =	vadd.f32 v27, v13;
	v24 =	vadd.s32 v19, v11;
	v22 =	vld [tilespmem:s8+$0xFFFFFF90]  }
0x24b: {  	v25 =	vmul.u32 $0x90, v29;
	v27 =	vadd.s32 v19, v18;
	[tilespmem:v26+s2+$0x0] =	vst.idx.msk $0xffff, v16;
	v24 =	vor.u32 v14, v24  }
0x24c: {  	v16 =	vadd.s32 v10, v12;
	v26 =	vor.u32 v20, v27;
	v27 =	vld [tilespmem:s8+$0xFFFFFFD0];
	[tilespmem:v28+s2+$0x0] =	vst.idx.msk $0xffff, v23  }
0x24d: {  	s16 =	simm.s32 $0x4;
	v10 =	vadd.s32 v15, v25;
	v12 =	vadd.s32 v19, v30;
	v25 =	vadd.s32 v19, v35;
	v23 =	vld [tilespmem:s8+$0x10]  }
0x24e: {  	v28 =	vmov s16;
	v29 =	vor.u32 v8, v12;
	v21 =	vadd.f32 v21, v7  }
0x24f: {  	s18 =	simm.s32 $0x5;
	v33 =	vor.u32 v9, v25;
	v31 =	vadd.s32 v16, v18;
	v22 =	vadd.f32 v22, v7  }
0x250: {  	v18 =	vadd.s32 v10, v18;
	v25 =	vmov s18;
	v15 =	vand.u32 $0x4, v28;
	[tilespmem:v24+s2+$0x0] =	vst.idx.msk $0xffff, v21  }
0x251: {  	v12 =	vand.u32 $0x78, v28;
	v18 =	vor.u32 v20, v18;
	[tilespmem:v26+s2+$0x0] =	vst.idx.msk $0xffff, v22;
	v22 =	vadd.f32 v27, v7;
	v28 =	vld [tilespmem:s8+$0x60]  }
0x252: {  	s20 =	simm.s32 $0x6;
	v32 =	vadd.s32 v17, v12;
	v34 =	vadd.f32 v23, v7;
	v23 =	vadd.s32 v16, v11;
	v27 =	vld [tilespmem:s8+$0xFFFFFFA0]  }
0x253: {  	v21 =	vadd.s32 v19, v12;
	v26 =	vmov s20;
	[tilespmem:v29+s2+$0x0] =	vst.idx.msk $0xffff, v22;
	v29 =	vor.u32 v14, v23  }
0x254: {  	v24 =	vor.u32 v20, v31;
	v20 =	vadd.s32 v10, v30;
	v23 =	vand.u32 $0x78, v25;
	[tilespmem:v33+s2+$0x0] =	vst.idx.msk $0xffff, v34;
	v31 =	vld [tilespmem:s8+$0xFFFFFFE0]  }
0x255: {  	s9 =	simm.s32 $0x9B00;
	s18 =	simm.s32 $0x7;
	s16 =	simm.s32 $0x8;
	v34 =	vadd.s32 v16, v30;
	v33 =	vadd.s32 v16, v35;
	v22 =	vadd.s32 v10, v35;
	v30 =	vld [tilespmem:s8+$0x20]  }
.LBB2_28:
0x256: {  	p3 =	slt.u32 s16, $0x7C;
	v35 =	vmov s18;
	v34 =	vor.u32 v8, v34;
	v28 =	vadd.f32 v28, v5;
	s8 =	sadd.s32 $0x100, s8;
	v36 =	vmovc v23  }
0x257: {  	v33 =	vor.u32 v9, v33;
	v23 =	vld [tilespmem:s8+$0x40];
	v37 =	vand.u32 $0x78, v35;
	v27 =	vadd.f32 v27, v5  }
0x258: {  	v32 =	vor.u32 v15, v32;
	v35 =	vand.u32 $0x7, v35;
	v38 =	vld [tilespmem:s8+$0xFFFFFF80];
	v39 =	vadd.s32 v17, v37;
	[tilespmem:v29+s2+$0x0] =	vst.idx.msk $0xffff, v28  }
0x259: {  	v40 =	vand.u32 $0x78, v26;
	v28 =	vor.u32 v35, v39;
	[tilespmem:v24+s2+$0x0] =	vst.idx.msk $0xffff, v27;
	v24 =	vadd.f32 v31, v5;
	v27 =	vld [tilespmem:s9+$0x70]  }
0x25a: {  	v31 =	vadd.s32 v17, v36;
	v39 =	vadd.s32 v10, v11;
	v11 =	vmovc v37;
	v29 =	vld [tilespmem:s8+$0xFFFFFFC0];
	v30 =	vadd.f32 v30, v5  }
0x25b: {  	v25 =	vand.u32 $0x5, v25;
	v41 =	vadd.s32 v17, v40;
	v37 =	vld [tilespmem:s8+$0x0];
	[tilespmem:v34+s2+$0x0] =	vst.idx.msk $0xffff, v24;
	v24 =	vor.u32 v14, v39  }
0x25c: {  	v26 =	vand.u32 $0x6, v26;
	v31 =	vor.u32 v25, v31;
	v23 =	vadd.f32 v23, v13;
	v34 =	vld [tilespmem:s9+$0xFFFFFFF0];
	[tilespmem:v33+s2+$0x0] =	vst.idx.msk $0xffff, v30  }
0x25d: {  	v14 =	vmovc v35;
	v33 =	vor.u32 v15, v21;
	v21 =	vor.u32 v26, v41;
	v30 =	vadd.f32 v38, v13;
	v38 =	vld [tilespmem:s9+$0x30]  }
0x25e: {  	v20 =	vor.u32 v8, v20;
	v8 =	vmov v25;
	[tilespmem:v28+s2+$0x0] =	vst.idx.msk $0xffff, v23;
	v23 =	vld [tilespmem:s9+$0xFFFFFFB0];
	v27 =	vadd.f32 v27, v6;
	s9 =	smov.u32 s8  }
0x25f: {  	v22 =	vor.u32 v9, v22;
	v9 =	vmov v26;
	[tilespmem:v32+s2+$0x0] =	vst.idx.msk $0xffff, v30;
	v25 =	vadd.f32 v29, v13;
	v28 =	vld [tilespmem:s8+$0x50]  }
0x260: {  	v30 =	vadd.s32 v19, v11;
	v26 =	vld [tilespmem:s8+$0xFFFFFF90];
	v29 =	vadd.f32 v37, v13;
	[tilespmem:v24+s2+$0x0] =	vst.idx.msk $0xffff, v27  }
0x261: {  	v24 =	vor.u32 v14, v30;
	[tilespmem:v31+s2+$0x0] =	vst.idx.msk $0xffff, v25;
	v25 =	vadd.f32 v34, v6  }
0x262: {  	v30 =	vadd.s32 v19, v36;
	v27 =	vld [tilespmem:s8+$0xFFFFFFD0];
	[tilespmem:v21+s2+$0x0] =	vst.idx.msk $0xffff, v29;
	v21 =	vadd.f32 v38, v6  }
0x263: {  	v31 =	vadd.s32 v19, v40;
	v29 =	vld [tilespmem:s8+$0x10];
	v23 =	vadd.f32 v23, v6;
	[tilespmem:v20+s2+$0x0] =	vst.idx.msk $0xffff, v25  }
0x264: {  	v30 =	vor.u32 v8, v30;
	v20 =	vmov s16;
	v25 =	vadd.f32 v28, v7;
	[tilespmem:v22+s2+$0x0] =	vst.idx.msk $0xffff, v21  }
0x265: {  	v34 =	vor.u32 v9, v31;
	v35 =	vand.u32 $0x4, v20;
	v22 =	vadd.f32 v26, v7;
	[tilespmem:v18+s2+$0x0] =	vst.idx.msk $0xffff, v23  }
0x266: {  	s18 =	sadd.s32 $0x1, s16;
	v31 =	vadd.s32 v16, v12;
	v18 =	vadd.s32 v10, v12;
	v12 =	vand.u32 $0x78, v20;
	[tilespmem:v24+s2+$0x0] =	vst.idx.msk $0xffff, v25  }
.Ltmp13:
0x267: {  	v21 =	vadd.s32 v19, v12;
	v25 =	vmov s18;
	[tilespmem:v33+s2+$0x0] =	vst.idx.msk $0xffff, v22;
	v20 =	vadd.f32 v27, v7;
	v28 =	vld [tilespmem:s8+$0x60];
	(pc) =	sbr.rel @p3 .LBB2_28-.Ltmp13, $4  }
0x268: {  	v23 =	vadd.s32 v16, v11;
	v32 =	vadd.s32 v17, v12;
	s18 =	sadd.s32 $0x2, s16;
	v27 =	vld [tilespmem:s8+$0xFFFFFFA0];
	v22 =	vadd.f32 v29, v7  }
0x269: {  	v18 =	vor.u32 v15, v18;
	v26 =	vmov s18;
	v29 =	vor.u32 v14, v23;
	[tilespmem:v30+s2+$0x0] =	vst.idx.msk $0xffff, v20  }
0x26a: {  	v24 =	vor.u32 v15, v31;
	v23 =	vand.u32 $0x78, v25;
	v20 =	vadd.s32 v10, v36;
	v31 =	vld [tilespmem:s8+$0xFFFFFFE0];
	[tilespmem:v34+s2+$0x0] =	vst.idx.msk $0xffff, v22  }
0x26b: {  	v15 =	vmovc v35;
	s18 =	sadd.s32 $0x3, s16;
	s16 =	sadd.s32 $0x4, s16;
	v33 =	vadd.s32 v16, v40;
	v34 =	vadd.s32 v16, v36;
	v22 =	vadd.s32 v10, v40;
	v30 =	vld [tilespmem:s8+$0x20]  }
0x26c: {  	v35 =	vmov s18;
	s8 =	sadd.s32 $0x100, s8  }
0x26d: {  	v36 =	vld [tilespmem:s8+$0x40];
	v37 =	vand.u32 $0x78, v35  }
0x26e: {  	v39 =	vand.u32 $0x78, v26;
	v35 =	vand.u32 $0x7, v35;
	v40 =	vld [tilespmem:s8+$0xFFFFFFC0];
	v38 =	vadd.s32 v17, v37  }
0x26f: {  	v41 =	vadd.s32 v17, v23;
	v25 =	vand.u32 $0x5, v25;
	v42 =	vld [tilespmem:s8+$0x0];
	v38 =	vor.u32 v35, v38  }
0x270: {  	v26 =	vand.u32 $0x6, v26;
	v43 =	vld [tilespmem:s8+$0xFFFFFF80];
	v52 =	vadd.s32 v17, v39;
	v41 =	vor.u32 v25, v41  }
0x271: {  	v17 =	vor.u32 v26, v52  }
0x272: {  	v32 =	vor.u32 v15, v32;
	v36 =	vadd.f32 v36, v13  }
0x273: {  	v40 =	vadd.f32 v40, v13  }
0x274: {  	v53 =	vadd.f32 v42, v13;
	[tilespmem:v38+s2+$0x0] =	vst.idx.msk $0xffff, v36  }
0x275: {  	v54 =	vadd.f32 v43, v13;
	[tilespmem:v41+s2+$0x0] =	vst.idx.msk $0xffff, v40;
	v38 =	vld [tilespmem:s8+$0x50]  }
0x276: {  	v34 =	vor.u32 v8, v34;
	v55 =	vadd.s32 v19, v37;
	[tilespmem:v17+s2+$0x0] =	vst.idx.msk $0xffff, v53;
	v56 =	vld [tilespmem:s8+$0xFFFFFFD0]  }
0x277: {  	v58 =	vadd.s32 v19, v23;
	v57 =	vor.u32 v35, v55;
	[tilespmem:v32+s2+$0x0] =	vst.idx.msk $0xffff, v54;
	v36 =	vld [tilespmem:s8+$0x10]  }
0x278: {  	v28 =	vadd.f32 v28, v5;
	v60 =	vadd.s32 v19, v39;
	v32 =	vor.u32 v25, v58;
	v59 =	vld [tilespmem:s8+$0xFFFFFF90]  }
0x279: {  	v21 =	vor.u32 v15, v21;
	v62 =	vor.u32 v9, v33;
	v19 =	vor.u32 v26, v60  }
0x27a: {  	v11 =	vadd.s32 v10, v11;
	v46 =	vadd.s32 v16, v12;
	v61 =	vadd.f32 v38, v7  }
0x27b: {  	v48 =	vor.u32 v8, v20;
	[tilespmem:v29+s2+$0x0] =	vst.idx.msk $0xffff, v28;
	v17 =	vadd.f32 v56, v7  }
0x27c: {  	v50 =	vor.u32 v9, v22;
	v63 =	vld [tilespmem:s9+$0x70];
	v38 =	vadd.f32 v36, v7;
	[tilespmem:v57+s2+$0x0] =	vst.idx.msk $0xffff, v61  }
0x27d: {  	v44 =	vadd.s32 v16, v39;
	v7 =	vadd.f32 v59, v7;
	[tilespmem:v32+s2+$0x0] =	vst.idx.msk $0xffff, v17;
	v28 =	vld [tilespmem:s8+$0x60]  }
0x27e: {  	v31 =	vadd.f32 v31, v5;
	v40 =	vadd.s32 v16, v37;
	[tilespmem:v19+s2+$0x0] =	vst.idx.msk $0xffff, v38;
	v17 =	vld [tilespmem:s8+$0xFFFFFFE0]  }
0x27f: {  	v41 =	vadd.s32 v16, v23;
	[tilespmem:v21+s2+$0x0] =	vst.idx.msk $0xffff, v7;
	v7 =	vor.u32 v35, v40;
	v42 =	vld [tilespmem:s8+$0x20]  }
0x280: {  	v30 =	vadd.f32 v30, v5;
	[tilespmem:v34+s2+$0x0] =	vst.idx.msk $0xffff, v31;
	v13 =	vor.u32 v25, v41;
	v43 =	vld [tilespmem:s8+$0xFFFFFFA0]  }
0x281: {  	v27 =	vadd.f32 v27, v5;
	v11 =	vor.u32 v14, v11;
	v31 =	vld [tilespmem:s9+$0xFFFFFFF0];
	v21 =	vor.u32 v26, v44  }
0x282: {  	[tilespmem:v62+s2+$0x0] =	vst.idx.msk $0xffff, v30;
	v16 =	vor.u32 v15, v46;
	v47 =	vadd.f32 v28, v5  }
0x283: {  	v60 =	vadd.s32 v10, v12;
	[tilespmem:v24+s2+$0x0] =	vst.idx.msk $0xffff, v27;
	v29 =	vld [tilespmem:s9+$0x30];
	v49 =	vadd.f32 v17, v5  }
0x284: {  	v27 =	vld [tilespmem:s9+$0xFFFFFFB0];
	v45 =	vadd.f32 v63, v6;
	[tilespmem:v7+s2+$0x0] =	vst.idx.msk $0xffff, v47;
	v7 =	vadd.f32 v42, v5  }
0x285: {  	v54 =	vadd.s32 v10, v37;
	v5 =	vadd.f32 v43, v5;
	[tilespmem:v13+s2+$0x0] =	vst.idx.msk $0xffff, v49;
	v52 =	vld [tilespmem:s8+$0x70]  }
0x286: {  	v58 =	vadd.s32 v10, v39;
	v51 =	vadd.f32 v31, v6;
	v55 =	vld [tilespmem:s8+$0xFFFFFFF0];
	[tilespmem:v21+s2+$0x0] =	vst.idx.msk $0xffff, v7  }
0x287: {  	v7 =	vadd.s32 v10, v23;
	[tilespmem:v16+s2+$0x0] =	vst.idx.msk $0xffff, v5;
	v5 =	vor.u32 v35, v54;
	v56 =	vld [tilespmem:s8+$0x30]  }
0x288: {  	[tilespmem:v11+s2+$0x0] =	vst.idx.msk $0xffff, v45;
	v53 =	vadd.f32 v29, v6;
	v59 =	vld [tilespmem:s8+$0xFFFFFFB0];
	v7 =	vor.u32 v25, v7  }
0x289: {  	[tilespmem:v48+s2+$0x0] =	vst.idx.msk $0xffff, v51;
	v57 =	vadd.f32 v27, v6;
	v61 =	vor.u32 v26, v58  }
0x28a: {  	v8 =	vor.u32 v15, v60;
	[tilespmem:v50+s2+$0x0] =	vst.idx.msk $0xffff, v53;
	v62 =	vadd.f32 v52, v6  }
0x28b: {  	[tilespmem:v18+s2+$0x0] =	vst.idx.msk $0xffff, v57;
	v63 =	vadd.f32 v55, v6  }
0x28c: {  	s18 =	sshll.u32 s12, $0x12;
	[tilespmem:v5+s2+$0x0] =	vst.idx.msk $0xffff, v62;
	v5 =	vadd.f32 v56, v6  }
0x28d: {  	s8 =	sor.u32 s5, s18;
	v6 =	vadd.f32 v59, v6;
	[tilespmem:v7+s2+$0x0] =	vst.idx.msk $0xffff, v63  }
0x28e: {  	s8 =	sshrl.u32 s8, $0x3;
	[tilespmem:v61+s2+$0x0] =	vst.idx.msk $0xffff, v5  }
0x28f: {  	s20 =	simm.s32 $0x14680;
	s9 =	sadd.s32 s3, s8;
	[tilespmem:v8+s2+$0x0] =	vst.idx.msk $0xffff, v6  }
0x290: {  	[hbm4b:s9+s4] =	stream.linear.scatter [tilespmem:s20], [sflag:$0xA], $0x80, $0x38;
	[tilespmem:$0x18E80] =	vst v63  }
0x291: {  	s12 =	simm.s32 $0x14710;
	s16 =	sadd.s32 $0x10, s9  }
0x292: {  	[hbm4b:s16+s4] =	stream.linear.scatter [tilespmem:s12], [sflag:$0xA], $0x80, $0x38;
	[tilespmem:$0x18E80] =	vst v63  }
0x293: {  	s18 =	simm.s32 $0x147A0;
	s20 =	sadd.s32 $0x20, s9  }
0x294: {  	[hbm4b:s20+s4] =	stream.linear.scatter [tilespmem:s18], [sflag:$0xA], $0x80, $0x38;
	[tilespmem:$0x18E80] =	vst v63  }
0x295: {  	s12 =	simm.s32 $0x14830;
	s16 =	sadd.s32 $0x30, s9  }
0x296: {  	[hbm4b:s16+s4] =	stream.linear.scatter [tilespmem:s12], [sflag:$0xA], $0x80, $0x38;
	[tilespmem:$0x18E80] =	vst v63  }
0x297: {  	s18 =	simm.s32 $0x148C0;
	s20 =	sadd.s32 $0x40, s9  }
0x298: {  	[hbm4b:s20+s4] =	stream.linear.scatter [tilespmem:s18], [sflag:$0xA], $0x80, $0x38;
	[tilespmem:$0x18E80] =	vst v63  }
0x299: {  	s8 =	simm.s32 $0x480;
	s12 =	simm.s32 $0x14950;
	s16 =	sadd.s32 $0x50, s9  }
0x29a: {  	[hbm4b:s16+s4] =	stream.linear.scatter [tilespmem:s12], [sflag:$0xA], $0x80, $0x38;
	[tilespmem:$0x18E80] =	vst v63  }
0x29b: {  	s18 =	simm.s32 $0x149E0;
	s20 =	sadd.s32 $0x60, s9;
	s12 =	simm.s32 $0x2400  }
0x29c: {  	[hbm4b:s20+s4] =	stream.linear.scatter [tilespmem:s18], [sflag:$0xA], $0x80, $0x38;
	[tilespmem:$0x18E80] =	vst v63  }
0x29d: {  	s16 =	simm.s32 $0x14A70;
	s18 =	sadd.s32 $0x70, s9;
	s9 =	sadd.s32 $0x1000, s9  }
.LBB2_30:
0x29e: {  	[hbm4b:s18+s4] =	stream.linear.scatter [tilespmem:s16], [sflag:$0xA], $0x80, $0x38;
	[tilespmem:$0x18E80] =	vst v63  }
0x29f: {  	s16 =	smov.u32 s8;
	s8 =	smov.u32 s12  }
0x2a0: {  	s20 =	sadd.s32 $0x1200, s12;
	s8 =	sshra.s32 s8, $0x2;
	s18 =	sadd.s32 $0x14680, s16  }
0x2a1: {  	[hbm4b:s9+s4] =	stream.linear.scatter [tilespmem:s18], [sflag:$0xA], $0x80, $0x38;
	[tilespmem:$0x18E80] =	vst v63  }
0x2a2: {  	p3 =	sne.s32 s12, $0x7E00;
	s12 =	sadd.s32 $0x14710, s16;
	s18 =	sadd.s32 $0x10, s9  }
0x2a3: {  	[hbm4b:s18+s4] =	stream.linear.scatter [tilespmem:s12], [sflag:$0xA], $0x80, $0x38;
	[tilespmem:$0x18E80] =	vst v63  }
0x2a4: {  	s12 =	sadd.s32 $0x147A0, s16;
	s18 =	sadd.s32 $0x20, s9  }
0x2a5: {  	[hbm4b:s18+s4] =	stream.linear.scatter [tilespmem:s12], [sflag:$0xA], $0x80, $0x38;
	[tilespmem:$0x18E80] =	vst v63  }
0x2a6: {  	s12 =	sadd.s32 $0x14830, s16;
	s18 =	sadd.s32 $0x30, s9  }
0x2a7: {  	[hbm4b:s18+s4] =	stream.linear.scatter [tilespmem:s12], [sflag:$0xA], $0x80, $0x38;
	[tilespmem:$0x18E80] =	vst v63  }
0x2a8: {  	s12 =	sadd.s32 $0x148C0, s16;
	s18 =	sadd.s32 $0x40, s9  }
0x2a9: {  	[hbm4b:s18+s4] =	stream.linear.scatter [tilespmem:s12], [sflag:$0xA], $0x80, $0x38;
	[tilespmem:$0x18E80] =	vst v63  }
.Ltmp14:
0x2aa: {  	s12 =	sadd.s32 $0x14950, s16;
	s18 =	sadd.s32 $0x50, s9;
	(pc) =	sbr.rel @p3 .LBB2_30-.Ltmp14, $4  }
0x2ab: {  	[hbm4b:s18+s4] =	stream.linear.scatter [tilespmem:s12], [sflag:$0xA], $0x80, $0x38;
	[tilespmem:$0x18E80] =	vst v63  }
0x2ac: {  	s12 =	sadd.s32 $0x149E0, s16;
	s18 =	sadd.s32 $0x60, s9;
	s16 =	sadd.s32 $0x14A70, s16  }
0x2ad: {  	[hbm4b:s18+s4] =	stream.linear.scatter [tilespmem:s12], [sflag:$0xA], $0x80, $0x38;
	[tilespmem:$0x18E80] =	vst v63  }
0x2ae: {  	s18 =	sadd.s32 $0x70, s9;
	s9 =	sadd.s32 $0x1000, s9;
	s12 =	smov.u32 s20  }
0x2af: {  	[hbm4b:s18+s4] =	stream.linear.scatter [tilespmem:s16], [sflag:$0xA], $0x80, $0x38;
	[tilespmem:$0x18E80] =	vst v63  }
0x2b0: {  	s12 =	sadd.s32 $0x14680, s8  }
0x2b1: {  	[hbm4b:s9+s4] =	stream.linear.scatter [tilespmem:s12], [sflag:$0xA], $0x80, $0x38;
	[tilespmem:$0x18E80] =	vst v63  }
0x2b2: {  	s18 =	sadd.s32 $0x14710, s8;
	s20 =	sadd.s32 $0x10, s9  }
0x2b3: {  	[hbm4b:s20+s4] =	stream.linear.scatter [tilespmem:s18], [sflag:$0xA], $0x80, $0x38;
	[tilespmem:$0x18E80] =	vst v63  }
0x2b4: {  	s18 =	sadd.s32 $0x147A0, s8;
	s20 =	sadd.s32 $0x20, s9  }
0x2b5: {  	[hbm4b:s20+s4] =	stream.linear.scatter [tilespmem:s18], [sflag:$0xA], $0x80, $0x38;
	[tilespmem:$0x18E80] =	vst v63  }
0x2b6: {  	s18 =	sadd.s32 $0x14830, s8;
	s20 =	sadd.s32 $0x30, s9  }
0x2b7: {  	[hbm4b:s20+s4] =	stream.linear.scatter [tilespmem:s18], [sflag:$0xA], $0x80, $0x38;
	[tilespmem:$0x18E80] =	vst v63  }
0x2b8: {  	s18 =	sadd.s32 $0x148C0, s8;
	s20 =	sadd.s32 $0x40, s9  }
0x2b9: {  	[hbm4b:s20+s4] =	stream.linear.scatter [tilespmem:s18], [sflag:$0xA], $0x80, $0x38;
	[tilespmem:$0x18E80] =	vst v63  }
0x2ba: {  	s18 =	sadd.s32 $0x14950, s8;
	s20 =	sadd.s32 $0x50, s9  }
0x2bb: {  	[hbm4b:s20+s4] =	stream.linear.scatter [tilespmem:s18], [sflag:$0xA], $0x80, $0x38;
	[tilespmem:$0x18E80] =	vst v63  }
0x2bc: {  	s18 =	sadd.s32 $0x149E0, s8;
	s20 =	sadd.s32 $0x60, s9  }
0x2bd: {  	[hbm4b:s20+s4] =	stream.linear.scatter [tilespmem:s18], [sflag:$0xA], $0x80, $0x38;
	[tilespmem:$0x18E80] =	vst v63  }
0x2be: {  	s18 =	sadd.s32 $0x14A70, s8;
	s8 =	sadd.s32 $0x7, s11  }
0x2bf: {  	s20 =	sadd.s32 $0x70, s9;
	s9 =	sand.u32 $0x7, s8  }
0x2c0: {  	p3 =	sne.s32 @!p1 s9, $0x0  }
0x2c1: {  	p3 =	por p1, p3  }
.Ltmp15:
0x2c2: {  	_ = 	snop;
	(pc) =	sbr.rel @p3 .LBB2_33-.Ltmp15, $2  }
0x2c3: {  	_ =	sdelay $0x2  }
0x2c4: {  	[hbm4b:s20+s4] =	stream.linear.scatter [tilespmem:s18], [sflag:$0xA], $0x80, $0x38;
	[tilespmem:$0x18E80] =	vst v63  }
0x2c5: {  	_ =	swait.ge [sflag:s13], $0x400  }
0x2c6: {  	[sflag:s13] =	ssyncset.done $0x0  }
0x2c7: {  	[sflag:s13] =	ssyncadd.s32 $0xFFFFFC00  }
.LBB2_34:
0x2c8: {  	s8 =	sshll.u32 s8, $0x7  }
0x2c9: {  	s8 =	sand.u32 $0x780, s8  }
0x2ca: {  	s9 =	simm.s32 $0x7A80;
	s8 =	sadd.s32 $0x3280, s8  }
0x2cb: {  	[tilespmem:s9], [sflag:$0x4] =	stream.indirect.gather [hbm4b:s6+s15], $0x40, s8, s15, $0xb8;
	[tilespmem:$0x18E80] =	vst v63  }
.LBB2_35:
0x2cc: {  	p3 =	sne.s32 @!p2 s21, $0x0  }
0x2cd: {  	p2 =	por p3, p2  }
0x2ce: {  	s8 =	sshrl.u32 @!p2 s19, $0x3  }
0x2cf: {  	s8 =	sadd.s32 @!p2 $0x1, s8  }
0x2d0: {  	_ =	swait.ge [sflag:s14], $0x2000;
	s9 =	sshll.u32 @!p2 s8, $0xF  }
0x2d1: {  	[sflag:s14] =	ssyncset.done $0x0;
	s8 =	sshll.u32 @!p2 s8, $0xA;
	s9 =	sor.u32 @!p2 s5, s9  }
0x2d2: {  	[sflag:s14] =	ssyncadd.s32 $0xFFFFE000;
	s8 =	sand.u32 @!p2 $0x400, s8;
	s9 =	sshrl.u32 @!p2 s9, $0x3  }
0x2d3: {  	s11 =	simm.s32 @!p2 $0x0;
	s8 =	sor.u32 @!p2 $0x3280, s8;
	s9 =	sadd.s32 @!p2 s1, s9  }
0x2d4: {  	[tilespmem:s8], [sflag:$0x1] =	stream.linear.gather @!p2 [hbm4b:s9+s11], $0x400, $0x38;
	[tilespmem:$0x18E80] =	vst v63  }
0x2d5: {  	s8 =	simm.s32 @!p0 $0xB  }
0x2d6: {  	_ =	swait.ge @!p0 [sflag:s8], $0x2000  }
0x2d7: {  	[sflag:s8] =	ssyncset.done @!p0 $0x0  }
0x2d8: {  	[sflag:s8] =	ssyncadd.s32 @!p0 $0xFFFFE000  }
0x2d9: {  	v5 =	vld [tilespmem:$0x3200]  }
0x2da: {  	v6 =	vld [tilespmem:$0x3240];
	_ =	sdelay $0x2  }
0x2db: {  	s18 =	sshll.u32 s19, $0x6;
	v8 =	vld [tilespmem:$0x3210]  }
0x2dc: {  	s20 =	sand.u32 $0x3FFFFFC0, s18;
	v9 =	vld [tilespmem:$0x3250]  }
0x2dd: {  	v13 =	vld [tilespmem:s20+$0x0];
	v10 =	vmul.u32 $0x480, v5;
	v6 =	vmul.u32 $0x90, v6  }
0x2de: {  	s16 =	simm.s32 $0x2;
	v7 =	vld [tilespmem:s20+$0x10]  }
0x2df: {  	s21 =	simm.s32 $0x0;
	s12 =	simm.s32 $0x3;
	v23 =	vmov s16;
	v12 =	vld [tilespmem:$0x3220];
	v17 =	vadd.s32 v10, v6  }
0x2e0: {  	s8 =	simm.s32 $0xBB00;
	v15 =	vld [tilespmem:$0x3230];
	v10 =	vmul.u32 $0x480, v8;
	v6 =	vmov s21;
	v8 =	vmov s12  }
0x2e1: {  	v20 =	vand.u32 $0x4, v6;
	v18 =	vand.u32 $0x78, v6;
	v6 =	vld [tilespmem:s8+$0x40];
	v11 =	vand.u32 $0x78, v8  }
0x2e2: {  	v19 =	vld [tilespmem:s8+$0xFFFFFF80];
	v16 =	vmul.u32 $0x90, v9;
	s12 =	simm.s32 $0x1;
	v14 =	vand.u32 $0x7, v8;
	v8 =	vadd.s32 v17, v11  }
0x2e3: {  	v21 =	vld [tilespmem:$0x3260];
	v9 =	vmov s12;
	v22 =	vadd.s32 v17, v18;
	v24 =	vor.u32 v14, v8  }
0x2e4: {  	v35 =	vand.u32 $0x78, v23;
	v25 =	vld [tilespmem:s8+$0xFFFFFFC0];
	v30 =	vand.u32 $0x78, v9;
	v22 =	vor.u32 v20, v22  }
0x2e5: {  	v27 =	vld [tilespmem:s8+$0x0];
	v28 =	vadd.s32 v17, v35;
	v26 =	vadd.s32 v17, v30;
	v8 =	vand.u32 $0x5, v9  }
0x2e6: {  	v29 =	vld [tilespmem:$0x3270];
	v9 =	vand.u32 $0x6, v23;
	v26 =	vor.u32 v8, v26;
	v23 =	vadd.f32 v6, v13  }
0x2e7: {  	v5 =	vld [tilespmem:s20+$0x20];
	v31 =	vadd.f32 v19, v13;
	v28 =	vor.u32 v9, v28  }
0x2e8: {  	v19 =	vadd.s32 v10, v16;
	v6 =	vld [tilespmem:s20+$0x30];
	[tilespmem:v24+s17+$0x0] =	vst.idx.msk $0xffff, v23  }
0x2e9: {  	v10 =	vmul.u32 $0x480, v12;
	v12 =	vmul.u32 $0x90, v21;
	v16 =	vadd.f32 v25, v13;
	[tilespmem:v22+s17+$0x0] =	vst.idx.msk $0xffff, v31;
	v21 =	vld [tilespmem:s8+$0x50]  }
0x2ea: {  	v15 =	vmul.u32 $0x480, v15;
	v23 =	vadd.f32 v27, v13;
	v24 =	vadd.s32 v19, v11;
	v22 =	vld [tilespmem:s8+$0xFFFFFF90]  }
0x2eb: {  	v25 =	vmul.u32 $0x90, v29;
	v27 =	vadd.s32 v19, v18;
	[tilespmem:v26+s17+$0x0] =	vst.idx.msk $0xffff, v16;
	v24 =	vor.u32 v14, v24  }
0x2ec: {  	v16 =	vadd.s32 v10, v12;
	v26 =	vor.u32 v20, v27;
	v27 =	vld [tilespmem:s8+$0xFFFFFFD0];
	[tilespmem:v28+s17+$0x0] =	vst.idx.msk $0xffff, v23  }
0x2ed: {  	s18 =	simm.s32 $0x4;
	v10 =	vadd.s32 v15, v25;
	v12 =	vadd.s32 v19, v30;
	v25 =	vadd.s32 v19, v35;
	v23 =	vld [tilespmem:s8+$0x10]  }
0x2ee: {  	v28 =	vmov s18;
	v29 =	vor.u32 v8, v12;
	v21 =	vadd.f32 v21, v7  }
0x2ef: {  	s20 =	simm.s32 $0x5;
	v33 =	vor.u32 v9, v25;
	v31 =	vadd.s32 v16, v18;
	v22 =	vadd.f32 v22, v7  }
0x2f0: {  	v18 =	vadd.s32 v10, v18;
	v25 =	vmov s20;
	v15 =	vand.u32 $0x4, v28;
	[tilespmem:v24+s17+$0x0] =	vst.idx.msk $0xffff, v21  }
0x2f1: {  	v12 =	vand.u32 $0x78, v28;
	v18 =	vor.u32 v20, v18;
	[tilespmem:v26+s17+$0x0] =	vst.idx.msk $0xffff, v22;
	v22 =	vadd.f32 v27, v7;
	v28 =	vld [tilespmem:s8+$0x60]  }
0x2f2: {  	s21 =	simm.s32 $0x6;
	v32 =	vadd.s32 v17, v12;
	v34 =	vadd.f32 v23, v7;
	v23 =	vadd.s32 v16, v11;
	v27 =	vld [tilespmem:s8+$0xFFFFFFA0]  }
0x2f3: {  	v21 =	vadd.s32 v19, v12;
	v26 =	vmov s21;
	[tilespmem:v29+s17+$0x0] =	vst.idx.msk $0xffff, v22;
	v29 =	vor.u32 v14, v23  }
0x2f4: {  	v24 =	vor.u32 v20, v31;
	v20 =	vadd.s32 v10, v30;
	v23 =	vand.u32 $0x78, v25;
	[tilespmem:v33+s17+$0x0] =	vst.idx.msk $0xffff, v34;
	v31 =	vld [tilespmem:s8+$0xFFFFFFE0]  }
0x2f5: {  	s11 =	simm.s32 $0x8;
	s9 =	simm.s32 $0xBB00;
	s12 =	simm.s32 $0x7;
	v34 =	vadd.s32 v16, v30;
	v33 =	vadd.s32 v16, v35;
	v22 =	vadd.s32 v10, v35;
	v30 =	vld [tilespmem:s8+$0x20]  }
.LBB2_36:
0x2f6: {  	p0 =	slt.u32 s11, $0x7C;
	v35 =	vmov s12;
	v34 =	vor.u32 v8, v34;
	v28 =	vadd.f32 v28, v5;
	s8 =	sadd.s32 $0x100, s8;
	v36 =	vmovc v23  }
0x2f7: {  	v33 =	vor.u32 v9, v33;
	v23 =	vld [tilespmem:s8+$0x40];
	v37 =	vand.u32 $0x78, v35;
	v27 =	vadd.f32 v27, v5  }
0x2f8: {  	v32 =	vor.u32 v15, v32;
	v35 =	vand.u32 $0x7, v35;
	v38 =	vld [tilespmem:s8+$0xFFFFFF80];
	v39 =	vadd.s32 v17, v37;
	[tilespmem:v29+s17+$0x0] =	vst.idx.msk $0xffff, v28  }
0x2f9: {  	v40 =	vand.u32 $0x78, v26;
	v28 =	vor.u32 v35, v39;
	[tilespmem:v24+s17+$0x0] =	vst.idx.msk $0xffff, v27;
	v24 =	vadd.f32 v31, v5;
	v27 =	vld [tilespmem:s9+$0x70]  }
0x2fa: {  	v31 =	vadd.s32 v17, v36;
	v39 =	vadd.s32 v10, v11;
	v11 =	vmovc v37;
	v29 =	vld [tilespmem:s8+$0xFFFFFFC0];
	v30 =	vadd.f32 v30, v5  }
0x2fb: {  	v25 =	vand.u32 $0x5, v25;
	v41 =	vadd.s32 v17, v40;
	v37 =	vld [tilespmem:s8+$0x0];
	[tilespmem:v34+s17+$0x0] =	vst.idx.msk $0xffff, v24;
	v24 =	vor.u32 v14, v39  }
0x2fc: {  	v26 =	vand.u32 $0x6, v26;
	v31 =	vor.u32 v25, v31;
	v23 =	vadd.f32 v23, v13;
	v34 =	vld [tilespmem:s9+$0xFFFFFFF0];
	[tilespmem:v33+s17+$0x0] =	vst.idx.msk $0xffff, v30  }
0x2fd: {  	v14 =	vmovc v35;
	v33 =	vor.u32 v15, v21;
	v21 =	vor.u32 v26, v41;
	v30 =	vadd.f32 v38, v13;
	v38 =	vld [tilespmem:s9+$0x30]  }
0x2fe: {  	v20 =	vor.u32 v8, v20;
	v8 =	vmov v25;
	[tilespmem:v28+s17+$0x0] =	vst.idx.msk $0xffff, v23;
	v23 =	vld [tilespmem:s9+$0xFFFFFFB0];
	v27 =	vadd.f32 v27, v6;
	s9 =	smov.u32 s8  }
0x2ff: {  	v22 =	vor.u32 v9, v22;
	v9 =	vmov v26;
	[tilespmem:v32+s17+$0x0] =	vst.idx.msk $0xffff, v30;
	v25 =	vadd.f32 v29, v13;
	v28 =	vld [tilespmem:s8+$0x50]  }
0x300: {  	v30 =	vadd.s32 v19, v11;
	v26 =	vld [tilespmem:s8+$0xFFFFFF90];
	v29 =	vadd.f32 v37, v13;
	[tilespmem:v24+s17+$0x0] =	vst.idx.msk $0xffff, v27  }
0x301: {  	v24 =	vor.u32 v14, v30;
	[tilespmem:v31+s17+$0x0] =	vst.idx.msk $0xffff, v25;
	v25 =	vadd.f32 v34, v6  }
0x302: {  	v30 =	vadd.s32 v19, v36;
	v27 =	vld [tilespmem:s8+$0xFFFFFFD0];
	[tilespmem:v21+s17+$0x0] =	vst.idx.msk $0xffff, v29;
	v21 =	vadd.f32 v38, v6  }
0x303: {  	v31 =	vadd.s32 v19, v40;
	v29 =	vld [tilespmem:s8+$0x10];
	v23 =	vadd.f32 v23, v6;
	[tilespmem:v20+s17+$0x0] =	vst.idx.msk $0xffff, v25  }
0x304: {  	v30 =	vor.u32 v8, v30;
	v20 =	vmov s11;
	v25 =	vadd.f32 v28, v7;
	[tilespmem:v22+s17+$0x0] =	vst.idx.msk $0xffff, v21  }
0x305: {  	v34 =	vor.u32 v9, v31;
	v35 =	vand.u32 $0x4, v20;
	v22 =	vadd.f32 v26, v7;
	[tilespmem:v18+s17+$0x0] =	vst.idx.msk $0xffff, v23  }
0x306: {  	s12 =	sadd.s32 $0x1, s11;
	v31 =	vadd.s32 v16, v12;
	v18 =	vadd.s32 v10, v12;
	v12 =	vand.u32 $0x78, v20;
	[tilespmem:v24+s17+$0x0] =	vst.idx.msk $0xffff, v25  }
.Ltmp16:
0x307: {  	v21 =	vadd.s32 v19, v12;
	v25 =	vmov s12;
	[tilespmem:v33+s17+$0x0] =	vst.idx.msk $0xffff, v22;
	v20 =	vadd.f32 v27, v7;
	v28 =	vld [tilespmem:s8+$0x60];
	(pc) =	sbr.rel @p0 .LBB2_36-.Ltmp16, $4  }
0x308: {  	v23 =	vadd.s32 v16, v11;
	v32 =	vadd.s32 v17, v12;
	s12 =	sadd.s32 $0x2, s11;
	v27 =	vld [tilespmem:s8+$0xFFFFFFA0];
	v22 =	vadd.f32 v29, v7  }
0x309: {  	v18 =	vor.u32 v15, v18;
	v26 =	vmov s12;
	v29 =	vor.u32 v14, v23;
	[tilespmem:v30+s17+$0x0] =	vst.idx.msk $0xffff, v20  }
0x30a: {  	v24 =	vor.u32 v15, v31;
	v23 =	vand.u32 $0x78, v25;
	v20 =	vadd.s32 v10, v36;
	v31 =	vld [tilespmem:s8+$0xFFFFFFE0];
	[tilespmem:v34+s17+$0x0] =	vst.idx.msk $0xffff, v22  }
0x30b: {  	v15 =	vmovc v35;
	s12 =	sadd.s32 $0x3, s11;
	s11 =	sadd.s32 $0x4, s11;
	v33 =	vadd.s32 v16, v40;
	v34 =	vadd.s32 v16, v36;
	v22 =	vadd.s32 v10, v40;
	v30 =	vld [tilespmem:s8+$0x20]  }
0x30c: {  	v35 =	vmov s12;
	s8 =	sadd.s32 $0x100, s8  }
0x30d: {  	v36 =	vld [tilespmem:s8+$0x40];
	v37 =	vand.u32 $0x78, v35  }
0x30e: {  	v39 =	vand.u32 $0x78, v26;
	v35 =	vand.u32 $0x7, v35;
	v40 =	vld [tilespmem:s8+$0xFFFFFFC0];
	v38 =	vadd.s32 v17, v37  }
0x30f: {  	v41 =	vadd.s32 v17, v23;
	v25 =	vand.u32 $0x5, v25;
	v42 =	vld [tilespmem:s8+$0x0];
	v38 =	vor.u32 v35, v38  }
0x310: {  	v26 =	vand.u32 $0x6, v26;
	v43 =	vld [tilespmem:s8+$0xFFFFFF80];
	v52 =	vadd.s32 v17, v39;
	v41 =	vor.u32 v25, v41  }
0x311: {  	v17 =	vor.u32 v26, v52  }
0x312: {  	v32 =	vor.u32 v15, v32;
	v36 =	vadd.f32 v36, v13  }
0x313: {  	v40 =	vadd.f32 v40, v13  }
0x314: {  	v53 =	vadd.f32 v42, v13;
	[tilespmem:v38+s17+$0x0] =	vst.idx.msk $0xffff, v36  }
0x315: {  	v54 =	vadd.f32 v43, v13;
	[tilespmem:v41+s17+$0x0] =	vst.idx.msk $0xffff, v40;
	v38 =	vld [tilespmem:s8+$0x50]  }
0x316: {  	v34 =	vor.u32 v8, v34;
	v55 =	vadd.s32 v19, v37;
	[tilespmem:v17+s17+$0x0] =	vst.idx.msk $0xffff, v53;
	v56 =	vld [tilespmem:s8+$0xFFFFFFD0]  }
0x317: {  	v58 =	vadd.s32 v19, v23;
	v57 =	vor.u32 v35, v55;
	[tilespmem:v32+s17+$0x0] =	vst.idx.msk $0xffff, v54;
	v36 =	vld [tilespmem:s8+$0x10]  }
0x318: {  	v28 =	vadd.f32 v28, v5;
	v60 =	vadd.s32 v19, v39;
	v32 =	vor.u32 v25, v58;
	v59 =	vld [tilespmem:s8+$0xFFFFFF90]  }
0x319: {  	v21 =	vor.u32 v15, v21;
	v62 =	vor.u32 v9, v33;
	v19 =	vor.u32 v26, v60  }
0x31a: {  	v11 =	vadd.s32 v10, v11;
	v46 =	vadd.s32 v16, v12;
	v61 =	vadd.f32 v38, v7  }
0x31b: {  	v48 =	vor.u32 v8, v20;
	[tilespmem:v29+s17+$0x0] =	vst.idx.msk $0xffff, v28;
	v17 =	vadd.f32 v56, v7  }
0x31c: {  	v50 =	vor.u32 v9, v22;
	v63 =	vld [tilespmem:s9+$0x70];
	v38 =	vadd.f32 v36, v7;
	[tilespmem:v57+s17+$0x0] =	vst.idx.msk $0xffff, v61  }
0x31d: {  	v44 =	vadd.s32 v16, v39;
	v7 =	vadd.f32 v59, v7;
	[tilespmem:v32+s17+$0x0] =	vst.idx.msk $0xffff, v17;
	v28 =	vld [tilespmem:s8+$0x60]  }
0x31e: {  	v31 =	vadd.f32 v31, v5;
	v40 =	vadd.s32 v16, v37;
	[tilespmem:v19+s17+$0x0] =	vst.idx.msk $0xffff, v38;
	v17 =	vld [tilespmem:s8+$0xFFFFFFE0]  }
0x31f: {  	v41 =	vadd.s32 v16, v23;
	[tilespmem:v21+s17+$0x0] =	vst.idx.msk $0xffff, v7;
	v7 =	vor.u32 v35, v40;
	v42 =	vld [tilespmem:s8+$0x20]  }
0x320: {  	v30 =	vadd.f32 v30, v5;
	[tilespmem:v34+s17+$0x0] =	vst.idx.msk $0xffff, v31;
	v13 =	vor.u32 v25, v41;
	v43 =	vld [tilespmem:s8+$0xFFFFFFA0]  }
0x321: {  	v27 =	vadd.f32 v27, v5;
	v11 =	vor.u32 v14, v11;
	v31 =	vld [tilespmem:s9+$0xFFFFFFF0];
	v21 =	vor.u32 v26, v44  }
0x322: {  	[tilespmem:v62+s17+$0x0] =	vst.idx.msk $0xffff, v30;
	v16 =	vor.u32 v15, v46;
	v47 =	vadd.f32 v28, v5  }
0x323: {  	v60 =	vadd.s32 v10, v12;
	[tilespmem:v24+s17+$0x0] =	vst.idx.msk $0xffff, v27;
	v29 =	vld [tilespmem:s9+$0x30];
	v49 =	vadd.f32 v17, v5  }
0x324: {  	v27 =	vld [tilespmem:s9+$0xFFFFFFB0];
	v45 =	vadd.f32 v63, v6;
	[tilespmem:v7+s17+$0x0] =	vst.idx.msk $0xffff, v47;
	v7 =	vadd.f32 v42, v5  }
0x325: {  	v54 =	vadd.s32 v10, v37;
	v5 =	vadd.f32 v43, v5;
	[tilespmem:v13+s17+$0x0] =	vst.idx.msk $0xffff, v49;
	v52 =	vld [tilespmem:s8+$0x70]  }
0x326: {  	v58 =	vadd.s32 v10, v39;
	v51 =	vadd.f32 v31, v6;
	v55 =	vld [tilespmem:s8+$0xFFFFFFF0];
	[tilespmem:v21+s17+$0x0] =	vst.idx.msk $0xffff, v7  }
0x327: {  	v7 =	vadd.s32 v10, v23;
	[tilespmem:v16+s17+$0x0] =	vst.idx.msk $0xffff, v5;
	v5 =	vor.u32 v35, v54;
	v56 =	vld [tilespmem:s8+$0x30]  }
0x328: {  	[tilespmem:v11+s17+$0x0] =	vst.idx.msk $0xffff, v45;
	v53 =	vadd.f32 v29, v6;
	v59 =	vld [tilespmem:s8+$0xFFFFFFB0];
	v7 =	vor.u32 v25, v7  }
0x329: {  	[tilespmem:v48+s17+$0x0] =	vst.idx.msk $0xffff, v51;
	v57 =	vadd.f32 v27, v6;
	v61 =	vor.u32 v26, v58  }
0x32a: {  	v8 =	vor.u32 v15, v60;
	[tilespmem:v50+s17+$0x0] =	vst.idx.msk $0xffff, v53;
	v62 =	vadd.f32 v52, v6  }
0x32b: {  	[tilespmem:v18+s17+$0x0] =	vst.idx.msk $0xffff, v57;
	v63 =	vadd.f32 v55, v6  }
0x32c: {  	s11 =	sshll.u32 s19, $0x12;
	[tilespmem:v5+s17+$0x0] =	vst.idx.msk $0xffff, v62;
	v5 =	vadd.f32 v56, v6  }
0x32d: {  	s8 =	sor.u32 s5, s11;
	v6 =	vadd.f32 v59, v6;
	[tilespmem:v7+s17+$0x0] =	vst.idx.msk $0xffff, v63  }
0x32e: {  	s8 =	sshrl.u32 s8, $0x3;
	[tilespmem:v61+s17+$0x0] =	vst.idx.msk $0xffff, v5  }
0x32f: {  	s12 =	simm.s32 $0x16A80;
	s9 =	sadd.s32 s3, s8;
	[tilespmem:v8+s17+$0x0] =	vst.idx.msk $0xffff, v6  }
0x330: {  	[hbm4b:s9+s4] =	stream.linear.scatter [tilespmem:s12], [sflag:$0xB], $0x80, $0x38;
	[tilespmem:$0x18E80] =	vst v63  }
0x331: {  	s16 =	simm.s32 $0x16B10;
	s11 =	sadd.s32 $0x10, s9  }
0x332: {  	[hbm4b:s11+s4] =	stream.linear.scatter [tilespmem:s16], [sflag:$0xB], $0x80, $0x38;
	[tilespmem:$0x18E80] =	vst v63  }
0x333: {  	s18 =	simm.s32 $0x16BA0;
	s20 =	simm.s32 $0x16C30;
	s19 =	sadd.s32 $0x20, s9  }
0x334: {  	[hbm4b:s19+s4] =	stream.linear.scatter [tilespmem:s18], [sflag:$0xB], $0x80, $0x38;
	[tilespmem:$0x18E80] =	vst v63  }
0x335: {  	s8 =	simm.s32 $0x480;
	s21 =	sadd.s32 $0x30, s9;
	s12 =	simm.s32 $0x16CC0  }
0x336: {  	[hbm4b:s21+s4] =	stream.linear.scatter [tilespmem:s20], [sflag:$0xB], $0x80, $0x38;
	[tilespmem:$0x18E80] =	vst v63  }
0x337: {  	s16 =	sadd.s32 $0x40, s9;
	s11 =	simm.s32 $0x2400;
	s18 =	simm.s32 $0x16D50  }
0x338: {  	[hbm4b:s16+s4] =	stream.linear.scatter [tilespmem:s12], [sflag:$0xB], $0x80, $0x38;
	[tilespmem:$0x18E80] =	vst v63  }
0x339: {  	s19 =	sadd.s32 $0x50, s9;
	s20 =	simm.s32 $0x16DE0;
	s21 =	sadd.s32 $0x60, s9  }
0x33a: {  	[hbm4b:s19+s4] =	stream.linear.scatter [tilespmem:s18], [sflag:$0xB], $0x80, $0x38;
	[tilespmem:$0x18E80] =	vst v63  }
0x33b: {  	s12 =	simm.s32 $0x16E70;
	s16 =	sadd.s32 $0x70, s9;
	s9 =	sadd.s32 $0x1000, s9  }
0x33c: {  	[hbm4b:s21+s4] =	stream.linear.scatter [tilespmem:s20], [sflag:$0xB], $0x80, $0x38;
	[tilespmem:$0x18E80] =	vst v63  }
.LBB2_38:
0x33d: {  	[hbm4b:s16+s4] =	stream.linear.scatter [tilespmem:s12], [sflag:$0xB], $0x80, $0x38;
	[tilespmem:$0x18E80] =	vst v63  }
0x33e: {  	s12 =	smov.u32 s8;
	s8 =	smov.u32 s11  }
0x33f: {  	s18 =	sadd.s32 $0x1200, s11;
	s8 =	sshra.s32 s8, $0x2;
	s16 =	sadd.s32 $0x16A80, s12  }
0x340: {  	[hbm4b:s9+s4] =	stream.linear.scatter [tilespmem:s16], [sflag:$0xB], $0x80, $0x38;
	[tilespmem:$0x18E80] =	vst v63  }
0x341: {  	p0 =	sne.s32 s11, $0x7E00;
	s11 =	sadd.s32 $0x16B10, s12;
	s16 =	sadd.s32 $0x10, s9  }
0x342: {  	[hbm4b:s16+s4] =	stream.linear.scatter [tilespmem:s11], [sflag:$0xB], $0x80, $0x38;
	[tilespmem:$0x18E80] =	vst v63  }
0x343: {  	s11 =	sadd.s32 $0x16BA0, s12;
	s16 =	sadd.s32 $0x20, s9  }
0x344: {  	[hbm4b:s16+s4] =	stream.linear.scatter [tilespmem:s11], [sflag:$0xB], $0x80, $0x38;
	[tilespmem:$0x18E80] =	vst v63  }
0x345: {  	s11 =	sadd.s32 $0x16C30, s12;
	s16 =	sadd.s32 $0x30, s9  }
0x346: {  	[hbm4b:s16+s4] =	stream.linear.scatter [tilespmem:s11], [sflag:$0xB], $0x80, $0x38;
	[tilespmem:$0x18E80] =	vst v63  }
0x347: {  	s11 =	sadd.s32 $0x16CC0, s12;
	s16 =	sadd.s32 $0x40, s9  }
0x348: {  	[hbm4b:s16+s4] =	stream.linear.scatter [tilespmem:s11], [sflag:$0xB], $0x80, $0x38;
	[tilespmem:$0x18E80] =	vst v63  }
.Ltmp17:
0x349: {  	s11 =	sadd.s32 $0x16D50, s12;
	s16 =	sadd.s32 $0x50, s9;
	(pc) =	sbr.rel @p0 .LBB2_38-.Ltmp17, $4  }
0x34a: {  	[hbm4b:s16+s4] =	stream.linear.scatter [tilespmem:s11], [sflag:$0xB], $0x80, $0x38;
	[tilespmem:$0x18E80] =	vst v63  }
0x34b: {  	s11 =	sadd.s32 $0x16DE0, s12;
	s16 =	sadd.s32 $0x60, s9;
	s12 =	sadd.s32 $0x16E70, s12  }
0x34c: {  	[hbm4b:s16+s4] =	stream.linear.scatter [tilespmem:s11], [sflag:$0xB], $0x80, $0x38;
	[tilespmem:$0x18E80] =	vst v63  }
0x34d: {  	s16 =	sadd.s32 $0x70, s9;
	s9 =	sadd.s32 $0x1000, s9;
	s11 =	smov.u32 s18  }
0x34e: {  	[hbm4b:s16+s4] =	stream.linear.scatter [tilespmem:s12], [sflag:$0xB], $0x80, $0x38;
	[tilespmem:$0x18E80] =	vst v63  }
0x34f: {  	s11 =	sadd.s32 $0x16A80, s8  }
0x350: {  	[hbm4b:s9+s4] =	stream.linear.scatter [tilespmem:s11], [sflag:$0xB], $0x80, $0x38;
	[tilespmem:$0x18E80] =	vst v63  }
0x351: {  	s20 =	sadd.s32 $0x16B10, s8;
	s21 =	sadd.s32 $0x10, s9  }
0x352: {  	[hbm4b:s21+s4] =	stream.linear.scatter [tilespmem:s20], [sflag:$0xB], $0x80, $0x38;
	[tilespmem:$0x18E80] =	vst v63  }
0x353: {  	s12 =	sadd.s32 $0x16BA0, s8;
	s16 =	sadd.s32 $0x20, s9  }
0x354: {  	[hbm4b:s16+s4] =	stream.linear.scatter [tilespmem:s12], [sflag:$0xB], $0x80, $0x38;
	[tilespmem:$0x18E80] =	vst v63  }
0x355: {  	s18 =	sadd.s32 $0x16C30, s8;
	s19 =	sadd.s32 $0x30, s9  }
0x356: {  	[hbm4b:s19+s4] =	stream.linear.scatter [tilespmem:s18], [sflag:$0xB], $0x80, $0x38;
	[tilespmem:$0x18E80] =	vst v63  }
0x357: {  	s20 =	sadd.s32 $0x16CC0, s8;
	s21 =	sadd.s32 $0x40, s9  }
0x358: {  	[hbm4b:s21+s4] =	stream.linear.scatter [tilespmem:s20], [sflag:$0xB], $0x80, $0x38;
	[tilespmem:$0x18E80] =	vst v63  }
0x359: {  	p0 =	sne.s32 s7, $0x0;
	s12 =	sadd.s32 $0x16D50, s8;
	s16 =	sadd.s32 $0x50, s9  }
0x35a: {  	[hbm4b:s16+s4] =	stream.linear.scatter [tilespmem:s12], [sflag:$0xB], $0x80, $0x38;
	[tilespmem:$0x18E80] =	vst v63  }
0x35b: {  	s7 =	simm.s32 @!p0 $0x1;
	s18 =	sadd.s32 $0x16DE0, s8;
	s19 =	sadd.s32 $0x60, s9  }
0x35c: {  	[hbm4b:s19+s4] =	stream.linear.scatter [tilespmem:s18], [sflag:$0xB], $0x80, $0x38;
	[tilespmem:$0x18E80] =	vst v63  }
.Ltmp18:
0x35d: {  	s20 =	sadd.s32 $0x16E70, s8;
	s21 =	sadd.s32 $0x70, s9;
	(pc) =	sbr.rel @p1 .LBB2_41-.Ltmp18, $4  }
0x35e: {  	[hbm4b:s21+s4] =	stream.linear.scatter [tilespmem:s20], [sflag:$0xB], $0x80, $0x38;
	[tilespmem:$0x18E80] =	vst v63  }
0x35f: {  	_ =	swait.ge @!p0 [sflag:s7], $0x400  }
0x360: {  	[sflag:s7] =	ssyncset.done @!p0 $0x0  }
0x361: {  	[sflag:s7] =	ssyncadd.s32 @!p0 $0xFFFFFC00  }
0x362: {  	s7 =	smul.u32 $0x280, s10  }
.Ltmp19:
0x363: {  	_ = 	snop;
	(pc) =	sbr.rel .LBB2_2-.Ltmp19, $4  }
0x364: {  	s7 =	sand.u32 $0x780, s7  }
0x365: {  	s7 =	sxor.u32 $0x400, s7  }
0x366: {  	s10 =	sadd.s32 $0x1, s10;
	s7 =	sadd.s32 $0x3280, s7  }
0x367: {  	[tilespmem:s22], [sflag:$0x5] =	stream.indirect.gather [hbm4b:s6+s15], $0x40, s7, s15, $0xb8;
	[tilespmem:$0x18E80] =	vst v63  }
.LBB2_17:
.Ltmp20:
0x368: {  	(pc) =	sbr.rel @p1 .LBB2_19-.Ltmp20, $4  }
.Ltmp21:
0x369: {  	(pc) =	sbr.rel @!p1 .LBB2_18-.Ltmp21, $4  }
0x36a: {  	_ = 	snop  }
0x36b: {  	_ = 	snop  }
0x36c: {  	_ = 	snop  }
0x36d: {  	_ = 	snop  }
.LBB2_25:
.Ltmp22:
0x36e: {  	(pc) =	sbr.rel @p1 .LBB2_27-.Ltmp22, $4  }
.Ltmp23:
0x36f: {  	(pc) =	sbr.rel @!p1 .LBB2_26-.Ltmp23, $4  }
0x370: {  	_ = 	snop  }
0x371: {  	_ = 	snop  }
0x372: {  	_ = 	snop  }
0x373: {  	_ = 	snop  }
.LBB2_33:
.Ltmp24:
0x374: {  	(pc) =	sbr.rel @p1 .LBB2_35-.Ltmp24, $4  }
.Ltmp25:
0x375: {  	(pc) =	sbr.rel @!p1 .LBB2_34-.Ltmp25, $4  }
0x376: {  	_ = 	snop  }
0x377: {  	_ = 	snop  }
0x378: {  	_ = 	snop  }
0x379: {  	_ = 	snop  }
.LBB2_6:
.Ltmp26:
0x37a: {  	(pc) =	sbr.rel .LBB2_7-.Ltmp26, $2  }
0x37b: {  	_ =	sdelay $0x2  }
0x37c: {  	p0 =	por $0x1, $0x1  }
.LBB2_42:
0x37d: {  	_ =	sfence.sel $0x180000  }
0x37e: {  	[bflag:$0x0] =	sbarrier.arrive $0xFFFF  }
0x37f: {  	_ =	strace $0x90000047  }
0x380: {  	s0 =	stileid.u32;
	[bflag:$0x2] =	sbarrier.arrive $0xFFFF  }
0x381: {  	p0 =	sne.s32 s0, $0x0;
	s0 =	rddreg [dreg:$0x3]  }
0x382: {  	s0 =	sadd.s32 @!p0 $0x100000, s0  }
0x383: {  	[sflag:s0] =	ssyncadd.tile.s32 @!p0 $0x1;
	_ =	shalt  }
.Lfunc_end2:
_tile_overlayer_lowered:
.L_overlay_start_2:
0x384: {  	(tag) =	ssettag $0x2  }
0x385: {  	s0 =	rddreg [dreg:$0x0];
	s2 =	stileid.u32  }
0x386: {  	s1 =	rddreg [dreg:$0x1];
	p0 =	sne.s32 s2, $0x0  }
0x387: {  	s3 =	rddreg [dreg:$0x2];
	[bflag:$0x3] =	sbarrier.arrive $0xFFFF;
	s2 =	simm.s32 @!p0 $0x1C0C  }
0x388: {  	[timem:s3], [sflag:s2] =	dma.local @!p0 [hbm:s0], s1  }
0x389: {  	s0 =	simm.s32 @!p0 $0xC  }
0x38a: {  	_ =	swait.ge @!p0 [sflag:s0], s1  }
0x38b: {  	s1 =	ssub.s32 @!p0 $0x0, s1;
	[sflag:s0] =	ssyncset.done @!p0 $0x0  }
0x38c: {  	[sflag:s0] =	ssyncadd.s32 @!p0 s1  }
0x38d: {  	[bflag:$0x3] =	sbarrier.arrive $0xFFFF  }
0x38e: {  	_ =	shalt  }

</sc_bundles>
